<compile_context>
chip_gen: v7x
topology: tpu7x:2x2x1
jax: 0.10.2.dev20260603
libtpu: 0.0.44.dev20260713+nightly
codegen_flags: <defaults>
</compile_context>

<pallas_src>
import functools

import jax
import jax.numpy as jnp
from jax import lax
from jax.experimental import pallas as pl
from jax.experimental.pallas import tpu as pltpu
from jax.experimental.pallas import tpu_sc as plsc

N = 10000
NP = 10240
E = 320000
D = 128
G = 64

NC = 2
NS = 16
CH = 40
EPT = E // (NC * NS)
NCHUNK = EPT // CH
RPT = NP // NS
BLK = 512
NBLK = NP // BLK


NBUF = 5
NGRP = NCHUNK // NBUF


def _spmm_body(y_hbm, src_hbm, dst_hbm, out_hbm, acc, src_all, *bufs):
    dsts = bufs[0:NBUF]
    rows = bufs[NBUF:2 * NBUF]
    gsem = bufs[2 * NBUF:3 * NBUF]
    ssem = bufs[3 * NBUF:4 * NBUF]
    dsem = bufs[4 * NBUF:5 * NBUF]
    c = lax.axis_index("c")
    s = lax.axis_index("s")
    wid = c * NS + s
    e0 = c * (E // NC) + s * EPT

    pltpu.sync_copy(src_hbm.at[wid], src_all)

    def gather(b, chunk):
        off = pl.multiple_of(chunk * CH, 8)
        pltpu.async_copy(dst_hbm.at[pl.ds(e0 + off, CH)], dsts[b], dsem[b])
        pltpu.async_copy(y_hbm.at[src_all.at[pl.ds(off, CH)]], rows[b],
                         gsem[b])

    for b in range(1, NBUF):
        gather(b, b)

    def zrow(r, carry):
        for j in range(8):
            rows[0][r, pl.ds(j * 16, 16)] = jnp.zeros((16,), jnp.float32)
        return carry

    lax.fori_loop(0, CH, zrow, 0)
    base_r = s * RPT

    def zacc(k, carry):
        pltpu.async_copy(rows[0], acc.at[pl.ds(base_r + k * CH, CH)], ssem[0])
        return carry

    lax.fori_loop(0, RPT // CH, zacc, 0)

    def zwait(k, carry):
        pltpu.make_async_copy(rows[0], acc.at[pl.ds(base_r + k * CH, CH)],
                              ssem[0]).wait()
        return carry

    lax.fori_loop(0, RPT // CH, zwait, 0)
    gather(0, 0)
    plsc.subcore_barrier()

    def group(t, carry):
        for b in range(NBUF):
            chunk = NBUF * t + b
            off = pl.multiple_of(chunk * CH, 8)
            pltpu.make_async_copy(dst_hbm.at[pl.ds(e0 + off, CH)], dsts[b],
                                  dsem[b]).wait()
            pltpu.make_async_copy(y_hbm.at[src_all.at[pl.ds(off, CH)]],
                                  rows[b], gsem[b]).wait()
            pltpu.async_copy(rows[b], acc.at[dsts[b]], ssem[b], add=True)
        for b in range(NBUF):
            pltpu.make_async_copy(rows[b], acc.at[dsts[b]], ssem[b]).wait()

            @pl.when(t < NGRP - 1)
            def _prefetch():
                gather(b, NBUF * (t + 1) + b)

        return carry

    lax.fori_loop(0, NGRP, group, 0)
    plsc.subcore_barrier()
    pltpu.sync_copy(acc.at[pl.ds(base_r, RPT)], out_hbm.at[c, pl.ds(base_r, RPT)])


_spmm = functools.partial(
    pl.kernel,
    mesh=plsc.VectorSubcoreMesh(core_axis_name="c", subcore_axis_name="s"),
    out_type=jax.ShapeDtypeStruct((NC, NP, D), jnp.float32),
    scratch_types=(
        [pltpu.VMEM_SHARED((NP, D), jnp.float32),
         pltpu.VMEM((EPT,), jnp.int32)]
        + [pltpu.VMEM((CH,), jnp.int32)] * NBUF
        + [pltpu.VMEM((CH, D), jnp.float32)] * NBUF
        + [pltpu.SemaphoreType.DMA] * (3 * NBUF)
    ),
)(_spmm_body)


def _layer_body(relu, p0_ref, p1_ref, h_ref, wr_ref, wo_ref, b_ref, o_ref):
    agg = p0_ref[...] + p1_ref[...]
    z = (jnp.dot(agg, wr_ref[...], preferred_element_type=jnp.float32)
         + jnp.dot(h_ref[...], wo_ref[...], preferred_element_type=jnp.float32)
         + b_ref[...])
    o_ref[...] = jnp.maximum(z, 0.0) if relu else z


_row_spec = pl.BlockSpec((BLK, D), lambda i: (i, 0))
_w_spec = pl.BlockSpec((D, D), lambda i: (0, 0))
_b_spec = pl.BlockSpec((1, D), lambda i: (0, 0))


def _layer(pp, h, wr, wo, b, relu):
    return pl.pallas_call(
        functools.partial(_layer_body, relu),
        grid=(NBLK,),
        in_specs=[_row_spec, _row_spec, _row_spec, _w_spec, _w_spec, _b_spec],
        out_specs=_row_spec,
        out_shape=jax.ShapeDtypeStruct((NP, D), jnp.float32),
    )(pp[0], pp[1], h, wr, wo, b)


def _head_body(p0_ref, p1_ref, hp_ref, w3r_ref, w3o_ref, b3l_ref,
               bat_ref, bats_ref, t_ref, w1a_ref, w1b_ref,
               w1c_ref, w1d_ref, b1_ref, w2_ref, b2_ref, w3_ref, b3_ref,
               out_ref, max_acc, sum_acc, cnt_acc):
    i = pl.program_id(0)

    @pl.when(i == 0)
    def _init():
        max_acc[...] = jnp.full((G, D), -jnp.inf, jnp.float32)
        sum_acc[...] = jnp.zeros((G, D), jnp.float32)
        cnt_acc[...] = jnp.zeros((G, D), jnp.float32)

    agg = p0_ref[...] + p1_ref[...]
    h = (jnp.dot(agg, w3r_ref[...], preferred_element_type=jnp.float32)
         + jnp.dot(hp_ref[...], w3o_ref[...], preferred_element_type=jnp.float32)
         + b3l_ref[...])
    bat = bat_ref[...]
    gids = lax.broadcasted_iota(jnp.int32, (BLK, G), 1)
    mask = (bat == gids).astype(jnp.float32)
    dn = (((0,), (0,)), ((), ()))
    sum_acc[...] = sum_acc[...] + lax.dot_general(
        mask, h, dn, preferred_element_type=jnp.float32,
        precision=lax.Precision.HIGHEST)
    cnt_acc[...] = cnt_acc[...] + lax.dot_general(
        mask, jnp.ones((BLK, D), jnp.float32), dn,
        preferred_element_type=jnp.float32, precision=lax.Precision.HIGHEST)
    lo = bats_ref[0, 0]
    hi = jnp.minimum(bats_ref[BLK - 1, 0], G - 1)

    def gmax(g, carry):
        sel = jnp.where(bat == g, h, -jnp.inf)
        m = jnp.max(sel, axis=0, keepdims=True)
        max_acc[pl.ds(g, 1), :] = jnp.maximum(max_acc[pl.ds(g, 1), :], m)
        return carry

    lax.fori_loop(lo, hi + 1, gmax, 0)

    @pl.when(i == pl.num_programs(0) - 1)
    def _finish():
        maxp = max_acc[...]
        sump = sum_acc[...]
        meanp = sump / jnp.maximum(cnt_acc[...], 1.0)
        z = (jnp.dot(maxp, w1a_ref[...], preferred_element_type=jnp.float32)
             + jnp.dot(meanp, w1b_ref[...], preferred_element_type=jnp.float32)
             + jnp.dot(sump, w1c_ref[...], preferred_element_type=jnp.float32)
             + t_ref[...] * w1d_ref[...] + b1_ref[...])
        z = jnp.maximum(z, 0.0)
        z = jnp.maximum(
            jnp.dot(z, w2_ref[...], preferred_element_type=jnp.float32)
            + b2_ref[...], 0.0)
        out_ref[...] = (jnp.dot(z, w3_ref[...], preferred_element_type=jnp.float32)
                        + b3_ref[...])


def _head(pp, hp, w3r, w3o, b3l, batp, T, w1a, w1b, w1c, w1d, b1, w2, b2, w3, b3):
    full = lambda shape: pl.BlockSpec(shape, lambda i: tuple(0 for _ in shape))
    return pl.pallas_call(
        _head_body,
        grid=(NBLK,),
        in_specs=[_row_spec, _row_spec, _row_spec,
                  full((D, D)), full((D, D)), full((1, D)),
                  pl.BlockSpec((BLK, 1), lambda i: (i, 0)),
                  pl.BlockSpec((BLK, 1), lambda i: (i, 0),
                               memory_space=pltpu.SMEM),
                  full((G, 1)), full((D, D)), full((D, D)), full((D, D)),
                  full((1, D)), full((1, D)), full((D, D)), full((1, D)),
                  full((D, 1)), full((1, 1))],
        out_specs=full((G, 1)),
        out_shape=jax.ShapeDtypeStruct((G, 1), jnp.float32),
        scratch_shapes=[pltpu.VMEM((G, D), jnp.float32)] * 3,
    )(pp[0], pp[1], hp, w3r, w3o, b3l, batp, batp, T, w1a, w1b, w1c, w1d, b1, w2, b2, w3, b3)


def kernel(x, edge_index, batch, T, W1_rel, W1_root, b1, W2_rel, W2_root, b2,
           W3_rel, W3_root, b3, lin1_W, lin1_b, lin2_W, lin2_b, lin3_W, lin3_b):
    xp = jnp.pad(x, ((0, NP - N), (0, 0)))
    src = edge_index[0].reshape(NC * NS, EPT)
    dst = edge_index[1]
    batp = jnp.pad(batch, (0, NP - N), constant_values=G).reshape(NP, 1)

    pp = _spmm(xp, src, dst)
    h = _layer(pp, xp, W1_rel, W1_root, b1.reshape(1, D), relu=True)
    pp = _spmm(h, src, dst)
    h = _layer(pp, h, W2_rel, W2_root, b2.reshape(1, D), relu=True)
    pp = _spmm(h, src, dst)

    return _head(pp, h, W3_rel, W3_root, b3.reshape(1, D), batp, T,
                 lin1_W[0:D], lin1_W[D:2 * D], lin1_W[2 * D:3 * D],
                 lin1_W[3 * D:].reshape(1, D), lin1_b.reshape(1, D),
                 lin2_W, lin2_b.reshape(1, D), lin3_W, lin3_b.reshape(1, 1))

# --- scband reference (transcript-rebuilt; emitter-appended) ---
"""Pipeline reference for scband-gcn-21251498181438 (READ-ONLY COPY).

The authoritative reference and input builder live on the scoring server;
editing this copy changes nothing except your own understanding.
"""

import jax, jax.numpy as jnp
import numpy as np

N = 10000
E = 320000
D = 128
H = 128
HL = 128
G = 64


def _glorot(key, shape):
    fan_in, fan_out = shape[0], shape[1]
    lim = float(np.sqrt(6.0 / (fan_in + fan_out)))
    return jax.random.uniform(key, shape, jnp.float32, -lim, lim)


def setup_inputs(seed: int = 0) -> dict:
    key = jax.random.key(seed)
    ks = jax.random.split(key, 24)
    inp = {}
    inp["x"] = jax.random.normal(ks[0], (N, D), jnp.float32)
    inp["edge_index"] = jax.random.randint(ks[1], (2, E), 0, N, jnp.int32)
    inp["batch"] = jnp.sort(jax.random.randint(ks[2], (N,), 0, G, jnp.int32))
    inp["T"] = jax.random.normal(ks[3], (G, 1), jnp.float32)
    # GraphConv params: out = aggr(x_j) @ W_rel + x_i @ W_root + b
    inp["W1_rel"] = _glorot(ks[4], (D, H)); inp["W1_root"] = _glorot(ks[5], (D, H)); inp["b1"] = jnp.zeros((H,), jnp.float32)
    inp["W2_rel"] = _glorot(ks[6], (H, H)); inp["W2_root"] = _glorot(ks[7], (H, H)); inp["b2"] = jnp.zeros((H,), jnp.float32)
    inp["W3_rel"] = _glorot(ks[8], (H, H)); inp["W3_root"] = _glorot(ks[9], (H, H)); inp["b3"] = jnp.zeros((H,), jnp.float32)
    inp["lin1_W"] = _glorot(ks[10], (3 * H + 1, HL)); inp["lin1_b"] = jnp.zeros((HL,), jnp.float32)
    inp["lin2_W"] = _glorot(ks[11], (HL, HL)); inp["lin2_b"] = jnp.zeros((HL,), jnp.float32)
    inp["lin3_W"] = _glorot(ks[12], (HL, 1)); inp["lin3_b"] = jnp.zeros((1,), jnp.float32)
    return inp


def _graph_conv(x, edge_index, W_rel, W_root, b):
    src = edge_index[0]
    dst = edge_index[1]
    msgs = jnp.take(x, src, axis=0)
    agg = jax.ops.segment_sum(msgs, dst, num_segments=N)
    return agg @ W_rel + x @ W_root + b


def reference(x, edge_index, batch, T, W1_rel, W1_root, b1, W2_rel, W2_root, b2, W3_rel, W3_root, b3, lin1_W, lin1_b, lin2_W, lin2_b, lin3_W, lin3_b):
    h = jax.nn.relu(_graph_conv(x, edge_index, W1_rel, W1_root, b1))
    h = jax.nn.relu(_graph_conv(h, edge_index, W2_rel, W2_root, b2))
    h = _graph_conv(h, edge_index, W3_rel, W3_root, b3)
    maxp = jax.ops.segment_max(h, batch, num_segments=G)
    sump = jax.ops.segment_sum(h, batch, num_segments=G)
    cnt = jax.ops.segment_sum(jnp.ones((N, 1), jnp.float32), batch, num_segments=G)
    meanp = sump / jnp.maximum(cnt, 1.0)
    out = jnp.concatenate([maxp, meanp, sump, T], axis=1)
    out = jax.nn.relu(out @ lin1_W + lin1_b)
    out = jax.nn.relu(out @ lin2_W + lin2_b)
    out = out @ lin3_W + lin3_b
    return out

if __name__ == "__main__":
    import jax
    _d = setup_inputs()
    print(jax.jit(kernel)(*tuple(_d.values())))

</pallas_src>

<mosaic_0001>
#map = affine_map<(d0, d1) -> (0, 0)>
#map1 = affine_map<(d0, d1) -> (0)>
#map2 = affine_map<(d0, d1) -> (0, 0, 0)>
module attributes {stable_mosaic.version = 14 : i64} {
  func.func @_spmm_body(%arg0: i32, %arg1: i32, %arg2: memref<10240x128xf32, #tpu.memory_space<hbm>>, %arg3: memref<32x10000xi32, #tpu.memory_space<hbm>>, %arg4: memref<320000xi32, #tpu.memory_space<hbm>>, %arg5: memref<2x10240x128xf32, #tpu.memory_space<hbm>>, %arg6: memref<10240x128xf32, #tpu.memory_space<vmem_shared>>, %arg7: memref<10000xi32, #tpu.memory_space<vmem>>, %arg8: memref<40xi32, #tpu.memory_space<vmem>>, %arg9: memref<40xi32, #tpu.memory_space<vmem>>, %arg10: memref<40xi32, #tpu.memory_space<vmem>>, %arg11: memref<40xi32, #tpu.memory_space<vmem>>, %arg12: memref<40xi32, #tpu.memory_space<vmem>>, %arg13: memref<40x128xf32, #tpu.memory_space<vmem>>, %arg14: memref<40x128xf32, #tpu.memory_space<vmem>>, %arg15: memref<40x128xf32, #tpu.memory_space<vmem>>, %arg16: memref<40x128xf32, #tpu.memory_space<vmem>>, %arg17: memref<40x128xf32, #tpu.memory_space<vmem>>, %arg18: memref<!tpu.dma_semaphore, #tpu.memory_space<semaphore_mem>>, %arg19: memref<!tpu.dma_semaphore, #tpu.memory_space<semaphore_mem>>, %arg20: memref<!tpu.dma_semaphore, #tpu.memory_space<semaphore_mem>>, %arg21: memref<!tpu.dma_semaphore, #tpu.memory_space<semaphore_mem>>, %arg22: memref<!tpu.dma_semaphore, #tpu.memory_space<semaphore_mem>>, %arg23: memref<!tpu.dma_semaphore, #tpu.memory_space<semaphore_mem>>, %arg24: memref<!tpu.dma_semaphore, #tpu.memory_space<semaphore_mem>>, %arg25: memref<!tpu.dma_semaphore, #tpu.memory_space<semaphore_mem>>, %arg26: memref<!tpu.dma_semaphore, #tpu.memory_space<semaphore_mem>>, %arg27: memref<!tpu.dma_semaphore, #tpu.memory_space<semaphore_mem>>, %arg28: memref<!tpu.dma_semaphore, #tpu.memory_space<semaphore_mem>>, %arg29: memref<!tpu.dma_semaphore, #tpu.memory_space<semaphore_mem>>, %arg30: memref<!tpu.dma_semaphore, #tpu.memory_space<semaphore_mem>>, %arg31: memref<!tpu.dma_semaphore, #tpu.memory_space<semaphore_mem>>, %arg32: memref<!tpu.dma_semaphore, #tpu.memory_space<semaphore_mem>>) attributes {dimension_semantics = [#tpu.dimension_semantics<core_parallel>, #tpu.dimension_semantics<subcore_parallel>], iteration_bounds = array<i64: 2, 16>, scalar_prefetch = 0 : i64, scratch_operands = 27 : i64, tpu.core_type = #tpu.core_type<sc_vector_subcore>, window_params = [{transform_indices = #map}, {transform_indices = #map}, {transform_indices = #map1}, {transform_indices = #map2}]} {
    %mul3A = arith.constant 16 : i32
    %mul3A_0 = arith.muli %arg0, %mul3A : i32
    %add3A = arith.addi %mul3A_0, %arg1 : i32
    %mul3A_1 = arith.constant 160000 : i32
    %mul3A_2 = arith.muli %arg0, %mul3A_1 : i32
    %mul3A_3 = arith.constant 10000 : i32
    %mul3A_4 = arith.muli %arg1, %mul3A_3 : i32
    %add3A_5 = arith.addi %mul3A_2, %mul3A_4 : i32
    "tpu.region"() ({
      %run_scoped3A = tpu.sem_alloc : memref<!tpu.dma_semaphore, #tpu.memory_space<semaphore_mem>>
      %dma_start3A_75 = arith.constant 0 : i32
      %dma_start3A_76 = tpu.memref_slice %arg3[%add3A, %dma_start3A_75] : memref<32x10000xi32, #tpu.memory_space<hbm>> -> memref<1x10000xi32, #tpu.memory_space<hbm>>
      %dma_start3A_77 = tpu.memref_squeeze %dma_start3A_76 : memref<1x10000xi32, #tpu.memory_space<hbm>> -> memref<10000xi32, #tpu.memory_space<hbm>>
      %dma_start3A_78 = arith.constant 0 : i32
      %dma_start3A_79 = tpu.memref_slice %arg3[%add3A, %dma_start3A_78] : memref<32x10000xi32, #tpu.memory_space<hbm>> -> memref<1x10000xi32, #tpu.memory_space<hbm>>
      %dma_start3A_80 = tpu.memref_squeeze %dma_start3A_79 : memref<1x10000xi32, #tpu.memory_space<hbm>> -> memref<10000xi32, #tpu.memory_space<hbm>>
      tpu.enqueue_dma source(%dma_start3A_80 : memref<10000xi32, #tpu.memory_space<hbm>>) target(%arg7 : memref<10000xi32, #tpu.memory_space<vmem>>) target_semaphore(%run_scoped3A : memref<!tpu.dma_semaphore, #tpu.memory_space<semaphore_mem>>)
      %dma_wait3A = arith.constant 0 : i32
      %dma_wait3A_81 = tpu.memref_slice %arg3[%add3A, %dma_wait3A] : memref<32x10000xi32, #tpu.memory_space<hbm>> -> memref<1x10000xi32, #tpu.memory_space<hbm>>
      %dma_wait3A_82 = tpu.memref_squeeze %dma_wait3A_81 : memref<1x10000xi32, #tpu.memory_space<hbm>> -> memref<10000xi32, #tpu.memory_space<hbm>>
      %dma_wait3A_83 = arith.constant 0 : i32
      %dma_wait3A_84 = tpu.memref_slice %arg3[%add3A, %dma_wait3A_83] : memref<32x10000xi32, #tpu.memory_space<hbm>> -> memref<1x10000xi32, #tpu.memory_space<hbm>>
      %dma_wait3A_85 = tpu.memref_squeeze %dma_wait3A_84 : memref<1x10000xi32, #tpu.memory_space<hbm>> -> memref<10000xi32, #tpu.memory_space<hbm>>
      tpu.wait_dma2 semaphore(%run_scoped3A : memref<!tpu.dma_semaphore, #tpu.memory_space<semaphore_mem>>) src(%dma_wait3A_85 : memref<10000xi32, #tpu.memory_space<hbm>>) dst(%arg7 : memref<10000xi32, #tpu.memory_space<vmem>>)
      tpu.yield
    }) : () -> ()
    %multiple_of3A = arith.constant 40 : i32
    %multiple_of3A_6 = tpu.assume_multiple %multiple_of3A, 8 : i32
    %add3A_7 = arith.addi %add3A_5, %multiple_of3A_6 : i32
    %dma_start3A = tpu.memref_slice %arg4[%add3A_7] : memref<320000xi32, #tpu.memory_space<hbm>> -> memref<40xi32, #tpu.memory_space<hbm>>
    %dma_start3A_8 = tpu.memref_slice %arg4[%add3A_7] : memref<320000xi32, #tpu.memory_space<hbm>> -> memref<40xi32, #tpu.memory_space<hbm>>
    tpu.enqueue_dma source(%dma_start3A_8 : memref<40xi32, #tpu.memory_space<hbm>>) target(%arg9 : memref<40xi32, #tpu.memory_space<vmem>>) target_semaphore(%arg29 : memref<!tpu.dma_semaphore, #tpu.memory_space<semaphore_mem>>)
    %dma_start3A_9 = tpu.memref_slice %arg7[%multiple_of3A_6] : memref<10000xi32, #tpu.memory_space<vmem>> -> memref<40xi32, #tpu.memory_space<vmem>>
    %dma_start3A_10 = arith.constant 0 : i32
    %dma_start3A_11 = arith.constant 0 : i32
    %dma_start3A_12 = tpu.memref_slice %arg2[%dma_start3A_10, %dma_start3A_11] : memref<10240x128xf32, #tpu.memory_space<hbm>> -> memref<10240x128xf32, #tpu.memory_space<hbm>>
    tpu.enqueue_indirect_dma source(%dma_start3A_12 : memref<10240x128xf32, #tpu.memory_space<hbm>>) target(%arg14 : memref<40x128xf32, #tpu.memory_space<vmem>>) offsets(%dma_start3A_9 : memref<40xi32, #tpu.memory_space<vmem>>) semaphore(%arg19 : memref<!tpu.dma_semaphore, #tpu.memory_space<semaphore_mem>>)
    %multiple_of3A_13 = arith.constant 80 : i32
    %multiple_of3A_14 = tpu.assume_multiple %multiple_of3A_13, 8 : i32
    %add3A_15 = arith.addi %add3A_5, %multiple_of3A_14 : i32
    %dma_start3A_16 = tpu.memref_slice %arg4[%add3A_15] : memref<320000xi32, #tpu.memory_space<hbm>> -> memref<40xi32, #tpu.memory_space<hbm>>
    %dma_start3A_17 = tpu.memref_slice %arg4[%add3A_15] : memref<320000xi32, #tpu.memory_space<hbm>> -> memref<40xi32, #tpu.memory_space<hbm>>
    tpu.enqueue_dma source(%dma_start3A_17 : memref<40xi32, #tpu.memory_space<hbm>>) target(%arg10 : memref<40xi32, #tpu.memory_space<vmem>>) target_semaphore(%arg30 : memref<!tpu.dma_semaphore, #tpu.memory_space<semaphore_mem>>)
    %dma_start3A_18 = tpu.memref_slice %arg7[%multiple_of3A_14] : memref<10000xi32, #tpu.memory_space<vmem>> -> memref<40xi32, #tpu.memory_space<vmem>>
    %dma_start3A_19 = arith.constant 0 : i32
    %dma_start3A_20 = arith.constant 0 : i32
    %dma_start3A_21 = tpu.memref_slice %arg2[%dma_start3A_19, %dma_start3A_20] : memref<10240x128xf32, #tpu.memory_space<hbm>> -> memref<10240x128xf32, #tpu.memory_space<hbm>>
    tpu.enqueue_indirect_dma source(%dma_start3A_21 : memref<10240x128xf32, #tpu.memory_space<hbm>>) target(%arg15 : memref<40x128xf32, #tpu.memory_space<vmem>>) offsets(%dma_start3A_18 : memref<40xi32, #tpu.memory_space<vmem>>) semaphore(%arg20 : memref<!tpu.dma_semaphore, #tpu.memory_space<semaphore_mem>>)
    %multiple_of3A_22 = arith.constant 120 : i32
    %multiple_of3A_23 = tpu.assume_multiple %multiple_of3A_22, 8 : i32
    %add3A_24 = arith.addi %add3A_5, %multiple_of3A_23 : i32
    %dma_start3A_25 = tpu.memref_slice %arg4[%add3A_24] : memref<320000xi32, #tpu.memory_space<hbm>> -> memref<40xi32, #tpu.memory_space<hbm>>
    %dma_start3A_26 = tpu.memref_slice %arg4[%add3A_24] : memref<320000xi32, #tpu.memory_space<hbm>> -> memref<40xi32, #tpu.memory_space<hbm>>
    tpu.enqueue_dma source(%dma_start3A_26 : memref<40xi32, #tpu.memory_space<hbm>>) target(%arg11 : memref<40xi32, #tpu.memory_space<vmem>>) target_semaphore(%arg31 : memref<!tpu.dma_semaphore, #tpu.memory_space<semaphore_mem>>)
    %dma_start3A_27 = tpu.memref_slice %arg7[%multiple_of3A_23] : memref<10000xi32, #tpu.memory_space<vmem>> -> memref<40xi32, #tpu.memory_space<vmem>>
    %dma_start3A_28 = arith.constant 0 : i32
    %dma_start3A_29 = arith.constant 0 : i32
    %dma_start3A_30 = tpu.memref_slice %arg2[%dma_start3A_28, %dma_start3A_29] : memref<10240x128xf32, #tpu.memory_space<hbm>> -> memref<10240x128xf32, #tpu.memory_space<hbm>>
    tpu.enqueue_indirect_dma source(%dma_start3A_30 : memref<10240x128xf32, #tpu.memory_space<hbm>>) target(%arg16 : memref<40x128xf32, #tpu.memory_space<vmem>>) offsets(%dma_start3A_27 : memref<40xi32, #tpu.memory_space<vmem>>) semaphore(%arg21 : memref<!tpu.dma_semaphore, #tpu.memory_space<semaphore_mem>>)
    %multiple_of3A_31 = arith.constant 160 : i32
    %multiple_of3A_32 = tpu.assume_multiple %multiple_of3A_31, 8 : i32
    %add3A_33 = arith.addi %add3A_5, %multiple_of3A_32 : i32
    %dma_start3A_34 = tpu.memref_slice %arg4[%add3A_33] : memref<320000xi32, #tpu.memory_space<hbm>> -> memref<40xi32, #tpu.memory_space<hbm>>
    %dma_start3A_35 = tpu.memref_slice %arg4[%add3A_33] : memref<320000xi32, #tpu.memory_space<hbm>> -> memref<40xi32, #tpu.memory_space<hbm>>
    tpu.enqueue_dma source(%dma_start3A_35 : memref<40xi32, #tpu.memory_space<hbm>>) target(%arg12 : memref<40xi32, #tpu.memory_space<vmem>>) target_semaphore(%arg32 : memref<!tpu.dma_semaphore, #tpu.memory_space<semaphore_mem>>)
    %dma_start3A_36 = tpu.memref_slice %arg7[%multiple_of3A_32] : memref<10000xi32, #tpu.memory_space<vmem>> -> memref<40xi32, #tpu.memory_space<vmem>>
    %dma_start3A_37 = arith.constant 0 : i32
    %dma_start3A_38 = arith.constant 0 : i32
    %dma_start3A_39 = tpu.memref_slice %arg2[%dma_start3A_37, %dma_start3A_38] : memref<10240x128xf32, #tpu.memory_space<hbm>> -> memref<10240x128xf32, #tpu.memory_space<hbm>>
    tpu.enqueue_indirect_dma source(%dma_start3A_39 : memref<10240x128xf32, #tpu.memory_space<hbm>>) target(%arg17 : memref<40x128xf32, #tpu.memory_space<vmem>>) offsets(%dma_start3A_36 : memref<40xi32, #tpu.memory_space<vmem>>) semaphore(%arg22 : memref<!tpu.dma_semaphore, #tpu.memory_space<semaphore_mem>>)
    %scan3A = arith.constant 0 : i32
    %scan3A_40 = arith.constant 0 : i32
    %scan3A_41 = arith.constant 40 : i32
    %scan3A_42 = arith.addi %scan3A_40, %scan3A_41 : i32
    %scan3A_43 = arith.constant 1 : i32
    scf.for %scan3A_75 = %scan3A_40 to %scan3A_42 step %scan3A_43  : i32 {
      %broadcast_in_dim3A = arith.constant 0.000000e+00 : f32
      %broadcast_in_dim3A_76 = vector.broadcast %broadcast_in_dim3A : f32 to vector<16xf32>
      %swap3A = arith.index_cast %scan3A_75 : i32 to index
      %swap3A_77 = arith.constant 0 : index
      %swap3A_78 = tpu.vector_load %arg13[%swap3A, %swap3A_77] {strides = array<i32>} : memref<40x128xf32, #tpu.memory_space<vmem>>, vector<1x16xf32>,
      %swap3A_79 = vector.shape_cast %swap3A_78 : vector<1x16xf32> to vector<16xf32>
      %swap3A_80 = vector.shape_cast %broadcast_in_dim3A_76 : vector<16xf32> to vector<1x16xf32>
      tpu.vector_store %arg13[%swap3A, %swap3A_77], %swap3A_80 {strides = array<i32>} : memref<40x128xf32, #tpu.memory_space<vmem>>, vector<1x16xf32>,
      %broadcast_in_dim3A_81 = arith.constant 0.000000e+00 : f32
      %broadcast_in_dim3A_82 = vector.broadcast %broadcast_in_dim3A_81 : f32 to vector<16xf32>
      %swap3A_83 = arith.index_cast %scan3A_75 : i32 to index
      %swap3A_84 = arith.constant 16 : index
      %swap3A_85 = tpu.vector_load %arg13[%swap3A_83, %swap3A_84] {strides = array<i32>} : memref<40x128xf32, #tpu.memory_space<vmem>>, vector<1x16xf32>,
      %swap3A_86 = vector.shape_cast %swap3A_85 : vector<1x16xf32> to vector<16xf32>
      %swap3A_87 = vector.shape_cast %broadcast_in_dim3A_82 : vector<16xf32> to vector<1x16xf32>
      tpu.vector_store %arg13[%swap3A_83, %swap3A_84], %swap3A_87 {strides = array<i32>} : memref<40x128xf32, #tpu.memory_space<vmem>>, vector<1x16xf32>,
      %broadcast_in_dim3A_88 = arith.constant 0.000000e+00 : f32
      %broadcast_in_dim3A_89 = vector.broadcast %broadcast_in_dim3A_88 : f32 to vector<16xf32>
      %swap3A_90 = arith.index_cast %scan3A_75 : i32 to index
      %swap3A_91 = arith.constant 32 : index
      %swap3A_92 = tpu.vector_load %arg13[%swap3A_90, %swap3A_91] {strides = array<i32>} : memref<40x128xf32, #tpu.memory_space<vmem>>, vector<1x16xf32>,
      %swap3A_93 = vector.shape_cast %swap3A_92 : vector<1x16xf32> to vector<16xf32>
      %swap3A_94 = vector.shape_cast %broadcast_in_dim3A_89 : vector<16xf32> to vector<1x16xf32>
      tpu.vector_store %arg13[%swap3A_90, %swap3A_91], %swap3A_94 {strides = array<i32>} : memref<40x128xf32, #tpu.memory_space<vmem>>, vector<1x16xf32>,
      %broadcast_in_dim3A_95 = arith.constant 0.000000e+00 : f32
      %broadcast_in_dim3A_96 = vector.broadcast %broadcast_in_dim3A_95 : f32 to vector<16xf32>
      %swap3A_97 = arith.index_cast %scan3A_75 : i32 to index
      %swap3A_98 = arith.constant 48 : index
      %swap3A_99 = tpu.vector_load %arg13[%swap3A_97, %swap3A_98] {strides = array<i32>} : memref<40x128xf32, #tpu.memory_space<vmem>>, vector<1x16xf32>,
      %swap3A_100 = vector.shape_cast %swap3A_99 : vector<1x16xf32> to vector<16xf32>
      %swap3A_101 = vector.shape_cast %broadcast_in_dim3A_96 : vector<16xf32> to vector<1x16xf32>
      tpu.vector_store %arg13[%swap3A_97, %swap3A_98], %swap3A_101 {strides = array<i32>} : memref<40x128xf32, #tpu.memory_space<vmem>>, vector<1x16xf32>,
      %broadcast_in_dim3A_102 = arith.constant 0.000000e+00 : f32
      %broadcast_in_dim3A_103 = vector.broadcast %broadcast_in_dim3A_102 : f32 to vector<16xf32>
      %swap3A_104 = arith.index_cast %scan3A_75 : i32 to index
      %swap3A_105 = arith.constant 64 : index
      %swap3A_106 = tpu.vector_load %arg13[%swap3A_104, %swap3A_105] {strides = array<i32>} : memref<40x128xf32, #tpu.memory_space<vmem>>, vector<1x16xf32>,
      %swap3A_107 = vector.shape_cast %swap3A_106 : vector<1x16xf32> to vector<16xf32>
      %swap3A_108 = vector.shape_cast %broadcast_in_dim3A_103 : vector<16xf32> to vector<1x16xf32>
      tpu.vector_store %arg13[%swap3A_104, %swap3A_105], %swap3A_108 {strides = array<i32>} : memref<40x128xf32, #tpu.memory_space<vmem>>, vector<1x16xf32>,
      %broadcast_in_dim3A_109 = arith.constant 0.000000e+00 : f32
      %broadcast_in_dim3A_110 = vector.broadcast %broadcast_in_dim3A_109 : f32 to vector<16xf32>
      %swap3A_111 = arith.index_cast %scan3A_75 : i32 to index
      %swap3A_112 = arith.constant 80 : index
      %swap3A_113 = tpu.vector_load %arg13[%swap3A_111, %swap3A_112] {strides = array<i32>} : memref<40x128xf32, #tpu.memory_space<vmem>>, vector<1x16xf32>,
      %swap3A_114 = vector.shape_cast %swap3A_113 : vector<1x16xf32> to vector<16xf32>
      %swap3A_115 = vector.shape_cast %broadcast_in_dim3A_110 : vector<16xf32> to vector<1x16xf32>
      tpu.vector_store %arg13[%swap3A_111, %swap3A_112], %swap3A_115 {strides = array<i32>} : memref<40x128xf32, #tpu.memory_space<vmem>>, vector<1x16xf32>,
      %broadcast_in_dim3A_116 = arith.constant 0.000000e+00 : f32
      %broadcast_in_dim3A_117 = vector.broadcast %broadcast_in_dim3A_116 : f32 to vector<16xf32>
      %swap3A_118 = arith.index_cast %scan3A_75 : i32 to index
      %swap3A_119 = arith.constant 96 : index
      %swap3A_120 = tpu.vector_load %arg13[%swap3A_118, %swap3A_119] {strides = array<i32>} : memref<40x128xf32, #tpu.memory_space<vmem>>, vector<1x16xf32>,
      %swap3A_121 = vector.shape_cast %swap3A_120 : vector<1x16xf32> to vector<16xf32>
      %swap3A_122 = vector.shape_cast %broadcast_in_dim3A_117 : vector<16xf32> to vector<1x16xf32>
      tpu.vector_store %arg13[%swap3A_118, %swap3A_119], %swap3A_122 {strides = array<i32>} : memref<40x128xf32, #tpu.memory_space<vmem>>, vector<1x16xf32>,
      %broadcast_in_dim3A_123 = arith.constant 0.000000e+00 : f32
      %broadcast_in_dim3A_124 = vector.broadcast %broadcast_in_dim3A_123 : f32 to vector<16xf32>
      %swap3A_125 = arith.index_cast %scan3A_75 : i32 to index
      %swap3A_126 = arith.constant 112 : index
      %swap3A_127 = tpu.vector_load %arg13[%swap3A_125, %swap3A_126] {strides = array<i32>} : memref<40x128xf32, #tpu.memory_space<vmem>>, vector<1x16xf32>,
      %swap3A_128 = vector.shape_cast %swap3A_127 : vector<1x16xf32> to vector<16xf32>
      %swap3A_129 = vector.shape_cast %broadcast_in_dim3A_124 : vector<16xf32> to vector<1x16xf32>
      tpu.vector_store %arg13[%swap3A_125, %swap3A_126], %swap3A_129 {strides = array<i32>} : memref<40x128xf32, #tpu.memory_space<vmem>>, vector<1x16xf32>,
    }
    %scan3A_44 = arith.constant 40 : i32
    %mul3A_45 = arith.constant 640 : i32
    %mul3A_46 = arith.muli %arg1, %mul3A_45 : i32
    %scan3A_47 = arith.constant 0 : i32
    %scan3A_48 = arith.constant 0 : i32
    %scan3A_49 = arith.constant 16 : i32
    %scan3A_50 = arith.addi %scan3A_48, %scan3A_49 : i32
    %scan3A_51 = arith.constant 1 : i32
    scf.for %scan3A_75 = %scan3A_48 to %scan3A_50 step %scan3A_51  : i32 {
      %mul3A_76 = arith.constant 40 : i32
      %mul3A_77 = arith.muli %scan3A_75, %mul3A_76 : i32
      %add3A_78 = arith.addi %mul3A_46, %mul3A_77 : i32
      %dma_start3A_79 = arith.constant 0 : i32
      %dma_start3A_80 = tpu.memref_slice %arg6[%add3A_78, %dma_start3A_79] : memref<10240x128xf32, #tpu.memory_space<vmem_shared>> -> memref<40x128xf32, #tpu.memory_space<vmem_shared>>
      %dma_start3A_81 = arith.constant 0 : i32
      %dma_start3A_82 = tpu.memref_slice %arg6[%add3A_78, %dma_start3A_81] : memref<10240x128xf32, #tpu.memory_space<vmem_shared>> -> memref<40x128xf32, #tpu.memory_space<vmem_shared>>
      tpu.enqueue_dma source(%arg13 : memref<40x128xf32, #tpu.memory_space<vmem>>) target(%dma_start3A_82 : memref<40x128xf32, #tpu.memory_space<vmem_shared>>) target_semaphore(%arg23 : memref<!tpu.dma_semaphore, #tpu.memory_space<semaphore_mem>>)
    }
    %scan3A_52 = arith.constant 16 : i32
    %scan3A_53 = arith.constant 0 : i32
    %scan3A_54 = arith.constant 0 : i32
    %scan3A_55 = arith.constant 16 : i32
    %scan3A_56 = arith.addi %scan3A_54, %scan3A_55 : i32
    %scan3A_57 = arith.constant 1 : i32
    scf.for %scan3A_75 = %scan3A_54 to %scan3A_56 step %scan3A_57  : i32 {
      %mul3A_76 = arith.constant 40 : i32
      %mul3A_77 = arith.muli %scan3A_75, %mul3A_76 : i32
      %add3A_78 = arith.addi %mul3A_46, %mul3A_77 : i32
      %dma_wait3A = arith.constant 0 : i32
      %dma_wait3A_79 = tpu.memref_slice %arg6[%add3A_78, %dma_wait3A] : memref<10240x128xf32, #tpu.memory_space<vmem_shared>> -> memref<40x128xf32, #tpu.memory_space<vmem_shared>>
      %dma_wait3A_80 = arith.constant 0 : i32
      %dma_wait3A_81 = tpu.memref_slice %arg6[%add3A_78, %dma_wait3A_80] : memref<10240x128xf32, #tpu.memory_space<vmem_shared>> -> memref<40x128xf32, #tpu.memory_space<vmem_shared>>
      tpu.wait_dma2 semaphore(%arg23 : memref<!tpu.dma_semaphore, #tpu.memory_space<semaphore_mem>>) src(%arg13 : memref<40x128xf32, #tpu.memory_space<vmem>>) dst(%dma_wait3A_81 : memref<40x128xf32, #tpu.memory_space<vmem_shared>>)
    }
    %scan3A_58 = arith.constant 16 : i32
    %multiple_of3A_59 = arith.constant 0 : i32
    %multiple_of3A_60 = tpu.assume_multiple %multiple_of3A_59, 8 : i32
    %add3A_61 = arith.addi %add3A_5, %multiple_of3A_60 : i32
    %dma_start3A_62 = tpu.memref_slice %arg4[%add3A_61] : memref<320000xi32, #tpu.memory_space<hbm>> -> memref<40xi32, #tpu.memory_space<hbm>>
    %dma_start3A_63 = tpu.memref_slice %arg4[%add3A_61] : memref<320000xi32, #tpu.memory_space<hbm>> -> memref<40xi32, #tpu.memory_space<hbm>>
    tpu.enqueue_dma source(%dma_start3A_63 : memref<40xi32, #tpu.memory_space<hbm>>) target(%arg8 : memref<40xi32, #tpu.memory_space<vmem>>) target_semaphore(%arg28 : memref<!tpu.dma_semaphore, #tpu.memory_space<semaphore_mem>>)
    %dma_start3A_64 = tpu.memref_slice %arg7[%multiple_of3A_60] : memref<10000xi32, #tpu.memory_space<vmem>> -> memref<40xi32, #tpu.memory_space<vmem>>
    %dma_start3A_65 = arith.constant 0 : i32
    %dma_start3A_66 = arith.constant 0 : i32
    %dma_start3A_67 = tpu.memref_slice %arg2[%dma_start3A_65, %dma_start3A_66] : memref<10240x128xf32, #tpu.memory_space<hbm>> -> memref<10240x128xf32, #tpu.memory_space<hbm>>
    tpu.enqueue_indirect_dma source(%dma_start3A_67 : memref<10240x128xf32, #tpu.memory_space<hbm>>) target(%arg13 : memref<40x128xf32, #tpu.memory_space<vmem>>) offsets(%dma_start3A_64 : memref<40xi32, #tpu.memory_space<vmem>>) semaphore(%arg18 : memref<!tpu.dma_semaphore, #tpu.memory_space<semaphore_mem>>)
    %barrier3A = arith.constant 0 : index
    tpu.barrier barrier_id(%barrier3A)
    %scan3A_68 = arith.constant 0 : i32
    %scan3A_69 = arith.constant 0 : i32
    %scan3A_70 = arith.constant 50 : i32
    %scan3A_71 = arith.addi %scan3A_69, %scan3A_70 : i32
    %scan3A_72 = arith.constant 1 : i32
    scf.for %scan3A_75 = %scan3A_69 to %scan3A_71 step %scan3A_72  : i32 {
      %mul3A_76 = arith.constant 5 : i32
      %mul3A_77 = arith.muli %mul3A_76, %scan3A_75 : i32
      %add3A_78 = arith.constant 0 : i32
      %add3A_79 = arith.addi %mul3A_77, %add3A_78 : i32
      %mul3A_80 = arith.constant 40 : i32
      %mul3A_81 = arith.muli %add3A_79, %mul3A_80 : i32
      %multiple_of3A_82 = tpu.assume_multiple %mul3A_81, 8 : i32
      %add3A_83 = arith.addi %add3A_5, %multiple_of3A_82 : i32
      %dma_wait3A = tpu.memref_slice %arg4[%add3A_83] : memref<320000xi32, #tpu.memory_space<hbm>> -> memref<40xi32, #tpu.memory_space<hbm>>
      %dma_wait3A_84 = tpu.memref_slice %arg4[%add3A_83] : memref<320000xi32, #tpu.memory_space<hbm>> -> memref<40xi32, #tpu.memory_space<hbm>>
      tpu.wait_dma2 semaphore(%arg28 : memref<!tpu.dma_semaphore, #tpu.memory_space<semaphore_mem>>) src(%dma_wait3A_84 : memref<40xi32, #tpu.memory_space<hbm>>) dst(%arg8 : memref<40xi32, #tpu.memory_space<vmem>>)
      %dma_wait3A_85 = tpu.memref_slice %arg7[%multiple_of3A_82] : memref<10000xi32, #tpu.memory_space<vmem>> -> memref<40xi32, #tpu.memory_space<vmem>>
      %dma_wait3A_86 = arith.constant 0 : i32
      %dma_wait3A_87 = arith.constant 0 : i32
      %dma_wait3A_88 = tpu.memref_slice %arg2[%dma_wait3A_86, %dma_wait3A_87] : memref<10240x128xf32, #tpu.memory_space<hbm>> -> memref<10240x128xf32, #tpu.memory_space<hbm>>
      tpu.wait_indirect_dma semaphore(%arg18 : memref<!tpu.dma_semaphore, #tpu.memory_space<semaphore_mem>>) src(%dma_wait3A_88 : memref<10240x128xf32, #tpu.memory_space<hbm>>) dst(%arg13 : memref<40x128xf32, #tpu.memory_space<vmem>>)
      %dma_start3A_89 = arith.constant 0 : i32
      %dma_start3A_90 = arith.constant 0 : i32
      %dma_start3A_91 = tpu.memref_slice %arg6[%dma_start3A_89, %dma_start3A_90] : memref<10240x128xf32, #tpu.memory_space<vmem_shared>> -> memref<10240x128xf32, #tpu.memory_space<vmem_shared>>
      tpu.enqueue_indirect_dma source(%arg13 : memref<40x128xf32, #tpu.memory_space<vmem>>) target(%dma_start3A_91 : memref<10240x128xf32, #tpu.memory_space<vmem_shared>>) offsets(%arg8 : memref<40xi32, #tpu.memory_space<vmem>>) semaphore(%arg23 : memref<!tpu.dma_semaphore, #tpu.memory_space<semaphore_mem>>) {add = true}
      %mul3A_92 = arith.constant 5 : i32
      %mul3A_93 = arith.muli %mul3A_92, %scan3A_75 : i32
      %add3A_94 = arith.constant 1 : i32
      %add3A_95 = arith.addi %mul3A_93, %add3A_94 : i32
      %mul3A_96 = arith.constant 40 : i32
      %mul3A_97 = arith.muli %add3A_95, %mul3A_96 : i32
      %multiple_of3A_98 = tpu.assume_multiple %mul3A_97, 8 : i32
      %add3A_99 = arith.addi %add3A_5, %multiple_of3A_98 : i32
      %dma_wait3A_100 = tpu.memref_slice %arg4[%add3A_99] : memref<320000xi32, #tpu.memory_space<hbm>> -> memref<40xi32, #tpu.memory_space<hbm>>
      %dma_wait3A_101 = tpu.memref_slice %arg4[%add3A_99] : memref<320000xi32, #tpu.memory_space<hbm>> -> memref<40xi32, #tpu.memory_space<hbm>>
      tpu.wait_dma2 semaphore(%arg29 : memref<!tpu.dma_semaphore, #tpu.memory_space<semaphore_mem>>) src(%dma_wait3A_101 : memref<40xi32, #tpu.memory_space<hbm>>) dst(%arg9 : memref<40xi32, #tpu.memory_space<vmem>>)
      %dma_wait3A_102 = tpu.memref_slice %arg7[%multiple_of3A_98] : memref<10000xi32, #tpu.memory_space<vmem>> -> memref<40xi32, #tpu.memory_space<vmem>>
      %dma_wait3A_103 = arith.constant 0 : i32
      %dma_wait3A_104 = arith.constant 0 : i32
      %dma_wait3A_105 = tpu.memref_slice %arg2[%dma_wait3A_103, %dma_wait3A_104] : memref<10240x128xf32, #tpu.memory_space<hbm>> -> memref<10240x128xf32, #tpu.memory_space<hbm>>
      tpu.wait_indirect_dma semaphore(%arg19 : memref<!tpu.dma_semaphore, #tpu.memory_space<semaphore_mem>>) src(%dma_wait3A_105 : memref<10240x128xf32, #tpu.memory_space<hbm>>) dst(%arg14 : memref<40x128xf32, #tpu.memory_space<vmem>>)
      %dma_start3A_106 = arith.constant 0 : i32
      %dma_start3A_107 = arith.constant 0 : i32
      %dma_start3A_108 = tpu.memref_slice %arg6[%dma_start3A_106, %dma_start3A_107] : memref<10240x128xf32, #tpu.memory_space<vmem_shared>> -> memref<10240x128xf32, #tpu.memory_space<vmem_shared>>
      tpu.enqueue_indirect_dma source(%arg14 : memref<40x128xf32, #tpu.memory_space<vmem>>) target(%dma_start3A_108 : memref<10240x128xf32, #tpu.memory_space<vmem_shared>>) offsets(%arg9 : memref<40xi32, #tpu.memory_space<vmem>>) semaphore(%arg24 : memref<!tpu.dma_semaphore, #tpu.memory_space<semaphore_mem>>) {add = true}
      %mul3A_109 = arith.constant 5 : i32
      %mul3A_110 = arith.muli %mul3A_109, %scan3A_75 : i32
      %add3A_111 = arith.constant 2 : i32
      %add3A_112 = arith.addi %mul3A_110, %add3A_111 : i32
      %mul3A_113 = arith.constant 40 : i32
      %mul3A_114 = arith.muli %add3A_112, %mul3A_113 : i32
      %multiple_of3A_115 = tpu.assume_multiple %mul3A_114, 8 : i32
      %add3A_116 = arith.addi %add3A_5, %multiple_of3A_115 : i32
      %dma_wait3A_117 = tpu.memref_slice %arg4[%add3A_116] : memref<320000xi32, #tpu.memory_space<hbm>> -> memref<40xi32, #tpu.memory_space<hbm>>
      %dma_wait3A_118 = tpu.memref_slice %arg4[%add3A_116] : memref<320000xi32, #tpu.memory_space<hbm>> -> memref<40xi32, #tpu.memory_space<hbm>>
      tpu.wait_dma2 semaphore(%arg30 : memref<!tpu.dma_semaphore, #tpu.memory_space<semaphore_mem>>) src(%dma_wait3A_118 : memref<40xi32, #tpu.memory_space<hbm>>) dst(%arg10 : memref<40xi32, #tpu.memory_space<vmem>>)
      %dma_wait3A_119 = tpu.memref_slice %arg7[%multiple_of3A_115] : memref<10000xi32, #tpu.memory_space<vmem>> -> memref<40xi32, #tpu.memory_space<vmem>>
      %dma_wait3A_120 = arith.constant 0 : i32
      %dma_wait3A_121 = arith.constant 0 : i32
      %dma_wait3A_122 = tpu.memref_slice %arg2[%dma_wait3A_120, %dma_wait3A_121] : memref<10240x128xf32, #tpu.memory_space<hbm>> -> memref<10240x128xf32, #tpu.memory_space<hbm>>
      tpu.wait_indirect_dma semaphore(%arg20 : memref<!tpu.dma_semaphore, #tpu.memory_space<semaphore_mem>>) src(%dma_wait3A_122 : memref<10240x128xf32, #tpu.memory_space<hbm>>) dst(%arg15 : memref<40x128xf32, #tpu.memory_space<vmem>>)
      %dma_start3A_123 = arith.constant 0 : i32
      %dma_start3A_124 = arith.constant 0 : i32
      %dma_start3A_125 = tpu.memref_slice %arg6[%dma_start3A_123, %dma_start3A_124] : memref<10240x128xf32, #tpu.memory_space<vmem_shared>> -> memref<10240x128xf32, #tpu.memory_space<vmem_shared>>
      tpu.enqueue_indirect_dma source(%arg15 : memref<40x128xf32, #tpu.memory_space<vmem>>) target(%dma_start3A_125 : memref<10240x128xf32, #tpu.memory_space<vmem_shared>>) offsets(%arg10 : memref<40xi32, #tpu.memory_space<vmem>>) semaphore(%arg25 : memref<!tpu.dma_semaphore, #tpu.memory_space<semaphore_mem>>) {add = true}
      %mul3A_126 = arith.constant 5 : i32
      %mul3A_127 = arith.muli %mul3A_126, %scan3A_75 : i32
      %add3A_128 = arith.constant 3 : i32
      %add3A_129 = arith.addi %mul3A_127, %add3A_128 : i32
      %mul3A_130 = arith.constant 40 : i32
      %mul3A_131 = arith.muli %add3A_129, %mul3A_130 : i32
      %multiple_of3A_132 = tpu.assume_multiple %mul3A_131, 8 : i32
      %add3A_133 = arith.addi %add3A_5, %multiple_of3A_132 : i32
      %dma_wait3A_134 = tpu.memref_slice %arg4[%add3A_133] : memref<320000xi32, #tpu.memory_space<hbm>> -> memref<40xi32, #tpu.memory_space<hbm>>
      %dma_wait3A_135 = tpu.memref_slice %arg4[%add3A_133] : memref<320000xi32, #tpu.memory_space<hbm>> -> memref<40xi32, #tpu.memory_space<hbm>>
      tpu.wait_dma2 semaphore(%arg31 : memref<!tpu.dma_semaphore, #tpu.memory_space<semaphore_mem>>) src(%dma_wait3A_135 : memref<40xi32, #tpu.memory_space<hbm>>) dst(%arg11 : memref<40xi32, #tpu.memory_space<vmem>>)
      %dma_wait3A_136 = tpu.memref_slice %arg7[%multiple_of3A_132] : memref<10000xi32, #tpu.memory_space<vmem>> -> memref<40xi32, #tpu.memory_space<vmem>>
      %dma_wait3A_137 = arith.constant 0 : i32
      %dma_wait3A_138 = arith.constant 0 : i32
      %dma_wait3A_139 = tpu.memref_slice %arg2[%dma_wait3A_137, %dma_wait3A_138] : memref<10240x128xf32, #tpu.memory_space<hbm>> -> memref<10240x128xf32, #tpu.memory_space<hbm>>
      tpu.wait_indirect_dma semaphore(%arg21 : memref<!tpu.dma_semaphore, #tpu.memory_space<semaphore_mem>>) src(%dma_wait3A_139 : memref<10240x128xf32, #tpu.memory_space<hbm>>) dst(%arg16 : memref<40x128xf32, #tpu.memory_space<vmem>>)
      %dma_start3A_140 = arith.constant 0 : i32
      %dma_start3A_141 = arith.constant 0 : i32
      %dma_start3A_142 = tpu.memref_slice %arg6[%dma_start3A_140, %dma_start3A_141] : memref<10240x128xf32, #tpu.memory_space<vmem_shared>> -> memref<10240x128xf32, #tpu.memory_space<vmem_shared>>
      tpu.enqueue_indirect_dma source(%arg16 : memref<40x128xf32, #tpu.memory_space<vmem>>) target(%dma_start3A_142 : memref<10240x128xf32, #tpu.memory_space<vmem_shared>>) offsets(%arg11 : memref<40xi32, #tpu.memory_space<vmem>>) semaphore(%arg26 : memref<!tpu.dma_semaphore, #tpu.memory_space<semaphore_mem>>) {add = true}
      %mul3A_143 = arith.constant 5 : i32
      %mul3A_144 = arith.muli %mul3A_143, %scan3A_75 : i32
      %add3A_145 = arith.constant 4 : i32
      %add3A_146 = arith.addi %mul3A_144, %add3A_145 : i32
      %mul3A_147 = arith.constant 40 : i32
      %mul3A_148 = arith.muli %add3A_146, %mul3A_147 : i32
      %multiple_of3A_149 = tpu.assume_multiple %mul3A_148, 8 : i32
      %add3A_150 = arith.addi %add3A_5, %multiple_of3A_149 : i32
      %dma_wait3A_151 = tpu.memref_slice %arg4[%add3A_150] : memref<320000xi32, #tpu.memory_space<hbm>> -> memref<40xi32, #tpu.memory_space<hbm>>
      %dma_wait3A_152 = tpu.memref_slice %arg4[%add3A_150] : memref<320000xi32, #tpu.memory_space<hbm>> -> memref<40xi32, #tpu.memory_space<hbm>>
      tpu.wait_dma2 semaphore(%arg32 : memref<!tpu.dma_semaphore, #tpu.memory_space<semaphore_mem>>) src(%dma_wait3A_152 : memref<40xi32, #tpu.memory_space<hbm>>) dst(%arg12 : memref<40xi32, #tpu.memory_space<vmem>>)
      %dma_wait3A_153 = tpu.memref_slice %arg7[%multiple_of3A_149] : memref<10000xi32, #tpu.memory_space<vmem>> -> memref<40xi32, #tpu.memory_space<vmem>>
      %dma_wait3A_154 = arith.constant 0 : i32
      %dma_wait3A_155 = arith.constant 0 : i32
      %dma_wait3A_156 = tpu.memref_slice %arg2[%dma_wait3A_154, %dma_wait3A_155] : memref<10240x128xf32, #tpu.memory_space<hbm>> -> memref<10240x128xf32, #tpu.memory_space<hbm>>
      tpu.wait_indirect_dma semaphore(%arg22 : memref<!tpu.dma_semaphore, #tpu.memory_space<semaphore_mem>>) src(%dma_wait3A_156 : memref<10240x128xf32, #tpu.memory_space<hbm>>) dst(%arg17 : memref<40x128xf32, #tpu.memory_space<vmem>>)
      %dma_start3A_157 = arith.constant 0 : i32
      %dma_start3A_158 = arith.constant 0 : i32
      %dma_start3A_159 = tpu.memref_slice %arg6[%dma_start3A_157, %dma_start3A_158] : memref<10240x128xf32, #tpu.memory_space<vmem_shared>> -> memref<10240x128xf32, #tpu.memory_space<vmem_shared>>
      tpu.enqueue_indirect_dma source(%arg17 : memref<40x128xf32, #tpu.memory_space<vmem>>) target(%dma_start3A_159 : memref<10240x128xf32, #tpu.memory_space<vmem_shared>>) offsets(%arg12 : memref<40xi32, #tpu.memory_space<vmem>>) semaphore(%arg27 : memref<!tpu.dma_semaphore, #tpu.memory_space<semaphore_mem>>) {add = true}
      %dma_wait3A_160 = arith.constant 0 : i32
      %dma_wait3A_161 = arith.constant 0 : i32
      %dma_wait3A_162 = tpu.memref_slice %arg6[%dma_wait3A_160, %dma_wait3A_161] : memref<10240x128xf32, #tpu.memory_space<vmem_shared>> -> memref<10240x128xf32, #tpu.memory_space<vmem_shared>>
      tpu.wait_indirect_dma semaphore(%arg23 : memref<!tpu.dma_semaphore, #tpu.memory_space<semaphore_mem>>) src(%arg13 : memref<40x128xf32, #tpu.memory_space<vmem>>) dst(%dma_wait3A_162 : memref<10240x128xf32, #tpu.memory_space<vmem_shared>>)
      %lt3A = arith.constant 49 : i32
      %lt3A_163 = arith.cmpi slt, %scan3A_75, %lt3A : i32
      %convert_element_type3A = arith.extui %lt3A_163 : i1 to i32
      %cond3A = arith.constant 0 : i32
      %cond3A_164 = arith.cmpi ne, %convert_element_type3A, %cond3A : i32
      scf.if %cond3A_164 {
        %add3A_197 = arith.constant 1 : i32
        %add3A_198 = arith.addi %scan3A_75, %add3A_197 : i32
        %mul3A_199 = arith.constant 5 : i32
        %mul3A_200 = arith.muli %mul3A_199, %add3A_198 : i32
        %add3A_201 = arith.constant 0 : i32
        %add3A_202 = arith.addi %mul3A_200, %add3A_201 : i32
        %mul3A_203 = arith.constant 40 : i32
        %mul3A_204 = arith.muli %add3A_202, %mul3A_203 : i32
        %multiple_of3A_205 = tpu.assume_multiple %mul3A_204, 8 : i32
        %add3A_206 = arith.addi %add3A_5, %multiple_of3A_205 : i32
        %dma_start3A_207 = tpu.memref_slice %arg4[%add3A_206] : memref<320000xi32, #tpu.memory_space<hbm>> -> memref<40xi32, #tpu.memory_space<hbm>>
        %dma_start3A_208 = tpu.memref_slice %arg4[%add3A_206] : memref<320000xi32, #tpu.memory_space<hbm>> -> memref<40xi32, #tpu.memory_space<hbm>>
        tpu.enqueue_dma source(%dma_start3A_208 : memref<40xi32, #tpu.memory_space<hbm>>) target(%arg8 : memref<40xi32, #tpu.memory_space<vmem>>) target_semaphore(%arg28 : memref<!tpu.dma_semaphore, #tpu.memory_space<semaphore_mem>>)
        %dma_start3A_209 = tpu.memref_slice %arg7[%multiple_of3A_205] : memref<10000xi32, #tpu.memory_space<vmem>> -> memref<40xi32, #tpu.memory_space<vmem>>
        %dma_start3A_210 = arith.constant 0 : i32
        %dma_start3A_211 = arith.constant 0 : i32
        %dma_start3A_212 = tpu.memref_slice %arg2[%dma_start3A_210, %dma_start3A_211] : memref<10240x128xf32, #tpu.memory_space<hbm>> -> memref<10240x128xf32, #tpu.memory_space<hbm>>
        tpu.enqueue_indirect_dma source(%dma_start3A_212 : memref<10240x128xf32, #tpu.memory_space<hbm>>) target(%arg13 : memref<40x128xf32, #tpu.memory_space<vmem>>) offsets(%dma_start3A_209 : memref<40xi32, #tpu.memory_space<vmem>>) semaphore(%arg18 : memref<!tpu.dma_semaphore, #tpu.memory_space<semaphore_mem>>)
      } else {
      }
      %dma_wait3A_165 = arith.constant 0 : i32
      %dma_wait3A_166 = arith.constant 0 : i32
      %dma_wait3A_167 = tpu.memref_slice %arg6[%dma_wait3A_165, %dma_wait3A_166] : memref<10240x128xf32, #tpu.memory_space<vmem_shared>> -> memref<10240x128xf32, #tpu.memory_space<vmem_shared>>
      tpu.wait_indirect_dma semaphore(%arg24 : memref<!tpu.dma_semaphore, #tpu.memory_space<semaphore_mem>>) src(%arg14 : memref<40x128xf32, #tpu.memory_space<vmem>>) dst(%dma_wait3A_167 : memref<10240x128xf32, #tpu.memory_space<vmem_shared>>)
      %lt3A_168 = arith.constant 49 : i32
      %lt3A_169 = arith.cmpi slt, %scan3A_75, %lt3A_168 : i32
      %convert_element_type3A_170 = arith.extui %lt3A_169 : i1 to i32
      %cond3A_171 = arith.constant 0 : i32
      %cond3A_172 = arith.cmpi ne, %convert_element_type3A_170, %cond3A_171 : i32
      scf.if %cond3A_172 {
        %add3A_197 = arith.constant 1 : i32
        %add3A_198 = arith.addi %scan3A_75, %add3A_197 : i32
        %mul3A_199 = arith.constant 5 : i32
        %mul3A_200 = arith.muli %mul3A_199, %add3A_198 : i32
        %add3A_201 = arith.constant 1 : i32
        %add3A_202 = arith.addi %mul3A_200, %add3A_201 : i32
        %mul3A_203 = arith.constant 40 : i32
        %mul3A_204 = arith.muli %add3A_202, %mul3A_203 : i32
        %multiple_of3A_205 = tpu.assume_multiple %mul3A_204, 8 : i32
        %add3A_206 = arith.addi %add3A_5, %multiple_of3A_205 : i32
        %dma_start3A_207 = tpu.memref_slice %arg4[%add3A_206] : memref<320000xi32, #tpu.memory_space<hbm>> -> memref<40xi32, #tpu.memory_space<hbm>>
        %dma_start3A_208 = tpu.memref_slice %arg4[%add3A_206] : memref<320000xi32, #tpu.memory_space<hbm>> -> memref<40xi32, #tpu.memory_space<hbm>>
        tpu.enqueue_dma source(%dma_start3A_208 : memref<40xi32, #tpu.memory_space<hbm>>) target(%arg9 : memref<40xi32, #tpu.memory_space<vmem>>) target_semaphore(%arg29 : memref<!tpu.dma_semaphore, #tpu.memory_space<semaphore_mem>>)
        %dma_start3A_209 = tpu.memref_slice %arg7[%multiple_of3A_205] : memref<10000xi32, #tpu.memory_space<vmem>> -> memref<40xi32, #tpu.memory_space<vmem>>
        %dma_start3A_210 = arith.constant 0 : i32
        %dma_start3A_211 = arith.constant 0 : i32
        %dma_start3A_212 = tpu.memref_slice %arg2[%dma_start3A_210, %dma_start3A_211] : memref<10240x128xf32, #tpu.memory_space<hbm>> -> memref<10240x128xf32, #tpu.memory_space<hbm>>
        tpu.enqueue_indirect_dma source(%dma_start3A_212 : memref<10240x128xf32, #tpu.memory_space<hbm>>) target(%arg14 : memref<40x128xf32, #tpu.memory_space<vmem>>) offsets(%dma_start3A_209 : memref<40xi32, #tpu.memory_space<vmem>>) semaphore(%arg19 : memref<!tpu.dma_semaphore, #tpu.memory_space<semaphore_mem>>)
      } else {
      }
      %dma_wait3A_173 = arith.constant 0 : i32
      %dma_wait3A_174 = arith.constant 0 : i32
      %dma_wait3A_175 = tpu.memref_slice %arg6[%dma_wait3A_173, %dma_wait3A_174] : memref<10240x128xf32, #tpu.memory_space<vmem_shared>> -> memref<10240x128xf32, #tpu.memory_space<vmem_shared>>
      tpu.wait_indirect_dma semaphore(%arg25 : memref<!tpu.dma_semaphore, #tpu.memory_space<semaphore_mem>>) src(%arg15 : memref<40x128xf32, #tpu.memory_space<vmem>>) dst(%dma_wait3A_175 : memref<10240x128xf32, #tpu.memory_space<vmem_shared>>)
      %lt3A_176 = arith.constant 49 : i32
      %lt3A_177 = arith.cmpi slt, %scan3A_75, %lt3A_176 : i32
      %convert_element_type3A_178 = arith.extui %lt3A_177 : i1 to i32
      %cond3A_179 = arith.constant 0 : i32
      %cond3A_180 = arith.cmpi ne, %convert_element_type3A_178, %cond3A_179 : i32
      scf.if %cond3A_180 {
        %add3A_197 = arith.constant 1 : i32
        %add3A_198 = arith.addi %scan3A_75, %add3A_197 : i32
        %mul3A_199 = arith.constant 5 : i32
        %mul3A_200 = arith.muli %mul3A_199, %add3A_198 : i32
        %add3A_201 = arith.constant 2 : i32
        %add3A_202 = arith.addi %mul3A_200, %add3A_201 : i32
        %mul3A_203 = arith.constant 40 : i32
        %mul3A_204 = arith.muli %add3A_202, %mul3A_203 : i32
        %multiple_of3A_205 = tpu.assume_multiple %mul3A_204, 8 : i32
        %add3A_206 = arith.addi %add3A_5, %multiple_of3A_205 : i32
        %dma_start3A_207 = tpu.memref_slice %arg4[%add3A_206] : memref<320000xi32, #tpu.memory_space<hbm>> -> memref<40xi32, #tpu.memory_space<hbm>>
        %dma_start3A_208 = tpu.memref_slice %arg4[%add3A_206] : memref<320000xi32, #tpu.memory_space<hbm>> -> memref<40xi32, #tpu.memory_space<hbm>>
        tpu.enqueue_dma source(%dma_start3A_208 : memref<40xi32, #tpu.memory_space<hbm>>) target(%arg10 : memref<40xi32, #tpu.memory_space<vmem>>) target_semaphore(%arg30 : memref<!tpu.dma_semaphore, #tpu.memory_space<semaphore_mem>>)
        %dma_start3A_209 = tpu.memref_slice %arg7[%multiple_of3A_205] : memref<10000xi32, #tpu.memory_space<vmem>> -> memref<40xi32, #tpu.memory_space<vmem>>
        %dma_start3A_210 = arith.constant 0 : i32
        %dma_start3A_211 = arith.constant 0 : i32
        %dma_start3A_212 = tpu.memref_slice %arg2[%dma_start3A_210, %dma_start3A_211] : memref<10240x128xf32, #tpu.memory_space<hbm>> -> memref<10240x128xf32, #tpu.memory_space<hbm>>
        tpu.enqueue_indirect_dma source(%dma_start3A_212 : memref<10240x128xf32, #tpu.memory_space<hbm>>) target(%arg15 : memref<40x128xf32, #tpu.memory_space<vmem>>) offsets(%dma_start3A_209 : memref<40xi32, #tpu.memory_space<vmem>>) semaphore(%arg20 : memref<!tpu.dma_semaphore, #tpu.memory_space<semaphore_mem>>)
      } else {
      }
      %dma_wait3A_181 = arith.constant 0 : i32
      %dma_wait3A_182 = arith.constant 0 : i32
      %dma_wait3A_183 = tpu.memref_slice %arg6[%dma_wait3A_181, %dma_wait3A_182] : memref<10240x128xf32, #tpu.memory_space<vmem_shared>> -> memref<10240x128xf32, #tpu.memory_space<vmem_shared>>
      tpu.wait_indirect_dma semaphore(%arg26 : memref<!tpu.dma_semaphore, #tpu.memory_space<semaphore_mem>>) src(%arg16 : memref<40x128xf32, #tpu.memory_space<vmem>>) dst(%dma_wait3A_183 : memref<10240x128xf32, #tpu.memory_space<vmem_shared>>)
      %lt3A_184 = arith.constant 49 : i32
      %lt3A_185 = arith.cmpi slt, %scan3A_75, %lt3A_184 : i32
      %convert_element_type3A_186 = arith.extui %lt3A_185 : i1 to i32
      %cond3A_187 = arith.constant 0 : i32
      %cond3A_188 = arith.cmpi ne, %convert_element_type3A_186, %cond3A_187 : i32
      scf.if %cond3A_188 {
        %add3A_197 = arith.constant 1 : i32
        %add3A_198 = arith.addi %scan3A_75, %add3A_197 : i32
        %mul3A_199 = arith.constant 5 : i32
        %mul3A_200 = arith.muli %mul3A_199, %add3A_198 : i32
        %add3A_201 = arith.constant 3 : i32
        %add3A_202 = arith.addi %mul3A_200, %add3A_201 : i32
        %mul3A_203 = arith.constant 40 : i32
        %mul3A_204 = arith.muli %add3A_202, %mul3A_203 : i32
        %multiple_of3A_205 = tpu.assume_multiple %mul3A_204, 8 : i32
        %add3A_206 = arith.addi %add3A_5, %multiple_of3A_205 : i32
        %dma_start3A_207 = tpu.memref_slice %arg4[%add3A_206] : memref<320000xi32, #tpu.memory_space<hbm>> -> memref<40xi32, #tpu.memory_space<hbm>>
        %dma_start3A_208 = tpu.memref_slice %arg4[%add3A_206] : memref<320000xi32, #tpu.memory_space<hbm>> -> memref<40xi32, #tpu.memory_space<hbm>>
        tpu.enqueue_dma source(%dma_start3A_208 : memref<40xi32, #tpu.memory_space<hbm>>) target(%arg11 : memref<40xi32, #tpu.memory_space<vmem>>) target_semaphore(%arg31 : memref<!tpu.dma_semaphore, #tpu.memory_space<semaphore_mem>>)
        %dma_start3A_209 = tpu.memref_slice %arg7[%multiple_of3A_205] : memref<10000xi32, #tpu.memory_space<vmem>> -> memref<40xi32, #tpu.memory_space<vmem>>
        %dma_start3A_210 = arith.constant 0 : i32
        %dma_start3A_211 = arith.constant 0 : i32
        %dma_start3A_212 = tpu.memref_slice %arg2[%dma_start3A_210, %dma_start3A_211] : memref<10240x128xf32, #tpu.memory_space<hbm>> -> memref<10240x128xf32, #tpu.memory_space<hbm>>
        tpu.enqueue_indirect_dma source(%dma_start3A_212 : memref<10240x128xf32, #tpu.memory_space<hbm>>) target(%arg16 : memref<40x128xf32, #tpu.memory_space<vmem>>) offsets(%dma_start3A_209 : memref<40xi32, #tpu.memory_space<vmem>>) semaphore(%arg21 : memref<!tpu.dma_semaphore, #tpu.memory_space<semaphore_mem>>)
      } else {
      }
      %dma_wait3A_189 = arith.constant 0 : i32
      %dma_wait3A_190 = arith.constant 0 : i32
      %dma_wait3A_191 = tpu.memref_slice %arg6[%dma_wait3A_189, %dma_wait3A_190] : memref<10240x128xf32, #tpu.memory_space<vmem_shared>> -> memref<10240x128xf32, #tpu.memory_space<vmem_shared>>
      tpu.wait_indirect_dma semaphore(%arg27 : memref<!tpu.dma_semaphore, #tpu.memory_space<semaphore_mem>>) src(%arg17 : memref<40x128xf32, #tpu.memory_space<vmem>>) dst(%dma_wait3A_191 : memref<10240x128xf32, #tpu.memory_space<vmem_shared>>)
      %lt3A_192 = arith.constant 49 : i32
      %lt3A_193 = arith.cmpi slt, %scan3A_75, %lt3A_192 : i32
      %convert_element_type3A_194 = arith.extui %lt3A_193 : i1 to i32
      %cond3A_195 = arith.constant 0 : i32
      %cond3A_196 = arith.cmpi ne, %convert_element_type3A_194, %cond3A_195 : i32
      scf.if %cond3A_196 {
        %add3A_197 = arith.constant 1 : i32
        %add3A_198 = arith.addi %scan3A_75, %add3A_197 : i32
        %mul3A_199 = arith.constant 5 : i32
        %mul3A_200 = arith.muli %mul3A_199, %add3A_198 : i32
        %add3A_201 = arith.constant 4 : i32
        %add3A_202 = arith.addi %mul3A_200, %add3A_201 : i32
        %mul3A_203 = arith.constant 40 : i32
        %mul3A_204 = arith.muli %add3A_202, %mul3A_203 : i32
        %multiple_of3A_205 = tpu.assume_multiple %mul3A_204, 8 : i32
        %add3A_206 = arith.addi %add3A_5, %multiple_of3A_205 : i32
        %dma_start3A_207 = tpu.memref_slice %arg4[%add3A_206] : memref<320000xi32, #tpu.memory_space<hbm>> -> memref<40xi32, #tpu.memory_space<hbm>>
        %dma_start3A_208 = tpu.memref_slice %arg4[%add3A_206] : memref<320000xi32, #tpu.memory_space<hbm>> -> memref<40xi32, #tpu.memory_space<hbm>>
        tpu.enqueue_dma source(%dma_start3A_208 : memref<40xi32, #tpu.memory_space<hbm>>) target(%arg12 : memref<40xi32, #tpu.memory_space<vmem>>) target_semaphore(%arg32 : memref<!tpu.dma_semaphore, #tpu.memory_space<semaphore_mem>>)
        %dma_start3A_209 = tpu.memref_slice %arg7[%multiple_of3A_205] : memref<10000xi32, #tpu.memory_space<vmem>> -> memref<40xi32, #tpu.memory_space<vmem>>
        %dma_start3A_210 = arith.constant 0 : i32
        %dma_start3A_211 = arith.constant 0 : i32
        %dma_start3A_212 = tpu.memref_slice %arg2[%dma_start3A_210, %dma_start3A_211] : memref<10240x128xf32, #tpu.memory_space<hbm>> -> memref<10240x128xf32, #tpu.memory_space<hbm>>
        tpu.enqueue_indirect_dma source(%dma_start3A_212 : memref<10240x128xf32, #tpu.memory_space<hbm>>) target(%arg17 : memref<40x128xf32, #tpu.memory_space<vmem>>) offsets(%dma_start3A_209 : memref<40xi32, #tpu.memory_space<vmem>>) semaphore(%arg22 : memref<!tpu.dma_semaphore, #tpu.memory_space<semaphore_mem>>)
      } else {
      }
    }
    %scan3A_73 = arith.constant 50 : i32
    %barrier3A_74 = arith.constant 0 : index
    tpu.barrier barrier_id(%barrier3A_74)
    "tpu.region"() ({
      %run_scoped3A = tpu.sem_alloc : memref<!tpu.dma_semaphore, #tpu.memory_space<semaphore_mem>>
      %dma_start3A_75 = arith.constant 0 : i32
      %dma_start3A_76 = tpu.memref_slice %arg5[%arg0, %mul3A_46, %dma_start3A_75] : memref<2x10240x128xf32, #tpu.memory_space<hbm>> -> memref<1x640x128xf32, #tpu.memory_space<hbm>>
      %dma_start3A_77 = tpu.memref_squeeze %dma_start3A_76 : memref<1x640x128xf32, #tpu.memory_space<hbm>> -> memref<640x128xf32, #tpu.memory_space<hbm>>
      %dma_start3A_78 = arith.constant 0 : i32
      %dma_start3A_79 = tpu.memref_slice %arg6[%mul3A_46, %dma_start3A_78] : memref<10240x128xf32, #tpu.memory_space<vmem_shared>> -> memref<640x128xf32, #tpu.memory_space<vmem_shared>>
      tpu.enqueue_dma source(%dma_start3A_79 : memref<640x128xf32, #tpu.memory_space<vmem_shared>>) target(%dma_start3A_77 : memref<640x128xf32, #tpu.memory_space<hbm>>) target_semaphore(%run_scoped3A : memref<!tpu.dma_semaphore, #tpu.memory_space<semaphore_mem>>)
      %dma_wait3A = arith.constant 0 : i32
      %dma_wait3A_80 = tpu.memref_slice %arg5[%arg0, %mul3A_46, %dma_wait3A] : memref<2x10240x128xf32, #tpu.memory_space<hbm>> -> memref<1x640x128xf32, #tpu.memory_space<hbm>>
      %dma_wait3A_81 = tpu.memref_squeeze %dma_wait3A_80 : memref<1x640x128xf32, #tpu.memory_space<hbm>> -> memref<640x128xf32, #tpu.memory_space<hbm>>
      %dma_wait3A_82 = arith.constant 0 : i32
      %dma_wait3A_83 = tpu.memref_slice %arg6[%mul3A_46, %dma_wait3A_82] : memref<10240x128xf32, #tpu.memory_space<vmem_shared>> -> memref<640x128xf32, #tpu.memory_space<vmem_shared>>
      tpu.wait_dma2 semaphore(%run_scoped3A : memref<!tpu.dma_semaphore, #tpu.memory_space<semaphore_mem>>) src(%dma_wait3A_83 : memref<640x128xf32, #tpu.memory_space<vmem_shared>>) dst(%dma_wait3A_81 : memref<640x128xf32, #tpu.memory_space<hbm>>)
      tpu.yield
    }) : () -> ()
    return
  }
}

#map = affine_map<(d0, d1) -> (0, 0)>
#map1 = affine_map<(d0, d1) -> (0)>
#map2 = affine_map<(d0, d1) -> (0, 0, 0)>
module attributes {stable_mosaic.version = 14 : i64} {
  func.func @_spmm_body(%arg0: i32, %arg1: i32, %arg2: memref<10240x128xf32, #tpu.memory_space<hbm>>, %arg3: memref<32x10000xi32, #tpu.memory_space<hbm>>, %arg4: memref<320000xi32, #tpu.memory_space<hbm>>, %arg5: memref<2x10240x128xf32, #tpu.memory_space<hbm>>, %arg6: memref<10240x128xf32, #tpu.memory_space<vmem_shared>>, %arg7: memref<10000xi32, #tpu.memory_space<vmem>>, %arg8: memref<40xi32, #tpu.memory_space<vmem>>, %arg9: memref<40xi32, #tpu.memory_space<vmem>>, %arg10: memref<40xi32, #tpu.memory_space<vmem>>, %arg11: memref<40xi32, #tpu.memory_space<vmem>>, %arg12: memref<40xi32, #tpu.memory_space<vmem>>, %arg13: memref<40x128xf32, #tpu.memory_space<vmem>>, %arg14: memref<40x128xf32, #tpu.memory_space<vmem>>, %arg15: memref<40x128xf32, #tpu.memory_space<vmem>>, %arg16: memref<40x128xf32, #tpu.memory_space<vmem>>, %arg17: memref<40x128xf32, #tpu.memory_space<vmem>>, %arg18: memref<!tpu.dma_semaphore, #tpu.memory_space<semaphore_mem>>, %arg19: memref<!tpu.dma_semaphore, #tpu.memory_space<semaphore_mem>>, %arg20: memref<!tpu.dma_semaphore, #tpu.memory_space<semaphore_mem>>, %arg21: memref<!tpu.dma_semaphore, #tpu.memory_space<semaphore_mem>>, %arg22: memref<!tpu.dma_semaphore, #tpu.memory_space<semaphore_mem>>, %arg23: memref<!tpu.dma_semaphore, #tpu.memory_space<semaphore_mem>>, %arg24: memref<!tpu.dma_semaphore, #tpu.memory_space<semaphore_mem>>, %arg25: memref<!tpu.dma_semaphore, #tpu.memory_space<semaphore_mem>>, %arg26: memref<!tpu.dma_semaphore, #tpu.memory_space<semaphore_mem>>, %arg27: memref<!tpu.dma_semaphore, #tpu.memory_space<semaphore_mem>>, %arg28: memref<!tpu.dma_semaphore, #tpu.memory_space<semaphore_mem>>, %arg29: memref<!tpu.dma_semaphore, #tpu.memory_space<semaphore_mem>>, %arg30: memref<!tpu.dma_semaphore, #tpu.memory_space<semaphore_mem>>, %arg31: memref<!tpu.dma_semaphore, #tpu.memory_space<semaphore_mem>>, %arg32: memref<!tpu.dma_semaphore, #tpu.memory_space<semaphore_mem>>) attributes {dimension_semantics = [#tpu.dimension_semantics<core_parallel>, #tpu.dimension_semantics<subcore_parallel>], iteration_bounds = array<i64: 2, 16>, scalar_prefetch = 0 : i64, scratch_operands = 27 : i64, tpu.core_type = #tpu.core_type<sc_vector_subcore>, window_params = [{transform_indices = #map}, {transform_indices = #map}, {transform_indices = #map1}, {transform_indices = #map2}]} {
    %mul3A = arith.constant 16 : i32
    %mul3A_0 = arith.muli %arg0, %mul3A : i32
    %add3A = arith.addi %mul3A_0, %arg1 : i32
    %mul3A_1 = arith.constant 160000 : i32
    %mul3A_2 = arith.muli %arg0, %mul3A_1 : i32
    %mul3A_3 = arith.constant 10000 : i32
    %mul3A_4 = arith.muli %arg1, %mul3A_3 : i32
    %add3A_5 = arith.addi %mul3A_2, %mul3A_4 : i32
    "tpu.region"() ({
      %run_scoped3A = tpu.sem_alloc : memref<!tpu.dma_semaphore, #tpu.memory_space<semaphore_mem>>
      %dma_start3A_75 = arith.constant 0 : i32
      %dma_start3A_76 = tpu.memref_slice %arg3[%add3A, %dma_start3A_75] : memref<32x10000xi32, #tpu.memory_space<hbm>> -> memref<1x10000xi32, #tpu.memory_space<hbm>>
      %dma_start3A_77 = tpu.memref_squeeze %dma_start3A_76 : memref<1x10000xi32, #tpu.memory_space<hbm>> -> memref<10000xi32, #tpu.memory_space<hbm>>
      %dma_start3A_78 = arith.constant 0 : i32
      %dma_start3A_79 = tpu.memref_slice %arg3[%add3A, %dma_start3A_78] : memref<32x10000xi32, #tpu.memory_space<hbm>> -> memref<1x10000xi32, #tpu.memory_space<hbm>>
      %dma_start3A_80 = tpu.memref_squeeze %dma_start3A_79 : memref<1x10000xi32, #tpu.memory_space<hbm>> -> memref<10000xi32, #tpu.memory_space<hbm>>
      tpu.enqueue_dma source(%dma_start3A_80 : memref<10000xi32, #tpu.memory_space<hbm>>) target(%arg7 : memref<10000xi32, #tpu.memory_space<vmem>>) target_semaphore(%run_scoped3A : memref<!tpu.dma_semaphore, #tpu.memory_space<semaphore_mem>>)
      %dma_wait3A = arith.constant 0 : i32
      %dma_wait3A_81 = tpu.memref_slice %arg3[%add3A, %dma_wait3A] : memref<32x10000xi32, #tpu.memory_space<hbm>> -> memref<1x10000xi32, #tpu.memory_space<hbm>>
      %dma_wait3A_82 = tpu.memref_squeeze %dma_wait3A_81 : memref<1x10000xi32, #tpu.memory_space<hbm>> -> memref<10000xi32, #tpu.memory_space<hbm>>
      %dma_wait3A_83 = arith.constant 0 : i32
      %dma_wait3A_84 = tpu.memref_slice %arg3[%add3A, %dma_wait3A_83] : memref<32x10000xi32, #tpu.memory_space<hbm>> -> memref<1x10000xi32, #tpu.memory_space<hbm>>
      %dma_wait3A_85 = tpu.memref_squeeze %dma_wait3A_84 : memref<1x10000xi32, #tpu.memory_space<hbm>> -> memref<10000xi32, #tpu.memory_space<hbm>>
      tpu.wait_dma2 semaphore(%run_scoped3A : memref<!tpu.dma_semaphore, #tpu.memory_space<semaphore_mem>>) src(%dma_wait3A_85 : memref<10000xi32, #tpu.memory_space<hbm>>) dst(%arg7 : memref<10000xi32, #tpu.memory_space<vmem>>)
      tpu.yield
    }) : () -> ()
    %multiple_of3A = arith.constant 40 : i32
    %multiple_of3A_6 = tpu.assume_multiple %multiple_of3A, 8 : i32
    %add3A_7 = arith.addi %add3A_5, %multiple_of3A_6 : i32
    %dma_start3A = tpu.memref_slice %arg4[%add3A_7] : memref<320000xi32, #tpu.memory_space<hbm>> -> memref<40xi32, #tpu.memory_space<hbm>>
    %dma_start3A_8 = tpu.memref_slice %arg4[%add3A_7] : memref<320000xi32, #tpu.memory_space<hbm>> -> memref<40xi32, #tpu.memory_space<hbm>>
    tpu.enqueue_dma source(%dma_start3A_8 : memref<40xi32, #tpu.memory_space<hbm>>) target(%arg9 : memref<40xi32, #tpu.memory_space<vmem>>) target_semaphore(%arg29 : memref<!tpu.dma_semaphore, #tpu.memory_space<semaphore_mem>>)
    %dma_start3A_9 = tpu.memref_slice %arg7[%multiple_of3A_6] : memref<10000xi32, #tpu.memory_space<vmem>> -> memref<40xi32, #tpu.memory_space<vmem>>
    %dma_start3A_10 = arith.constant 0 : i32
    %dma_start3A_11 = arith.constant 0 : i32
    %dma_start3A_12 = tpu.memref_slice %arg2[%dma_start3A_10, %dma_start3A_11] : memref<10240x128xf32, #tpu.memory_space<hbm>> -> memref<10240x128xf32, #tpu.memory_space<hbm>>
    tpu.enqueue_indirect_dma source(%dma_start3A_12 : memref<10240x128xf32, #tpu.memory_space<hbm>>) target(%arg14 : memref<40x128xf32, #tpu.memory_space<vmem>>) offsets(%dma_start3A_9 : memref<40xi32, #tpu.memory_space<vmem>>) semaphore(%arg19 : memref<!tpu.dma_semaphore, #tpu.memory_space<semaphore_mem>>)
    %multiple_of3A_13 = arith.constant 80 : i32
    %multiple_of3A_14 = tpu.assume_multiple %multiple_of3A_13, 8 : i32
    %add3A_15 = arith.addi %add3A_5, %multiple_of3A_14 : i32
    %dma_start3A_16 = tpu.memref_slice %arg4[%add3A_15] : memref<320000xi32, #tpu.memory_space<hbm>> -> memref<40xi32, #tpu.memory_space<hbm>>
    %dma_start3A_17 = tpu.memref_slice %arg4[%add3A_15] : memref<320000xi32, #tpu.memory_space<hbm>> -> memref<40xi32, #tpu.memory_space<hbm>>
    tpu.enqueue_dma source(%dma_start3A_17 : memref<40xi32, #tpu.memory_space<hbm>>) target(%arg10 : memref<40xi32, #tpu.memory_space<vmem>>) target_semaphore(%arg30 : memref<!tpu.dma_semaphore, #tpu.memory_space<semaphore_mem>>)
    %dma_start3A_18 = tpu.memref_slice %arg7[%multiple_of3A_14] : memref<10000xi32, #tpu.memory_space<vmem>> -> memref<40xi32, #tpu.memory_space<vmem>>
    %dma_start3A_19 = arith.constant 0 : i32
    %dma_start3A_20 = arith.constant 0 : i32
    %dma_start3A_21 = tpu.memref_slice %arg2[%dma_start3A_19, %dma_start3A_20] : memref<10240x128xf32, #tpu.memory_space<hbm>> -> memref<10240x128xf32, #tpu.memory_space<hbm>>
    tpu.enqueue_indirect_dma source(%dma_start3A_21 : memref<10240x128xf32, #tpu.memory_space<hbm>>) target(%arg15 : memref<40x128xf32, #tpu.memory_space<vmem>>) offsets(%dma_start3A_18 : memref<40xi32, #tpu.memory_space<vmem>>) semaphore(%arg20 : memref<!tpu.dma_semaphore, #tpu.memory_space<semaphore_mem>>)
    %multiple_of3A_22 = arith.constant 120 : i32
    %multiple_of3A_23 = tpu.assume_multiple %multiple_of3A_22, 8 : i32
    %add3A_24 = arith.addi %add3A_5, %multiple_of3A_23 : i32
    %dma_start3A_25 = tpu.memref_slice %arg4[%add3A_24] : memref<320000xi32, #tpu.memory_space<hbm>> -> memref<40xi32, #tpu.memory_space<hbm>>
    %dma_start3A_26 = tpu.memref_slice %arg4[%add3A_24] : memref<320000xi32, #tpu.memory_space<hbm>> -> memref<40xi32, #tpu.memory_space<hbm>>
    tpu.enqueue_dma source(%dma_start3A_26 : memref<40xi32, #tpu.memory_space<hbm>>) target(%arg11 : memref<40xi32, #tpu.memory_space<vmem>>) target_semaphore(%arg31 : memref<!tpu.dma_semaphore, #tpu.memory_space<semaphore_mem>>)
    %dma_start3A_27 = tpu.memref_slice %arg7[%multiple_of3A_23] : memref<10000xi32, #tpu.memory_space<vmem>> -> memref<40xi32, #tpu.memory_space<vmem>>
    %dma_start3A_28 = arith.constant 0 : i32
    %dma_start3A_29 = arith.constant 0 : i32
    %dma_start3A_30 = tpu.memref_slice %arg2[%dma_start3A_28, %dma_start3A_29] : memref<10240x128xf32, #tpu.memory_space<hbm>> -> memref<10240x128xf32, #tpu.memory_space<hbm>>
    tpu.enqueue_indirect_dma source(%dma_start3A_30 : memref<10240x128xf32, #tpu.memory_space<hbm>>) target(%arg16 : memref<40x128xf32, #tpu.memory_space<vmem>>) offsets(%dma_start3A_27 : memref<40xi32, #tpu.memory_space<vmem>>) semaphore(%arg21 : memref<!tpu.dma_semaphore, #tpu.memory_space<semaphore_mem>>)
    %multiple_of3A_31 = arith.constant 160 : i32
    %multiple_of3A_32 = tpu.assume_multiple %multiple_of3A_31, 8 : i32
    %add3A_33 = arith.addi %add3A_5, %multiple_of3A_32 : i32
    %dma_start3A_34 = tpu.memref_slice %arg4[%add3A_33] : memref<320000xi32, #tpu.memory_space<hbm>> -> memref<40xi32, #tpu.memory_space<hbm>>
    %dma_start3A_35 = tpu.memref_slice %arg4[%add3A_33] : memref<320000xi32, #tpu.memory_space<hbm>> -> memref<40xi32, #tpu.memory_space<hbm>>
    tpu.enqueue_dma source(%dma_start3A_35 : memref<40xi32, #tpu.memory_space<hbm>>) target(%arg12 : memref<40xi32, #tpu.memory_space<vmem>>) target_semaphore(%arg32 : memref<!tpu.dma_semaphore, #tpu.memory_space<semaphore_mem>>)
    %dma_start3A_36 = tpu.memref_slice %arg7[%multiple_of3A_32] : memref<10000xi32, #tpu.memory_space<vmem>> -> memref<40xi32, #tpu.memory_space<vmem>>
    %dma_start3A_37 = arith.constant 0 : i32
    %dma_start3A_38 = arith.constant 0 : i32
    %dma_start3A_39 = tpu.memref_slice %arg2[%dma_start3A_37, %dma_start3A_38] : memref<10240x128xf32, #tpu.memory_space<hbm>> -> memref<10240x128xf32, #tpu.memory_space<hbm>>
    tpu.enqueue_indirect_dma source(%dma_start3A_39 : memref<10240x128xf32, #tpu.memory_space<hbm>>) target(%arg17 : memref<40x128xf32, #tpu.memory_space<vmem>>) offsets(%dma_start3A_36 : memref<40xi32, #tpu.memory_space<vmem>>) semaphore(%arg22 : memref<!tpu.dma_semaphore, #tpu.memory_space<semaphore_mem>>)
    %scan3A = arith.constant 0 : i32
    %scan3A_40 = arith.constant 0 : i32
    %scan3A_41 = arith.constant 40 : i32
    %scan3A_42 = arith.addi %scan3A_40, %scan3A_41 : i32
    %scan3A_43 = arith.constant 1 : i32
    scf.for %scan3A_75 = %scan3A_40 to %scan3A_42 step %scan3A_43  : i32 {
      %broadcast_in_dim3A = arith.constant 0.000000e+00 : f32
      %broadcast_in_dim3A_76 = vector.broadcast %broadcast_in_dim3A : f32 to vector<16xf32>
      %swap3A = arith.index_cast %scan3A_75 : i32 to index
      %swap3A_77 = arith.constant 0 : index
      %swap3A_78 = tpu.vector_load %arg13[%swap3A, %swap3A_77] {strides = array<i32>} : memref<40x128xf32, #tpu.memory_space<vmem>>, vector<1x16xf32>,
      %swap3A_79 = vector.shape_cast %swap3A_78 : vector<1x16xf32> to vector<16xf32>
      %swap3A_80 = vector.shape_cast %broadcast_in_dim3A_76 : vector<16xf32> to vector<1x16xf32>
      tpu.vector_store %arg13[%swap3A, %swap3A_77], %swap3A_80 {strides = array<i32>} : memref<40x128xf32, #tpu.memory_space<vmem>>, vector<1x16xf32>,
      %broadcast_in_dim3A_81 = arith.constant 0.000000e+00 : f32
      %broadcast_in_dim3A_82 = vector.broadcast %broadcast_in_dim3A_81 : f32 to vector<16xf32>
      %swap3A_83 = arith.index_cast %scan3A_75 : i32 to index
      %swap3A_84 = arith.constant 16 : index
      %swap3A_85 = tpu.vector_load %arg13[%swap3A_83, %swap3A_84] {strides = array<i32>} : memref<40x128xf32, #tpu.memory_space<vmem>>, vector<1x16xf32>,
      %swap3A_86 = vector.shape_cast %swap3A_85 : vector<1x16xf32> to vector<16xf32>
      %swap3A_87 = vector.shape_cast %broadcast_in_dim3A_82 : vector<16xf32> to vector<1x16xf32>
      tpu.vector_store %arg13[%swap3A_83, %swap3A_84], %swap3A_87 {strides = array<i32>} : memref<40x128xf32, #tpu.memory_space<vmem>>, vector<1x16xf32>,
      %broadcast_in_dim3A_88 = arith.constant 0.000000e+00 : f32
      %broadcast_in_dim3A_89 = vector.broadcast %broadcast_in_dim3A_88 : f32 to vector<16xf32>
      %swap3A_90 = arith.index_cast %scan3A_75 : i32 to index
      %swap3A_91 = arith.constant 32 : index
      %swap3A_92 = tpu.vector_load %arg13[%swap3A_90, %swap3A_91] {strides = array<i32>} : memref<40x128xf32, #tpu.memory_space<vmem>>, vector<1x16xf32>,
      %swap3A_93 = vector.shape_cast %swap3A_92 : vector<1x16xf32> to vector<16xf32>
      %swap3A_94 = vector.shape_cast %broadcast_in_dim3A_89 : vector<16xf32> to vector<1x16xf32>
      tpu.vector_store %arg13[%swap3A_90, %swap3A_91], %swap3A_94 {strides = array<i32>} : memref<40x128xf32, #tpu.memory_space<vmem>>, vector<1x16xf32>,
      %broadcast_in_dim3A_95 = arith.constant 0.000000e+00 : f32
      %broadcast_in_dim3A_96 = vector.broadcast %broadcast_in_dim3A_95 : f32 to vector<16xf32>
      %swap3A_97 = arith.index_cast %scan3A_75 : i32 to index
      %swap3A_98 = arith.constant 48 : index
      %swap3A_99 = tpu.vector_load %arg13[%swap3A_97, %swap3A_98] {strides = array<i32>} : memref<40x128xf32, #tpu.memory_space<vmem>>, vector<1x16xf32>,
      %swap3A_100 = vector.shape_cast %swap3A_99 : vector<1x16xf32> to vector<16xf32>
      %swap3A_101 = vector.shape_cast %broadcast_in_dim3A_96 : vector<16xf32> to vector<1x16xf32>
      tpu.vector_store %arg13[%swap3A_97, %swap3A_98], %swap3A_101 {strides = array<i32>} : memref<40x128xf32, #tpu.memory_space<vmem>>, vector<1x16xf32>,
      %broadcast_in_dim3A_102 = arith.constant 0.000000e+00 : f32
      %broadcast_in_dim3A_103 = vector.broadcast %broadcast_in_dim3A_102 : f32 to vector<16xf32>
      %swap3A_104 = arith.index_cast %scan3A_75 : i32 to index
      %swap3A_105 = arith.constant 64 : index
      %swap3A_106 = tpu.vector_load %arg13[%swap3A_104, %swap3A_105] {strides = array<i32>} : memref<40x128xf32, #tpu.memory_space<vmem>>, vector<1x16xf32>,
      %swap3A_107 = vector.shape_cast %swap3A_106 : vector<1x16xf32> to vector<16xf32>
      %swap3A_108 = vector.shape_cast %broadcast_in_dim3A_103 : vector<16xf32> to vector<1x16xf32>
      tpu.vector_store %arg13[%swap3A_104, %swap3A_105], %swap3A_108 {strides = array<i32>} : memref<40x128xf32, #tpu.memory_space<vmem>>, vector<1x16xf32>,
      %broadcast_in_dim3A_109 = arith.constant 0.000000e+00 : f32
      %broadcast_in_dim3A_110 = vector.broadcast %broadcast_in_dim3A_109 : f32 to vector<16xf32>
      %swap3A_111 = arith.index_cast %scan3A_75 : i32 to index
      %swap3A_112 = arith.constant 80 : index
      %swap3A_113 = tpu.vector_load %arg13[%swap3A_111, %swap3A_112] {strides = array<i32>} : memref<40x128xf32, #tpu.memory_space<vmem>>, vector<1x16xf32>,
      %swap3A_114 = vector.shape_cast %swap3A_113 : vector<1x16xf32> to vector<16xf32>
      %swap3A_115 = vector.shape_cast %broadcast_in_dim3A_110 : vector<16xf32> to vector<1x16xf32>
      tpu.vector_store %arg13[%swap3A_111, %swap3A_112], %swap3A_115 {strides = array<i32>} : memref<40x128xf32, #tpu.memory_space<vmem>>, vector<1x16xf32>,
      %broadcast_in_dim3A_116 = arith.constant 0.000000e+00 : f32
      %broadcast_in_dim3A_117 = vector.broadcast %broadcast_in_dim3A_116 : f32 to vector<16xf32>
      %swap3A_118 = arith.index_cast %scan3A_75 : i32 to index
      %swap3A_119 = arith.constant 96 : index
      %swap3A_120 = tpu.vector_load %arg13[%swap3A_118, %swap3A_119] {strides = array<i32>} : memref<40x128xf32, #tpu.memory_space<vmem>>, vector<1x16xf32>,
      %swap3A_121 = vector.shape_cast %swap3A_120 : vector<1x16xf32> to vector<16xf32>
      %swap3A_122 = vector.shape_cast %broadcast_in_dim3A_117 : vector<16xf32> to vector<1x16xf32>
      tpu.vector_store %arg13[%swap3A_118, %swap3A_119], %swap3A_122 {strides = array<i32>} : memref<40x128xf32, #tpu.memory_space<vmem>>, vector<1x16xf32>,
      %broadcast_in_dim3A_123 = arith.constant 0.000000e+00 : f32
      %broadcast_in_dim3A_124 = vector.broadcast %broadcast_in_dim3A_123 : f32 to vector<16xf32>
      %swap3A_125 = arith.index_cast %scan3A_75 : i32 to index
      %swap3A_126 = arith.constant 112 : index
      %swap3A_127 = tpu.vector_load %arg13[%swap3A_125, %swap3A_126] {strides = array<i32>} : memref<40x128xf32, #tpu.memory_space<vmem>>, vector<1x16xf32>,
      %swap3A_128 = vector.shape_cast %swap3A_127 : vector<1x16xf32> to vector<16xf32>
      %swap3A_129 = vector.shape_cast %broadcast_in_dim3A_124 : vector<16xf32> to vector<1x16xf32>
      tpu.vector_store %arg13[%swap3A_125, %swap3A_126], %swap3A_129 {strides = array<i32>} : memref<40x128xf32, #tpu.memory_space<vmem>>, vector<1x16xf32>,
    }
    %scan3A_44 = arith.constant 40 : i32
    %mul3A_45 = arith.constant 640 : i32
    %mul3A_46 = arith.muli %arg1, %mul3A_45 : i32
    %scan3A_47 = arith.constant 0 : i32
    %scan3A_48 = arith.constant 0 : i32
    %scan3A_49 = arith.constant 16 : i32
    %scan3A_50 = arith.addi %scan3A_48, %scan3A_49 : i32
    %scan3A_51 = arith.constant 1 : i32
    scf.for %scan3A_75 = %scan3A_48 to %scan3A_50 step %scan3A_51  : i32 {
      %mul3A_76 = arith.constant 40 : i32
      %mul3A_77 = arith.muli %scan3A_75, %mul3A_76 : i32
      %add3A_78 = arith.addi %mul3A_46, %mul3A_77 : i32
      %dma_start3A_79 = arith.constant 0 : i32
      %dma_start3A_80 = tpu.memref_slice %arg6[%add3A_78, %dma_start3A_79] : memref<10240x128xf32, #tpu.memory_space<vmem_shared>> -> memref<40x128xf32, #tpu.memory_space<vmem_shared>>
      %dma_start3A_81 = arith.constant 0 : i32
      %dma_start3A_82 = tpu.memref_slice %arg6[%add3A_78, %dma_start3A_81] : memref<10240x128xf32, #tpu.memory_space<vmem_shared>> -> memref<40x128xf32, #tpu.memory_space<vmem_shared>>
      tpu.enqueue_dma source(%arg13 : memref<40x128xf32, #tpu.memory_space<vmem>>) target(%dma_start3A_82 : memref<40x128xf32, #tpu.memory_space<vmem_shared>>) target_semaphore(%arg23 : memref<!tpu.dma_semaphore, #tpu.memory_space<semaphore_mem>>)
    }
    %scan3A_52 = arith.constant 16 : i32
    %scan3A_53 = arith.constant 0 : i32
    %scan3A_54 = arith.constant 0 : i32
    %scan3A_55 = arith.constant 16 : i32
    %scan3A_56 = arith.addi %scan3A_54, %scan3A_55 : i32
    %scan3A_57 = arith.constant 1 : i32
    scf.for %scan3A_75 = %scan3A_54 to %scan3A_56 step %scan3A_57  : i32 {
      %mul3A_76 = arith.constant 40 : i32
      %mul3A_77 = arith.muli %scan3A_75, %mul3A_76 : i32
      %add3A_78 = arith.addi %mul3A_46, %mul3A_77 : i32
      %dma_wait3A = arith.constant 0 : i32
      %dma_wait3A_79 = tpu.memref_slice %arg6[%add3A_78, %dma_wait3A] : memref<10240x128xf32, #tpu.memory_space<vmem_shared>> -> memref<40x128xf32, #tpu.memory_space<vmem_shared>>
      %dma_wait3A_80 = arith.constant 0 : i32
      %dma_wait3A_81 = tpu.memref_slice %arg6[%add3A_78, %dma_wait3A_80] : memref<10240x128xf32, #tpu.memory_space<vmem_shared>> -> memref<40x128xf32, #tpu.memory_space<vmem_shared>>
      tpu.wait_dma2 semaphore(%arg23 : memref<!tpu.dma_semaphore, #tpu.memory_space<semaphore_mem>>) src(%arg13 : memref<40x128xf32, #tpu.memory_space<vmem>>) dst(%dma_wait3A_81 : memref<40x128xf32, #tpu.memory_space<vmem_shared>>)
    }
    %scan3A_58 = arith.constant 16 : i32
    %multiple_of3A_59 = arith.constant 0 : i32
    %multiple_of3A_60 = tpu.assume_multiple %multiple_of3A_59, 8 : i32
    %add3A_61 = arith.addi %add3A_5, %multiple_of3A_60 : i32
    %dma_start3A_62 = tpu.memref_slice %arg4[%add3A_61] : memref<320000xi32, #tpu.memory_space<hbm>> -> memref<40xi32, #tpu.memory_space<hbm>>
    %dma_start3A_63 = tpu.memref_slice %arg4[%add3A_61] : memref<320000xi32, #tpu.memory_space<hbm>> -> memref<40xi32, #tpu.memory_space<hbm>>
    tpu.enqueue_dma source(%dma_start3A_63 : memref<40xi32, #tpu.memory_space<hbm>>) target(%arg8 : memref<40xi32, #tpu.memory_space<vmem>>) target_semaphore(%arg28 : memref<!tpu.dma_semaphore, #tpu.memory_space<semaphore_mem>>)
    %dma_start3A_64 = tpu.memref_slice %arg7[%multiple_of3A_60] : memref<10000xi32, #tpu.memory_space<vmem>> -> memref<40xi32, #tpu.memory_space<vmem>>
    %dma_start3A_65 = arith.constant 0 : i32
    %dma_start3A_66 = arith.constant 0 : i32
    %dma_start3A_67 = tpu.memref_slice %arg2[%dma_start3A_65, %dma_start3A_66] : memref<10240x128xf32, #tpu.memory_space<hbm>> -> memref<10240x128xf32, #tpu.memory_space<hbm>>
    tpu.enqueue_indirect_dma source(%dma_start3A_67 : memref<10240x128xf32, #tpu.memory_space<hbm>>) target(%arg13 : memref<40x128xf32, #tpu.memory_space<vmem>>) offsets(%dma_start3A_64 : memref<40xi32, #tpu.memory_space<vmem>>) semaphore(%arg18 : memref<!tpu.dma_semaphore, #tpu.memory_space<semaphore_mem>>)
    %barrier3A = arith.constant 0 : index
    tpu.barrier barrier_id(%barrier3A)
    %scan3A_68 = arith.constant 0 : i32
    %scan3A_69 = arith.constant 0 : i32
    %scan3A_70 = arith.constant 50 : i32
    %scan3A_71 = arith.addi %scan3A_69, %scan3A_70 : i32
    %scan3A_72 = arith.constant 1 : i32
    scf.for %scan3A_75 = %scan3A_69 to %scan3A_71 step %scan3A_72  : i32 {
      %mul3A_76 = arith.constant 5 : i32
      %mul3A_77 = arith.muli %mul3A_76, %scan3A_75 : i32
      %add3A_78 = arith.constant 0 : i32
      %add3A_79 = arith.addi %mul3A_77, %add3A_78 : i32
      %mul3A_80 = arith.constant 40 : i32
      %mul3A_81 = arith.muli %add3A_79, %mul3A_80 : i32
      %multiple_of3A_82 = tpu.assume_multiple %mul3A_81, 8 : i32
      %add3A_83 = arith.addi %add3A_5, %multiple_of3A_82 : i32
      %dma_wait3A = tpu.memref_slice %arg4[%add3A_83] : memref<320000xi32, #tpu.memory_space<hbm>> -> memref<40xi32, #tpu.memory_space<hbm>>
      %dma_wait3A_84 = tpu.memref_slice %arg4[%add3A_83] : memref<320000xi32, #tpu.memory_space<hbm>> -> memref<40xi32, #tpu.memory_space<hbm>>
      tpu.wait_dma2 semaphore(%arg28 : memref<!tpu.dma_semaphore, #tpu.memory_space<semaphore_mem>>) src(%dma_wait3A_84 : memref<40xi32, #tpu.memory_space<hbm>>) dst(%arg8 : memref<40xi32, #tpu.memory_space<vmem>>)
      %dma_wait3A_85 = tpu.memref_slice %arg7[%multiple_of3A_82] : memref<10000xi32, #tpu.memory_space<vmem>> -> memref<40xi32, #tpu.memory_space<vmem>>
      %dma_wait3A_86 = arith.constant 0 : i32
      %dma_wait3A_87 = arith.constant 0 : i32
      %dma_wait3A_88 = tpu.memref_slice %arg2[%dma_wait3A_86, %dma_wait3A_87] : memref<10240x128xf32, #tpu.memory_space<hbm>> -> memref<10240x128xf32, #tpu.memory_space<hbm>>
      tpu.wait_indirect_dma semaphore(%arg18 : memref<!tpu.dma_semaphore, #tpu.memory_space<semaphore_mem>>) src(%dma_wait3A_88 : memref<10240x128xf32, #tpu.memory_space<hbm>>) dst(%arg13 : memref<40x128xf32, #tpu.memory_space<vmem>>)
      %dma_start3A_89 = arith.constant 0 : i32
      %dma_start3A_90 = arith.constant 0 : i32
      %dma_start3A_91 = tpu.memref_slice %arg6[%dma_start3A_89, %dma_start3A_90] : memref<10240x128xf32, #tpu.memory_space<vmem_shared>> -> memref<10240x128xf32, #tpu.memory_space<vmem_shared>>
      tpu.enqueue_indirect_dma source(%arg13 : memref<40x128xf32, #tpu.memory_space<vmem>>) target(%dma_start3A_91 : memref<10240x128xf32, #tpu.memory_space<vmem_shared>>) offsets(%arg8 : memref<40xi32, #tpu.memory_space<vmem>>) semaphore(%arg23 : memref<!tpu.dma_semaphore, #tpu.memory_space<semaphore_mem>>) {add = true}
      %mul3A_92 = arith.constant 5 : i32
      %mul3A_93 = arith.muli %mul3A_92, %scan3A_75 : i32
      %add3A_94 = arith.constant 1 : i32
      %add3A_95 = arith.addi %mul3A_93, %add3A_94 : i32
      %mul3A_96 = arith.constant 40 : i32
      %mul3A_97 = arith.muli %add3A_95, %mul3A_96 : i32
      %multiple_of3A_98 = tpu.assume_multiple %mul3A_97, 8 : i32
      %add3A_99 = arith.addi %add3A_5, %multiple_of3A_98 : i32
      %dma_wait3A_100 = tpu.memref_slice %arg4[%add3A_99] : memref<320000xi32, #tpu.memory_space<hbm>> -> memref<40xi32, #tpu.memory_space<hbm>>
      %dma_wait3A_101 = tpu.memref_slice %arg4[%add3A_99] : memref<320000xi32, #tpu.memory_space<hbm>> -> memref<40xi32, #tpu.memory_space<hbm>>
      tpu.wait_dma2 semaphore(%arg29 : memref<!tpu.dma_semaphore, #tpu.memory_space<semaphore_mem>>) src(%dma_wait3A_101 : memref<40xi32, #tpu.memory_space<hbm>>) dst(%arg9 : memref<40xi32, #tpu.memory_space<vmem>>)
      %dma_wait3A_102 = tpu.memref_slice %arg7[%multiple_of3A_98] : memref<10000xi32, #tpu.memory_space<vmem>> -> memref<40xi32, #tpu.memory_space<vmem>>
      %dma_wait3A_103 = arith.constant 0 : i32
      %dma_wait3A_104 = arith.constant 0 : i32
      %dma_wait3A_105 = tpu.memref_slice %arg2[%dma_wait3A_103, %dma_wait3A_104] : memref<10240x128xf32, #tpu.memory_space<hbm>> -> memref<10240x128xf32, #tpu.memory_space<hbm>>
      tpu.wait_indirect_dma semaphore(%arg19 : memref<!tpu.dma_semaphore, #tpu.memory_space<semaphore_mem>>) src(%dma_wait3A_105 : memref<10240x128xf32, #tpu.memory_space<hbm>>) dst(%arg14 : memref<40x128xf32, #tpu.memory_space<vmem>>)
      %dma_start3A_106 = arith.constant 0 : i32
      %dma_start3A_107 = arith.constant 0 : i32
      %dma_start3A_108 = tpu.memref_slice %arg6[%dma_start3A_106, %dma_start3A_107] : memref<10240x128xf32, #tpu.memory_space<vmem_shared>> -> memref<10240x128xf32, #tpu.memory_space<vmem_shared>>
      tpu.enqueue_indirect_dma source(%arg14 : memref<40x128xf32, #tpu.memory_space<vmem>>) target(%dma_start3A_108 : memref<10240x128xf32, #tpu.memory_space<vmem_shared>>) offsets(%arg9 : memref<40xi32, #tpu.memory_space<vmem>>) semaphore(%arg24 : memref<!tpu.dma_semaphore, #tpu.memory_space<semaphore_mem>>) {add = true}
      %mul3A_109 = arith.constant 5 : i32
      %mul3A_110 = arith.muli %mul3A_109, %scan3A_75 : i32
      %add3A_111 = arith.constant 2 : i32
      %add3A_112 = arith.addi %mul3A_110, %add3A_111 : i32
      %mul3A_113 = arith.constant 40 : i32
      %mul3A_114 = arith.muli %add3A_112, %mul3A_113 : i32
      %multiple_of3A_115 = tpu.assume_multiple %mul3A_114, 8 : i32
      %add3A_116 = arith.addi %add3A_5, %multiple_of3A_115 : i32
      %dma_wait3A_117 = tpu.memref_slice %arg4[%add3A_116] : memref<320000xi32, #tpu.memory_space<hbm>> -> memref<40xi32, #tpu.memory_space<hbm>>
      %dma_wait3A_118 = tpu.memref_slice %arg4[%add3A_116] : memref<320000xi32, #tpu.memory_space<hbm>> -> memref<40xi32, #tpu.memory_space<hbm>>
      tpu.wait_dma2 semaphore(%arg30 : memref<!tpu.dma_semaphore, #tpu.memory_space<semaphore_mem>>) src(%dma_wait3A_118 : memref<40xi32, #tpu.memory_space<hbm>>) dst(%arg10 : memref<40xi32, #tpu.memory_space<vmem>>)
      %dma_wait3A_119 = tpu.memref_slice %arg7[%multiple_of3A_115] : memref<10000xi32, #tpu.memory_space<vmem>> -> memref<40xi32, #tpu.memory_space<vmem>>
      %dma_wait3A_120 = arith.constant 0 : i32
      %dma_wait3A_121 = arith.constant 0 : i32
      %dma_wait3A_122 = tpu.memref_slice %arg2[%dma_wait3A_120, %dma_wait3A_121] : memref<10240x128xf32, #tpu.memory_space<hbm>> -> memref<10240x128xf32, #tpu.memory_space<hbm>>
      tpu.wait_indirect_dma semaphore(%arg20 : memref<!tpu.dma_semaphore, #tpu.memory_space<semaphore_mem>>) src(%dma_wait3A_122 : memref<10240x128xf32, #tpu.memory_space<hbm>>) dst(%arg15 : memref<40x128xf32, #tpu.memory_space<vmem>>)
      %dma_start3A_123 = arith.constant 0 : i32
      %dma_start3A_124 = arith.constant 0 : i32
      %dma_start3A_125 = tpu.memref_slice %arg6[%dma_start3A_123, %dma_start3A_124] : memref<10240x128xf32, #tpu.memory_space<vmem_shared>> -> memref<10240x128xf32, #tpu.memory_space<vmem_shared>>
      tpu.enqueue_indirect_dma source(%arg15 : memref<40x128xf32, #tpu.memory_space<vmem>>) target(%dma_start3A_125 : memref<10240x128xf32, #tpu.memory_space<vmem_shared>>) offsets(%arg10 : memref<40xi32, #tpu.memory_space<vmem>>) semaphore(%arg25 : memref<!tpu.dma_semaphore, #tpu.memory_space<semaphore_mem>>) {add = true}
      %mul3A_126 = arith.constant 5 : i32
      %mul3A_127 = arith.muli %mul3A_126, %scan3A_75 : i32
      %add3A_128 = arith.constant 3 : i32
      %add3A_129 = arith.addi %mul3A_127, %add3A_128 : i32
      %mul3A_130 = arith.constant 40 : i32
      %mul3A_131 = arith.muli %add3A_129, %mul3A_130 : i32
      %multiple_of3A_132 = tpu.assume_multiple %mul3A_131, 8 : i32
      %add3A_133 = arith.addi %add3A_5, %multiple_of3A_132 : i32
      %dma_wait3A_134 = tpu.memref_slice %arg4[%add3A_133] : memref<320000xi32, #tpu.memory_space<hbm>> -> memref<40xi32, #tpu.memory_space<hbm>>
      %dma_wait3A_135 = tpu.memref_slice %arg4[%add3A_133] : memref<320000xi32, #tpu.memory_space<hbm>> -> memref<40xi32, #tpu.memory_space<hbm>>
      tpu.wait_dma2 semaphore(%arg31 : memref<!tpu.dma_semaphore, #tpu.memory_space<semaphore_mem>>) src(%dma_wait3A_135 : memref<40xi32, #tpu.memory_space<hbm>>) dst(%arg11 : memref<40xi32, #tpu.memory_space<vmem>>)
      %dma_wait3A_136 = tpu.memref_slice %arg7[%multiple_of3A_132] : memref<10000xi32, #tpu.memory_space<vmem>> -> memref<40xi32, #tpu.memory_space<vmem>>
      %dma_wait3A_137 = arith.constant 0 : i32
      %dma_wait3A_138 = arith.constant 0 : i32
      %dma_wait3A_139 = tpu.memref_slice %arg2[%dma_wait3A_137, %dma_wait3A_138] : memref<10240x128xf32, #tpu.memory_space<hbm>> -> memref<10240x128xf32, #tpu.memory_space<hbm>>
      tpu.wait_indirect_dma semaphore(%arg21 : memref<!tpu.dma_semaphore, #tpu.memory_space<semaphore_mem>>) src(%dma_wait3A_139 : memref<10240x128xf32, #tpu.memory_space<hbm>>) dst(%arg16 : memref<40x128xf32, #tpu.memory_space<vmem>>)
      %dma_start3A_140 = arith.constant 0 : i32
      %dma_start3A_141 = arith.constant 0 : i32
      %dma_start3A_142 = tpu.memref_slice %arg6[%dma_start3A_140, %dma_start3A_141] : memref<10240x128xf32, #tpu.memory_space<vmem_shared>> -> memref<10240x128xf32, #tpu.memory_space<vmem_shared>>
      tpu.enqueue_indirect_dma source(%arg16 : memref<40x128xf32, #tpu.memory_space<vmem>>) target(%dma_start3A_142 : memref<10240x128xf32, #tpu.memory_space<vmem_shared>>) offsets(%arg11 : memref<40xi32, #tpu.memory_space<vmem>>) semaphore(%arg26 : memref<!tpu.dma_semaphore, #tpu.memory_space<semaphore_mem>>) {add = true}
      %mul3A_143 = arith.constant 5 : i32
      %mul3A_144 = arith.muli %mul3A_143, %scan3A_75 : i32
      %add3A_145 = arith.constant 4 : i32
      %add3A_146 = arith.addi %mul3A_144, %add3A_145 : i32
      %mul3A_147 = arith.constant 40 : i32
      %mul3A_148 = arith.muli %add3A_146, %mul3A_147 : i32
      %multiple_of3A_149 = tpu.assume_multiple %mul3A_148, 8 : i32
      %add3A_150 = arith.addi %add3A_5, %multiple_of3A_149 : i32
      %dma_wait3A_151 = tpu.memref_slice %arg4[%add3A_150] : memref<320000xi32, #tpu.memory_space<hbm>> -> memref<40xi32, #tpu.memory_space<hbm>>
      %dma_wait3A_152 = tpu.memref_slice %arg4[%add3A_150] : memref<320000xi32, #tpu.memory_space<hbm>> -> memref<40xi32, #tpu.memory_space<hbm>>
      tpu.wait_dma2 semaphore(%arg32 : memref<!tpu.dma_semaphore, #tpu.memory_space<semaphore_mem>>) src(%dma_wait3A_152 : memref<40xi32, #tpu.memory_space<hbm>>) dst(%arg12 : memref<40xi32, #tpu.memory_space<vmem>>)
      %dma_wait3A_153 = tpu.memref_slice %arg7[%multiple_of3A_149] : memref<10000xi32, #tpu.memory_space<vmem>> -> memref<40xi32, #tpu.memory_space<vmem>>
      %dma_wait3A_154 = arith.constant 0 : i32
      %dma_wait3A_155 = arith.constant 0 : i32
      %dma_wait3A_156 = tpu.memref_slice %arg2[%dma_wait3A_154, %dma_wait3A_155] : memref<10240x128xf32, #tpu.memory_space<hbm>> -> memref<10240x128xf32, #tpu.memory_space<hbm>>
      tpu.wait_indirect_dma semaphore(%arg22 : memref<!tpu.dma_semaphore, #tpu.memory_space<semaphore_mem>>) src(%dma_wait3A_156 : memref<10240x128xf32, #tpu.memory_space<hbm>>) dst(%arg17 : memref<40x128xf32, #tpu.memory_space<vmem>>)
      %dma_start3A_157 = arith.constant 0 : i32
      %dma_start3A_158 = arith.constant 0 : i32
      %dma_start3A_159 = tpu.memref_slice %arg6[%dma_start3A_157, %dma_start3A_158] : memref<10240x128xf32, #tpu.memory_space<vmem_shared>> -> memref<10240x128xf32, #tpu.memory_space<vmem_shared>>
      tpu.enqueue_indirect_dma source(%arg17 : memref<40x128xf32, #tpu.memory_space<vmem>>) target(%dma_start3A_159 : memref<10240x128xf32, #tpu.memory_space<vmem_shared>>) offsets(%arg12 : memref<40xi32, #tpu.memory_space<vmem>>) semaphore(%arg27 : memref<!tpu.dma_semaphore, #tpu.memory_space<semaphore_mem>>) {add = true}
      %dma_wait3A_160 = arith.constant 0 : i32
      %dma_wait3A_161 = arith.constant 0 : i32
      %dma_wait3A_162 = tpu.memref_slice %arg6[%dma_wait3A_160, %dma_wait3A_161] : memref<10240x128xf32, #tpu.memory_space<vmem_shared>> -> memref<10240x128xf32, #tpu.memory_space<vmem_shared>>
      tpu.wait_indirect_dma semaphore(%arg23 : memref<!tpu.dma_semaphore, #tpu.memory_space<semaphore_mem>>) src(%arg13 : memref<40x128xf32, #tpu.memory_space<vmem>>) dst(%dma_wait3A_162 : memref<10240x128xf32, #tpu.memory_space<vmem_shared>>)
      %lt3A = arith.constant 49 : i32
      %lt3A_163 = arith.cmpi slt, %scan3A_75, %lt3A : i32
      %convert_element_type3A = arith.extui %lt3A_163 : i1 to i32
      %cond3A = arith.constant 0 : i32
      %cond3A_164 = arith.cmpi ne, %convert_element_type3A, %cond3A : i32
      scf.if %cond3A_164 {
        %add3A_197 = arith.constant 1 : i32
        %add3A_198 = arith.addi %scan3A_75, %add3A_197 : i32
        %mul3A_199 = arith.constant 5 : i32
        %mul3A_200 = arith.muli %mul3A_199, %add3A_198 : i32
        %add3A_201 = arith.constant 0 : i32
        %add3A_202 = arith.addi %mul3A_200, %add3A_201 : i32
        %mul3A_203 = arith.constant 40 : i32
        %mul3A_204 = arith.muli %add3A_202, %mul3A_203 : i32
        %multiple_of3A_205 = tpu.assume_multiple %mul3A_204, 8 : i32
        %add3A_206 = arith.addi %add3A_5, %multiple_of3A_205 : i32
        %dma_start3A_207 = tpu.memref_slice %arg4[%add3A_206] : memref<320000xi32, #tpu.memory_space<hbm>> -> memref<40xi32, #tpu.memory_space<hbm>>
        %dma_start3A_208 = tpu.memref_slice %arg4[%add3A_206] : memref<320000xi32, #tpu.memory_space<hbm>> -> memref<40xi32, #tpu.memory_space<hbm>>
        tpu.enqueue_dma source(%dma_start3A_208 : memref<40xi32, #tpu.memory_space<hbm>>) target(%arg8 : memref<40xi32, #tpu.memory_space<vmem>>) target_semaphore(%arg28 : memref<!tpu.dma_semaphore, #tpu.memory_space<semaphore_mem>>)
        %dma_start3A_209 = tpu.memref_slice %arg7[%multiple_of3A_205] : memref<10000xi32, #tpu.memory_space<vmem>> -> memref<40xi32, #tpu.memory_space<vmem>>
        %dma_start3A_210 = arith.constant 0 : i32
        %dma_start3A_211 = arith.constant 0 : i32
        %dma_start3A_212 = tpu.memref_slice %arg2[%dma_start3A_210, %dma_start3A_211] : memref<10240x128xf32, #tpu.memory_space<hbm>> -> memref<10240x128xf32, #tpu.memory_space<hbm>>
        tpu.enqueue_indirect_dma source(%dma_start3A_212 : memref<10240x128xf32, #tpu.memory_space<hbm>>) target(%arg13 : memref<40x128xf32, #tpu.memory_space<vmem>>) offsets(%dma_start3A_209 : memref<40xi32, #tpu.memory_space<vmem>>) semaphore(%arg18 : memref<!tpu.dma_semaphore, #tpu.memory_space<semaphore_mem>>)
      } else {
      }
      %dma_wait3A_165 = arith.constant 0 : i32
      %dma_wait3A_166 = arith.constant 0 : i32
      %dma_wait3A_167 = tpu.memref_slice %arg6[%dma_wait3A_165, %dma_wait3A_166] : memref<10240x128xf32, #tpu.memory_space<vmem_shared>> -> memref<10240x128xf32, #tpu.memory_space<vmem_shared>>
      tpu.wait_indirect_dma semaphore(%arg24 : memref<!tpu.dma_semaphore, #tpu.memory_space<semaphore_mem>>) src(%arg14 : memref<40x128xf32, #tpu.memory_space<vmem>>) dst(%dma_wait3A_167 : memref<10240x128xf32, #tpu.memory_space<vmem_shared>>)
      %lt3A_168 = arith.constant 49 : i32
      %lt3A_169 = arith.cmpi slt, %scan3A_75, %lt3A_168 : i32
      %convert_element_type3A_170 = arith.extui %lt3A_169 : i1 to i32
      %cond3A_171 = arith.constant 0 : i32
      %cond3A_172 = arith.cmpi ne, %convert_element_type3A_170, %cond3A_171 : i32
      scf.if %cond3A_172 {
        %add3A_197 = arith.constant 1 : i32
        %add3A_198 = arith.addi %scan3A_75, %add3A_197 : i32
        %mul3A_199 = arith.constant 5 : i32
        %mul3A_200 = arith.muli %mul3A_199, %add3A_198 : i32
        %add3A_201 = arith.constant 1 : i32
        %add3A_202 = arith.addi %mul3A_200, %add3A_201 : i32
        %mul3A_203 = arith.constant 40 : i32
        %mul3A_204 = arith.muli %add3A_202, %mul3A_203 : i32
        %multiple_of3A_205 = tpu.assume_multiple %mul3A_204, 8 : i32
        %add3A_206 = arith.addi %add3A_5, %multiple_of3A_205 : i32
        %dma_start3A_207 = tpu.memref_slice %arg4[%add3A_206] : memref<320000xi32, #tpu.memory_space<hbm>> -> memref<40xi32, #tpu.memory_space<hbm>>
        %dma_start3A_208 = tpu.memref_slice %arg4[%add3A_206] : memref<320000xi32, #tpu.memory_space<hbm>> -> memref<40xi32, #tpu.memory_space<hbm>>
        tpu.enqueue_dma source(%dma_start3A_208 : memref<40xi32, #tpu.memory_space<hbm>>) target(%arg9 : memref<40xi32, #tpu.memory_space<vmem>>) target_semaphore(%arg29 : memref<!tpu.dma_semaphore, #tpu.memory_space<semaphore_mem>>)
        %dma_start3A_209 = tpu.memref_slice %arg7[%multiple_of3A_205] : memref<10000xi32, #tpu.memory_space<vmem>> -> memref<40xi32, #tpu.memory_space<vmem>>
        %dma_start3A_210 = arith.constant 0 : i32
        %dma_start3A_211 = arith.constant 0 : i32
        %dma_start3A_212 = tpu.memref_slice %arg2[%dma_start3A_210, %dma_start3A_211] : memref<10240x128xf32, #tpu.memory_space<hbm>> -> memref<10240x128xf32, #tpu.memory_space<hbm>>
        tpu.enqueue_indirect_dma source(%dma_start3A_212 : memref<10240x128xf32, #tpu.memory_space<hbm>>) target(%arg14 : memref<40x128xf32, #tpu.memory_space<vmem>>) offsets(%dma_start3A_209 : memref<40xi32, #tpu.memory_space<vmem>>) semaphore(%arg19 : memref<!tpu.dma_semaphore, #tpu.memory_space<semaphore_mem>>)
      } else {
      }
      %dma_wait3A_173 = arith.constant 0 : i32
      %dma_wait3A_174 = arith.constant 0 : i32
      %dma_wait3A_175 = tpu.memref_slice %arg6[%dma_wait3A_173, %dma_wait3A_174] : memref<10240x128xf32, #tpu.memory_space<vmem_shared>> -> memref<10240x128xf32, #tpu.memory_space<vmem_shared>>
      tpu.wait_indirect_dma semaphore(%arg25 : memref<!tpu.dma_semaphore, #tpu.memory_space<semaphore_mem>>) src(%arg15 : memref<40x128xf32, #tpu.memory_space<vmem>>) dst(%dma_wait3A_175 : memref<10240x128xf32, #tpu.memory_space<vmem_shared>>)
      %lt3A_176 = arith.constant 49 : i32
      %lt3A_177 = arith.cmpi slt, %scan3A_75, %lt3A_176 : i32
      %convert_element_type3A_178 = arith.extui %lt3A_177 : i1 to i32
      %cond3A_179 = arith.constant 0 : i32
      %cond3A_180 = arith.cmpi ne, %convert_element_type3A_178, %cond3A_179 : i32
      scf.if %cond3A_180 {
        %add3A_197 = arith.constant 1 : i32
        %add3A_198 = arith.addi %scan3A_75, %add3A_197 : i32
        %mul3A_199 = arith.constant 5 : i32
        %mul3A_200 = arith.muli %mul3A_199, %add3A_198 : i32
        %add3A_201 = arith.constant 2 : i32
        %add3A_202 = arith.addi %mul3A_200, %add3A_201 : i32
        %mul3A_203 = arith.constant 40 : i32
        %mul3A_204 = arith.muli %add3A_202, %mul3A_203 : i32
        %multiple_of3A_205 = tpu.assume_multiple %mul3A_204, 8 : i32
        %add3A_206 = arith.addi %add3A_5, %multiple_of3A_205 : i32
        %dma_start3A_207 = tpu.memref_slice %arg4[%add3A_206] : memref<320000xi32, #tpu.memory_space<hbm>> -> memref<40xi32, #tpu.memory_space<hbm>>
        %dma_start3A_208 = tpu.memref_slice %arg4[%add3A_206] : memref<320000xi32, #tpu.memory_space<hbm>> -> memref<40xi32, #tpu.memory_space<hbm>>
        tpu.enqueue_dma source(%dma_start3A_208 : memref<40xi32, #tpu.memory_space<hbm>>) target(%arg10 : memref<40xi32, #tpu.memory_space<vmem>>) target_semaphore(%arg30 : memref<!tpu.dma_semaphore, #tpu.memory_space<semaphore_mem>>)
        %dma_start3A_209 = tpu.memref_slice %arg7[%multiple_of3A_205] : memref<10000xi32, #tpu.memory_space<vmem>> -> memref<40xi32, #tpu.memory_space<vmem>>
        %dma_start3A_210 = arith.constant 0 : i32
        %dma_start3A_211 = arith.constant 0 : i32
        %dma_start3A_212 = tpu.memref_slice %arg2[%dma_start3A_210, %dma_start3A_211] : memref<10240x128xf32, #tpu.memory_space<hbm>> -> memref<10240x128xf32, #tpu.memory_space<hbm>>
        tpu.enqueue_indirect_dma source(%dma_start3A_212 : memref<10240x128xf32, #tpu.memory_space<hbm>>) target(%arg15 : memref<40x128xf32, #tpu.memory_space<vmem>>) offsets(%dma_start3A_209 : memref<40xi32, #tpu.memory_space<vmem>>) semaphore(%arg20 : memref<!tpu.dma_semaphore, #tpu.memory_space<semaphore_mem>>)
      } else {
      }
      %dma_wait3A_181 = arith.constant 0 : i32
      %dma_wait3A_182 = arith.constant 0 : i32
      %dma_wait3A_183 = tpu.memref_slice %arg6[%dma_wait3A_181, %dma_wait3A_182] : memref<10240x128xf32, #tpu.memory_space<vmem_shared>> -> memref<10240x128xf32, #tpu.memory_space<vmem_shared>>
      tpu.wait_indirect_dma semaphore(%arg26 : memref<!tpu.dma_semaphore, #tpu.memory_space<semaphore_mem>>) src(%arg16 : memref<40x128xf32, #tpu.memory_space<vmem>>) dst(%dma_wait3A_183 : memref<10240x128xf32, #tpu.memory_space<vmem_shared>>)
      %lt3A_184 = arith.constant 49 : i32
      %lt3A_185 = arith.cmpi slt, %scan3A_75, %lt3A_184 : i32
      %convert_element_type3A_186 = arith.extui %lt3A_185 : i1 to i32
      %cond3A_187 = arith.constant 0 : i32
      %cond3A_188 = arith.cmpi ne, %convert_element_type3A_186, %cond3A_187 : i32
      scf.if %cond3A_188 {
        %add3A_197 = arith.constant 1 : i32
        %add3A_198 = arith.addi %scan3A_75, %add3A_197 : i32
        %mul3A_199 = arith.constant 5 : i32
        %mul3A_200 = arith.muli %mul3A_199, %add3A_198 : i32
        %add3A_201 = arith.constant 3 : i32
        %add3A_202 = arith.addi %mul3A_200, %add3A_201 : i32
        %mul3A_203 = arith.constant 40 : i32
        %mul3A_204 = arith.muli %add3A_202, %mul3A_203 : i32
        %multiple_of3A_205 = tpu.assume_multiple %mul3A_204, 8 : i32
        %add3A_206 = arith.addi %add3A_5, %multiple_of3A_205 : i32
        %dma_start3A_207 = tpu.memref_slice %arg4[%add3A_206] : memref<320000xi32, #tpu.memory_space<hbm>> -> memref<40xi32, #tpu.memory_space<hbm>>
        %dma_start3A_208 = tpu.memref_slice %arg4[%add3A_206] : memref<320000xi32, #tpu.memory_space<hbm>> -> memref<40xi32, #tpu.memory_space<hbm>>
        tpu.enqueue_dma source(%dma_start3A_208 : memref<40xi32, #tpu.memory_space<hbm>>) target(%arg11 : memref<40xi32, #tpu.memory_space<vmem>>) target_semaphore(%arg31 : memref<!tpu.dma_semaphore, #tpu.memory_space<semaphore_mem>>)
        %dma_start3A_209 = tpu.memref_slice %arg7[%multiple_of3A_205] : memref<10000xi32, #tpu.memory_space<vmem>> -> memref<40xi32, #tpu.memory_space<vmem>>
        %dma_start3A_210 = arith.constant 0 : i32
        %dma_start3A_211 = arith.constant 0 : i32
        %dma_start3A_212 = tpu.memref_slice %arg2[%dma_start3A_210, %dma_start3A_211] : memref<10240x128xf32, #tpu.memory_space<hbm>> -> memref<10240x128xf32, #tpu.memory_space<hbm>>
        tpu.enqueue_indirect_dma source(%dma_start3A_212 : memref<10240x128xf32, #tpu.memory_space<hbm>>) target(%arg16 : memref<40x128xf32, #tpu.memory_space<vmem>>) offsets(%dma_start3A_209 : memref<40xi32, #tpu.memory_space<vmem>>) semaphore(%arg21 : memref<!tpu.dma_semaphore, #tpu.memory_space<semaphore_mem>>)
      } else {
      }
      %dma_wait3A_189 = arith.constant 0 : i32
      %dma_wait3A_190 = arith.constant 0 : i32
      %dma_wait3A_191 = tpu.memref_slice %arg6[%dma_wait3A_189, %dma_wait3A_190] : memref<10240x128xf32, #tpu.memory_space<vmem_shared>> -> memref<10240x128xf32, #tpu.memory_space<vmem_shared>>
      tpu.wait_indirect_dma semaphore(%arg27 : memref<!tpu.dma_semaphore, #tpu.memory_space<semaphore_mem>>) src(%arg17 : memref<40x128xf32, #tpu.memory_space<vmem>>) dst(%dma_wait3A_191 : memref<10240x128xf32, #tpu.memory_space<vmem_shared>>)
      %lt3A_192 = arith.constant 49 : i32
      %lt3A_193 = arith.cmpi slt, %scan3A_75, %lt3A_192 : i32
      %convert_element_type3A_194 = arith.extui %lt3A_193 : i1 to i32
      %cond3A_195 = arith.constant 0 : i32
      %cond3A_196 = arith.cmpi ne, %convert_element_type3A_194, %cond3A_195 : i32
      scf.if %cond3A_196 {
        %add3A_197 = arith.constant 1 : i32
        %add3A_198 = arith.addi %scan3A_75, %add3A_197 : i32
        %mul3A_199 = arith.constant 5 : i32
        %mul3A_200 = arith.muli %mul3A_199, %add3A_198 : i32
        %add3A_201 = arith.constant 4 : i32
        %add3A_202 = arith.addi %mul3A_200, %add3A_201 : i32
        %mul3A_203 = arith.constant 40 : i32
        %mul3A_204 = arith.muli %add3A_202, %mul3A_203 : i32
        %multiple_of3A_205 = tpu.assume_multiple %mul3A_204, 8 : i32
        %add3A_206 = arith.addi %add3A_5, %multiple_of3A_205 : i32
        %dma_start3A_207 = tpu.memref_slice %arg4[%add3A_206] : memref<320000xi32, #tpu.memory_space<hbm>> -> memref<40xi32, #tpu.memory_space<hbm>>
        %dma_start3A_208 = tpu.memref_slice %arg4[%add3A_206] : memref<320000xi32, #tpu.memory_space<hbm>> -> memref<40xi32, #tpu.memory_space<hbm>>
        tpu.enqueue_dma source(%dma_start3A_208 : memref<40xi32, #tpu.memory_space<hbm>>) target(%arg12 : memref<40xi32, #tpu.memory_space<vmem>>) target_semaphore(%arg32 : memref<!tpu.dma_semaphore, #tpu.memory_space<semaphore_mem>>)
        %dma_start3A_209 = tpu.memref_slice %arg7[%multiple_of3A_205] : memref<10000xi32, #tpu.memory_space<vmem>> -> memref<40xi32, #tpu.memory_space<vmem>>
        %dma_start3A_210 = arith.constant 0 : i32
        %dma_start3A_211 = arith.constant 0 : i32
        %dma_start3A_212 = tpu.memref_slice %arg2[%dma_start3A_210, %dma_start3A_211] : memref<10240x128xf32, #tpu.memory_space<hbm>> -> memref<10240x128xf32, #tpu.memory_space<hbm>>
        tpu.enqueue_indirect_dma source(%dma_start3A_212 : memref<10240x128xf32, #tpu.memory_space<hbm>>) target(%arg17 : memref<40x128xf32, #tpu.memory_space<vmem>>) offsets(%dma_start3A_209 : memref<40xi32, #tpu.memory_space<vmem>>) semaphore(%arg22 : memref<!tpu.dma_semaphore, #tpu.memory_space<semaphore_mem>>)
      } else {
      }
    }
    %scan3A_73 = arith.constant 50 : i32
    %barrier3A_74 = arith.constant 0 : index
    tpu.barrier barrier_id(%barrier3A_74)
    "tpu.region"() ({
      %run_scoped3A = tpu.sem_alloc : memref<!tpu.dma_semaphore, #tpu.memory_space<semaphore_mem>>
      %dma_start3A_75 = arith.constant 0 : i32
      %dma_start3A_76 = tpu.memref_slice %arg5[%arg0, %mul3A_46, %dma_start3A_75] : memref<2x10240x128xf32, #tpu.memory_space<hbm>> -> memref<1x640x128xf32, #tpu.memory_space<hbm>>
      %dma_start3A_77 = tpu.memref_squeeze %dma_start3A_76 : memref<1x640x128xf32, #tpu.memory_space<hbm>> -> memref<640x128xf32, #tpu.memory_space<hbm>>
      %dma_start3A_78 = arith.constant 0 : i32
      %dma_start3A_79 = tpu.memref_slice %arg6[%mul3A_46, %dma_start3A_78] : memref<10240x128xf32, #tpu.memory_space<vmem_shared>> -> memref<640x128xf32, #tpu.memory_space<vmem_shared>>
      tpu.enqueue_dma source(%dma_start3A_79 : memref<640x128xf32, #tpu.memory_space<vmem_shared>>) target(%dma_start3A_77 : memref<640x128xf32, #tpu.memory_space<hbm>>) target_semaphore(%run_scoped3A : memref<!tpu.dma_semaphore, #tpu.memory_space<semaphore_mem>>)
      %dma_wait3A = arith.constant 0 : i32
      %dma_wait3A_80 = tpu.memref_slice %arg5[%arg0, %mul3A_46, %dma_wait3A] : memref<2x10240x128xf32, #tpu.memory_space<hbm>> -> memref<1x640x128xf32, #tpu.memory_space<hbm>>
      %dma_wait3A_81 = tpu.memref_squeeze %dma_wait3A_80 : memref<1x640x128xf32, #tpu.memory_space<hbm>> -> memref<640x128xf32, #tpu.memory_space<hbm>>
      %dma_wait3A_82 = arith.constant 0 : i32
      %dma_wait3A_83 = tpu.memref_slice %arg6[%mul3A_46, %dma_wait3A_82] : memref<10240x128xf32, #tpu.memory_space<vmem_shared>> -> memref<640x128xf32, #tpu.memory_space<vmem_shared>>
      tpu.wait_dma2 semaphore(%run_scoped3A : memref<!tpu.dma_semaphore, #tpu.memory_space<semaphore_mem>>) src(%dma_wait3A_83 : memref<640x128xf32, #tpu.memory_space<vmem_shared>>) dst(%dma_wait3A_81 : memref<640x128xf32, #tpu.memory_space<hbm>>)
      tpu.yield
    }) : () -> ()
    return
  }
}

#map = affine_map<(d0, d1) -> (0, 0)>
#map1 = affine_map<(d0, d1) -> (0)>
#map2 = affine_map<(d0, d1) -> (0, 0, 0)>
module attributes {stable_mosaic.version = 14 : i64} {
  func.func @_spmm_body(%arg0: i32, %arg1: i32, %arg2: memref<10240x128xf32, #tpu.memory_space<hbm>>, %arg3: memref<32x10000xi32, #tpu.memory_space<hbm>>, %arg4: memref<320000xi32, #tpu.memory_space<hbm>>, %arg5: memref<2x10240x128xf32, #tpu.memory_space<hbm>>, %arg6: memref<10240x128xf32, #tpu.memory_space<vmem_shared>>, %arg7: memref<10000xi32, #tpu.memory_space<vmem>>, %arg8: memref<40xi32, #tpu.memory_space<vmem>>, %arg9: memref<40xi32, #tpu.memory_space<vmem>>, %arg10: memref<40xi32, #tpu.memory_space<vmem>>, %arg11: memref<40xi32, #tpu.memory_space<vmem>>, %arg12: memref<40xi32, #tpu.memory_space<vmem>>, %arg13: memref<40x128xf32, #tpu.memory_space<vmem>>, %arg14: memref<40x128xf32, #tpu.memory_space<vmem>>, %arg15: memref<40x128xf32, #tpu.memory_space<vmem>>, %arg16: memref<40x128xf32, #tpu.memory_space<vmem>>, %arg17: memref<40x128xf32, #tpu.memory_space<vmem>>, %arg18: memref<!tpu.dma_semaphore, #tpu.memory_space<semaphore_mem>>, %arg19: memref<!tpu.dma_semaphore, #tpu.memory_space<semaphore_mem>>, %arg20: memref<!tpu.dma_semaphore, #tpu.memory_space<semaphore_mem>>, %arg21: memref<!tpu.dma_semaphore, #tpu.memory_space<semaphore_mem>>, %arg22: memref<!tpu.dma_semaphore, #tpu.memory_space<semaphore_mem>>, %arg23: memref<!tpu.dma_semaphore, #tpu.memory_space<semaphore_mem>>, %arg24: memref<!tpu.dma_semaphore, #tpu.memory_space<semaphore_mem>>, %arg25: memref<!tpu.dma_semaphore, #tpu.memory_space<semaphore_mem>>, %arg26: memref<!tpu.dma_semaphore, #tpu.memory_space<semaphore_mem>>, %arg27: memref<!tpu.dma_semaphore, #tpu.memory_space<semaphore_mem>>, %arg28: memref<!tpu.dma_semaphore, #tpu.memory_space<semaphore_mem>>, %arg29: memref<!tpu.dma_semaphore, #tpu.memory_space<semaphore_mem>>, %arg30: memref<!tpu.dma_semaphore, #tpu.memory_space<semaphore_mem>>, %arg31: memref<!tpu.dma_semaphore, #tpu.memory_space<semaphore_mem>>, %arg32: memref<!tpu.dma_semaphore, #tpu.memory_space<semaphore_mem>>) attributes {dimension_semantics = [#tpu.dimension_semantics<core_parallel>, #tpu.dimension_semantics<subcore_parallel>], iteration_bounds = array<i64: 2, 16>, scalar_prefetch = 0 : i64, scratch_operands = 27 : i64, tpu.core_type = #tpu.core_type<sc_vector_subcore>, window_params = [{transform_indices = #map}, {transform_indices = #map}, {transform_indices = #map1}, {transform_indices = #map2}]} {
    %mul3A = arith.constant 16 : i32
    %mul3A_0 = arith.muli %arg0, %mul3A : i32
    %add3A = arith.addi %mul3A_0, %arg1 : i32
    %mul3A_1 = arith.constant 160000 : i32
    %mul3A_2 = arith.muli %arg0, %mul3A_1 : i32
    %mul3A_3 = arith.constant 10000 : i32
    %mul3A_4 = arith.muli %arg1, %mul3A_3 : i32
    %add3A_5 = arith.addi %mul3A_2, %mul3A_4 : i32
    "tpu.region"() ({
      %run_scoped3A = tpu.sem_alloc : memref<!tpu.dma_semaphore, #tpu.memory_space<semaphore_mem>>
      %dma_start3A_75 = arith.constant 0 : i32
      %dma_start3A_76 = tpu.memref_slice %arg3[%add3A, %dma_start3A_75] : memref<32x10000xi32, #tpu.memory_space<hbm>> -> memref<1x10000xi32, #tpu.memory_space<hbm>>
      %dma_start3A_77 = tpu.memref_squeeze %dma_start3A_76 : memref<1x10000xi32, #tpu.memory_space<hbm>> -> memref<10000xi32, #tpu.memory_space<hbm>>
      %dma_start3A_78 = arith.constant 0 : i32
      %dma_start3A_79 = tpu.memref_slice %arg3[%add3A, %dma_start3A_78] : memref<32x10000xi32, #tpu.memory_space<hbm>> -> memref<1x10000xi32, #tpu.memory_space<hbm>>
      %dma_start3A_80 = tpu.memref_squeeze %dma_start3A_79 : memref<1x10000xi32, #tpu.memory_space<hbm>> -> memref<10000xi32, #tpu.memory_space<hbm>>
      tpu.enqueue_dma source(%dma_start3A_80 : memref<10000xi32, #tpu.memory_space<hbm>>) target(%arg7 : memref<10000xi32, #tpu.memory_space<vmem>>) target_semaphore(%run_scoped3A : memref<!tpu.dma_semaphore, #tpu.memory_space<semaphore_mem>>)
      %dma_wait3A = arith.constant 0 : i32
      %dma_wait3A_81 = tpu.memref_slice %arg3[%add3A, %dma_wait3A] : memref<32x10000xi32, #tpu.memory_space<hbm>> -> memref<1x10000xi32, #tpu.memory_space<hbm>>
      %dma_wait3A_82 = tpu.memref_squeeze %dma_wait3A_81 : memref<1x10000xi32, #tpu.memory_space<hbm>> -> memref<10000xi32, #tpu.memory_space<hbm>>
      %dma_wait3A_83 = arith.constant 0 : i32
      %dma_wait3A_84 = tpu.memref_slice %arg3[%add3A, %dma_wait3A_83] : memref<32x10000xi32, #tpu.memory_space<hbm>> -> memref<1x10000xi32, #tpu.memory_space<hbm>>
      %dma_wait3A_85 = tpu.memref_squeeze %dma_wait3A_84 : memref<1x10000xi32, #tpu.memory_space<hbm>> -> memref<10000xi32, #tpu.memory_space<hbm>>
      tpu.wait_dma2 semaphore(%run_scoped3A : memref<!tpu.dma_semaphore, #tpu.memory_space<semaphore_mem>>) src(%dma_wait3A_85 : memref<10000xi32, #tpu.memory_space<hbm>>) dst(%arg7 : memref<10000xi32, #tpu.memory_space<vmem>>)
      tpu.yield
    }) : () -> ()
    %multiple_of3A = arith.constant 40 : i32
    %multiple_of3A_6 = tpu.assume_multiple %multiple_of3A, 8 : i32
    %add3A_7 = arith.addi %add3A_5, %multiple_of3A_6 : i32
    %dma_start3A = tpu.memref_slice %arg4[%add3A_7] : memref<320000xi32, #tpu.memory_space<hbm>> -> memref<40xi32, #tpu.memory_space<hbm>>
    %dma_start3A_8 = tpu.memref_slice %arg4[%add3A_7] : memref<320000xi32, #tpu.memory_space<hbm>> -> memref<40xi32, #tpu.memory_space<hbm>>
    tpu.enqueue_dma source(%dma_start3A_8 : memref<40xi32, #tpu.memory_space<hbm>>) target(%arg9 : memref<40xi32, #tpu.memory_space<vmem>>) target_semaphore(%arg29 : memref<!tpu.dma_semaphore, #tpu.memory_space<semaphore_mem>>)
    %dma_start3A_9 = tpu.memref_slice %arg7[%multiple_of3A_6] : memref<10000xi32, #tpu.memory_space<vmem>> -> memref<40xi32, #tpu.memory_space<vmem>>
    %dma_start3A_10 = arith.constant 0 : i32
    %dma_start3A_11 = arith.constant 0 : i32
    %dma_start3A_12 = tpu.memref_slice %arg2[%dma_start3A_10, %dma_start3A_11] : memref<10240x128xf32, #tpu.memory_space<hbm>> -> memref<10240x128xf32, #tpu.memory_space<hbm>>
    tpu.enqueue_indirect_dma source(%dma_start3A_12 : memref<10240x128xf32, #tpu.memory_space<hbm>>) target(%arg14 : memref<40x128xf32, #tpu.memory_space<vmem>>) offsets(%dma_start3A_9 : memref<40xi32, #tpu.memory_space<vmem>>) semaphore(%arg19 : memref<!tpu.dma_semaphore, #tpu.memory_space<semaphore_mem>>)
    %multiple_of3A_13 = arith.constant 80 : i32
    %multiple_of3A_14 = tpu.assume_multiple %multiple_of3A_13, 8 : i32
    %add3A_15 = arith.addi %add3A_5, %multiple_of3A_14 : i32
    %dma_start3A_16 = tpu.memref_slice %arg4[%add3A_15] : memref<320000xi32, #tpu.memory_space<hbm>> -> memref<40xi32, #tpu.memory_space<hbm>>
    %dma_start3A_17 = tpu.memref_slice %arg4[%add3A_15] : memref<320000xi32, #tpu.memory_space<hbm>> -> memref<40xi32, #tpu.memory_space<hbm>>
    tpu.enqueue_dma source(%dma_start3A_17 : memref<40xi32, #tpu.memory_space<hbm>>) target(%arg10 : memref<40xi32, #tpu.memory_space<vmem>>) target_semaphore(%arg30 : memref<!tpu.dma_semaphore, #tpu.memory_space<semaphore_mem>>)
    %dma_start3A_18 = tpu.memref_slice %arg7[%multiple_of3A_14] : memref<10000xi32, #tpu.memory_space<vmem>> -> memref<40xi32, #tpu.memory_space<vmem>>
    %dma_start3A_19 = arith.constant 0 : i32
    %dma_start3A_20 = arith.constant 0 : i32
    %dma_start3A_21 = tpu.memref_slice %arg2[%dma_start3A_19, %dma_start3A_20] : memref<10240x128xf32, #tpu.memory_space<hbm>> -> memref<10240x128xf32, #tpu.memory_space<hbm>>
    tpu.enqueue_indirect_dma source(%dma_start3A_21 : memref<10240x128xf32, #tpu.memory_space<hbm>>) target(%arg15 : memref<40x128xf32, #tpu.memory_space<vmem>>) offsets(%dma_start3A_18 : memref<40xi32, #tpu.memory_space<vmem>>) semaphore(%arg20 : memref<!tpu.dma_semaphore, #tpu.memory_space<semaphore_mem>>)
    %multiple_of3A_22 = arith.constant 120 : i32
    %multiple_of3A_23 = tpu.assume_multiple %multiple_of3A_22, 8 : i32
    %add3A_24 = arith.addi %add3A_5, %multiple_of3A_23 : i32
    %dma_start3A_25 = tpu.memref_slice %arg4[%add3A_24] : memref<320000xi32, #tpu.memory_space<hbm>> -> memref<40xi32, #tpu.memory_space<hbm>>
    %dma_start3A_26 = tpu.memref_slice %arg4[%add3A_24] : memref<320000xi32, #tpu.memory_space<hbm>> -> memref<40xi32, #tpu.memory_space<hbm>>
    tpu.enqueue_dma source(%dma_start3A_26 : memref<40xi32, #tpu.memory_space<hbm>>) target(%arg11 : memref<40xi32, #tpu.memory_space<vmem>>) target_semaphore(%arg31 : memref<!tpu.dma_semaphore, #tpu.memory_space<semaphore_mem>>)
    %dma_start3A_27 = tpu.memref_slice %arg7[%multiple_of3A_23] : memref<10000xi32, #tpu.memory_space<vmem>> -> memref<40xi32, #tpu.memory_space<vmem>>
    %dma_start3A_28 = arith.constant 0 : i32
    %dma_start3A_29 = arith.constant 0 : i32
    %dma_start3A_30 = tpu.memref_slice %arg2[%dma_start3A_28, %dma_start3A_29] : memref<10240x128xf32, #tpu.memory_space<hbm>> -> memref<10240x128xf32, #tpu.memory_space<hbm>>
    tpu.enqueue_indirect_dma source(%dma_start3A_30 : memref<10240x128xf32, #tpu.memory_space<hbm>>) target(%arg16 : memref<40x128xf32, #tpu.memory_space<vmem>>) offsets(%dma_start3A_27 : memref<40xi32, #tpu.memory_space<vmem>>) semaphore(%arg21 : memref<!tpu.dma_semaphore, #tpu.memory_space<semaphore_mem>>)
    %multiple_of3A_31 = arith.constant 160 : i32
    %multiple_of3A_32 = tpu.assume_multiple %multiple_of3A_31, 8 : i32
    %add3A_33 = arith.addi %add3A_5, %multiple_of3A_32 : i32
    %dma_start3A_34 = tpu.memref_slice %arg4[%add3A_33] : memref<320000xi32, #tpu.memory_space<hbm>> -> memref<40xi32, #tpu.memory_space<hbm>>
    %dma_start3A_35 = tpu.memref_slice %arg4[%add3A_33] : memref<320000xi32, #tpu.memory_space<hbm>> -> memref<40xi32, #tpu.memory_space<hbm>>
    tpu.enqueue_dma source(%dma_start3A_35 : memref<40xi32, #tpu.memory_space<hbm>>) target(%arg12 : memref<40xi32, #tpu.memory_space<vmem>>) target_semaphore(%arg32 : memref<!tpu.dma_semaphore, #tpu.memory_space<semaphore_mem>>)
    %dma_start3A_36 = tpu.memref_slice %arg7[%multiple_of3A_32] : memref<10000xi32, #tpu.memory_space<vmem>> -> memref<40xi32, #tpu.memory_space<vmem>>
    %dma_start3A_37 = arith.constant 0 : i32
    %dma_start3A_38 = arith.constant 0 : i32
    %dma_start3A_39 = tpu.memref_slice %arg2[%dma_start3A_37, %dma_start3A_38] : memref<10240x128xf32, #tpu.memory_space<hbm>> -> memref<10240x128xf32, #tpu.memory_space<hbm>>
    tpu.enqueue_indirect_dma source(%dma_start3A_39 : memref<10240x128xf32, #tpu.memory_space<hbm>>) target(%arg17 : memref<40x128xf32, #tpu.memory_space<vmem>>) offsets(%dma_start3A_36 : memref<40xi32, #tpu.memory_space<vmem>>) semaphore(%arg22 : memref<!tpu.dma_semaphore, #tpu.memory_space<semaphore_mem>>)
    %scan3A = arith.constant 0 : i32
    %scan3A_40 = arith.constant 0 : i32
    %scan3A_41 = arith.constant 40 : i32
    %scan3A_42 = arith.addi %scan3A_40, %scan3A_41 : i32
    %scan3A_43 = arith.constant 1 : i32
    scf.for %scan3A_75 = %scan3A_40 to %scan3A_42 step %scan3A_43  : i32 {
      %broadcast_in_dim3A = arith.constant 0.000000e+00 : f32
      %broadcast_in_dim3A_76 = vector.broadcast %broadcast_in_dim3A : f32 to vector<16xf32>
      %swap3A = arith.index_cast %scan3A_75 : i32 to index
      %swap3A_77 = arith.constant 0 : index
      %swap3A_78 = tpu.vector_load %arg13[%swap3A, %swap3A_77] {strides = array<i32>} : memref<40x128xf32, #tpu.memory_space<vmem>>, vector<1x16xf32>,
      %swap3A_79 = vector.shape_cast %swap3A_78 : vector<1x16xf32> to vector<16xf32>
      %swap3A_80 = vector.shape_cast %broadcast_in_dim3A_76 : vector<16xf32> to vector<1x16xf32>
      tpu.vector_store %arg13[%swap3A, %swap3A_77], %swap3A_80 {strides = array<i32>} : memref<40x128xf32, #tpu.memory_space<vmem>>, vector<1x16xf32>,
      %broadcast_in_dim3A_81 = arith.constant 0.000000e+00 : f32
      %broadcast_in_dim3A_82 = vector.broadcast %broadcast_in_dim3A_81 : f32 to vector<16xf32>
      %swap3A_83 = arith.index_cast %scan3A_75 : i32 to index
      %swap3A_84 = arith.constant 16 : index
      %swap3A_85 = tpu.vector_load %arg13[%swap3A_83, %swap3A_84] {strides = array<i32>} : memref<40x128xf32, #tpu.memory_space<vmem>>, vector<1x16xf32>,
      %swap3A_86 = vector.shape_cast %swap3A_85 : vector<1x16xf32> to vector<16xf32>
      %swap3A_87 = vector.shape_cast %broadcast_in_dim3A_82 : vector<16xf32> to vector<1x16xf32>
      tpu.vector_store %arg13[%swap3A_83, %swap3A_84], %swap3A_87 {strides = array<i32>} : memref<40x128xf32, #tpu.memory_space<vmem>>, vector<1x16xf32>,
      %broadcast_in_dim3A_88 = arith.constant 0.000000e+00 : f32
      %broadcast_in_dim3A_89 = vector.broadcast %broadcast_in_dim3A_88 : f32 to vector<16xf32>
      %swap3A_90 = arith.index_cast %scan3A_75 : i32 to index
      %swap3A_91 = arith.constant 32 : index
      %swap3A_92 = tpu.vector_load %arg13[%swap3A_90, %swap3A_91] {strides = array<i32>} : memref<40x128xf32, #tpu.memory_space<vmem>>, vector<1x16xf32>,
      %swap3A_93 = vector.shape_cast %swap3A_92 : vector<1x16xf32> to vector<16xf32>
      %swap3A_94 = vector.shape_cast %broadcast_in_dim3A_89 : vector<16xf32> to vector<1x16xf32>
      tpu.vector_store %arg13[%swap3A_90, %swap3A_91], %swap3A_94 {strides = array<i32>} : memref<40x128xf32, #tpu.memory_space<vmem>>, vector<1x16xf32>,
      %broadcast_in_dim3A_95 = arith.constant 0.000000e+00 : f32
      %broadcast_in_dim3A_96 = vector.broadcast %broadcast_in_dim3A_95 : f32 to vector<16xf32>
      %swap3A_97 = arith.index_cast %scan3A_75 : i32 to index
      %swap3A_98 = arith.constant 48 : index
      %swap3A_99 = tpu.vector_load %arg13[%swap3A_97, %swap3A_98] {strides = array<i32>} : memref<40x128xf32, #tpu.memory_space<vmem>>, vector<1x16xf32>,
      %swap3A_100 = vector.shape_cast %swap3A_99 : vector<1x16xf32> to vector<16xf32>
      %swap3A_101 = vector.shape_cast %broadcast_in_dim3A_96 : vector<16xf32> to vector<1x16xf32>
      tpu.vector_store %arg13[%swap3A_97, %swap3A_98], %swap3A_101 {strides = array<i32>} : memref<40x128xf32, #tpu.memory_space<vmem>>, vector<1x16xf32>,
      %broadcast_in_dim3A_102 = arith.constant 0.000000e+00 : f32
      %broadcast_in_dim3A_103 = vector.broadcast %broadcast_in_dim3A_102 : f32 to vector<16xf32>
      %swap3A_104 = arith.index_cast %scan3A_75 : i32 to index
      %swap3A_105 = arith.constant 64 : index
      %swap3A_106 = tpu.vector_load %arg13[%swap3A_104, %swap3A_105] {strides = array<i32>} : memref<40x128xf32, #tpu.memory_space<vmem>>, vector<1x16xf32>,
      %swap3A_107 = vector.shape_cast %swap3A_106 : vector<1x16xf32> to vector<16xf32>
      %swap3A_108 = vector.shape_cast %broadcast_in_dim3A_103 : vector<16xf32> to vector<1x16xf32>
      tpu.vector_store %arg13[%swap3A_104, %swap3A_105], %swap3A_108 {strides = array<i32>} : memref<40x128xf32, #tpu.memory_space<vmem>>, vector<1x16xf32>,
      %broadcast_in_dim3A_109 = arith.constant 0.000000e+00 : f32
      %broadcast_in_dim3A_110 = vector.broadcast %broadcast_in_dim3A_109 : f32 to vector<16xf32>
      %swap3A_111 = arith.index_cast %scan3A_75 : i32 to index
      %swap3A_112 = arith.constant 80 : index
      %swap3A_113 = tpu.vector_load %arg13[%swap3A_111, %swap3A_112] {strides = array<i32>} : memref<40x128xf32, #tpu.memory_space<vmem>>, vector<1x16xf32>,
      %swap3A_114 = vector.shape_cast %swap3A_113 : vector<1x16xf32> to vector<16xf32>
      %swap3A_115 = vector.shape_cast %broadcast_in_dim3A_110 : vector<16xf32> to vector<1x16xf32>
      tpu.vector_store %arg13[%swap3A_111, %swap3A_112], %swap3A_115 {strides = array<i32>} : memref<40x128xf32, #tpu.memory_space<vmem>>, vector<1x16xf32>,
      %broadcast_in_dim3A_116 = arith.constant 0.000000e+00 : f32
      %broadcast_in_dim3A_117 = vector.broadcast %broadcast_in_dim3A_116 : f32 to vector<16xf32>
      %swap3A_118 = arith.index_cast %scan3A_75 : i32 to index
      %swap3A_119 = arith.constant 96 : index
      %swap3A_120 = tpu.vector_load %arg13[%swap3A_118, %swap3A_119] {strides = array<i32>} : memref<40x128xf32, #tpu.memory_space<vmem>>, vector<1x16xf32>,
      %swap3A_121 = vector.shape_cast %swap3A_120 : vector<1x16xf32> to vector<16xf32>
      %swap3A_122 = vector.shape_cast %broadcast_in_dim3A_117 : vector<16xf32> to vector<1x16xf32>
      tpu.vector_store %arg13[%swap3A_118, %swap3A_119], %swap3A_122 {strides = array<i32>} : memref<40x128xf32, #tpu.memory_space<vmem>>, vector<1x16xf32>,
      %broadcast_in_dim3A_123 = arith.constant 0.000000e+00 : f32
      %broadcast_in_dim3A_124 = vector.broadcast %broadcast_in_dim3A_123 : f32 to vector<16xf32>
      %swap3A_125 = arith.index_cast %scan3A_75 : i32 to index
      %swap3A_126 = arith.constant 112 : index
      %swap3A_127 = tpu.vector_load %arg13[%swap3A_125, %swap3A_126] {strides = array<i32>} : memref<40x128xf32, #tpu.memory_space<vmem>>, vector<1x16xf32>,
      %swap3A_128 = vector.shape_cast %swap3A_127 : vector<1x16xf32> to vector<16xf32>
      %swap3A_129 = vector.shape_cast %broadcast_in_dim3A_124 : vector<16xf32> to vector<1x16xf32>
      tpu.vector_store %arg13[%swap3A_125, %swap3A_126], %swap3A_129 {strides = array<i32>} : memref<40x128xf32, #tpu.memory_space<vmem>>, vector<1x16xf32>,
    }
    %scan3A_44 = arith.constant 40 : i32
    %mul3A_45 = arith.constant 640 : i32
    %mul3A_46 = arith.muli %arg1, %mul3A_45 : i32
    %scan3A_47 = arith.constant 0 : i32
    %scan3A_48 = arith.constant 0 : i32
    %scan3A_49 = arith.constant 16 : i32
    %scan3A_50 = arith.addi %scan3A_48, %scan3A_49 : i32
    %scan3A_51 = arith.constant 1 : i32
    scf.for %scan3A_75 = %scan3A_48 to %scan3A_50 step %scan3A_51  : i32 {
      %mul3A_76 = arith.constant 40 : i32
      %mul3A_77 = arith.muli %scan3A_75, %mul3A_76 : i32
      %add3A_78 = arith.addi %mul3A_46, %mul3A_77 : i32
      %dma_start3A_79 = arith.constant 0 : i32
      %dma_start3A_80 = tpu.memref_slice %arg6[%add3A_78, %dma_start3A_79] : memref<10240x128xf32, #tpu.memory_space<vmem_shared>> -> memref<40x128xf32, #tpu.memory_space<vmem_shared>>
      %dma_start3A_81 = arith.constant 0 : i32
      %dma_start3A_82 = tpu.memref_slice %arg6[%add3A_78, %dma_start3A_81] : memref<10240x128xf32, #tpu.memory_space<vmem_shared>> -> memref<40x128xf32, #tpu.memory_space<vmem_shared>>
      tpu.enqueue_dma source(%arg13 : memref<40x128xf32, #tpu.memory_space<vmem>>) target(%dma_start3A_82 : memref<40x128xf32, #tpu.memory_space<vmem_shared>>) target_semaphore(%arg23 : memref<!tpu.dma_semaphore, #tpu.memory_space<semaphore_mem>>)
    }
    %scan3A_52 = arith.constant 16 : i32
    %scan3A_53 = arith.constant 0 : i32
    %scan3A_54 = arith.constant 0 : i32
    %scan3A_55 = arith.constant 16 : i32
    %scan3A_56 = arith.addi %scan3A_54, %scan3A_55 : i32
    %scan3A_57 = arith.constant 1 : i32
    scf.for %scan3A_75 = %scan3A_54 to %scan3A_56 step %scan3A_57  : i32 {
      %mul3A_76 = arith.constant 40 : i32
      %mul3A_77 = arith.muli %scan3A_75, %mul3A_76 : i32
      %add3A_78 = arith.addi %mul3A_46, %mul3A_77 : i32
      %dma_wait3A = arith.constant 0 : i32
      %dma_wait3A_79 = tpu.memref_slice %arg6[%add3A_78, %dma_wait3A] : memref<10240x128xf32, #tpu.memory_space<vmem_shared>> -> memref<40x128xf32, #tpu.memory_space<vmem_shared>>
      %dma_wait3A_80 = arith.constant 0 : i32
      %dma_wait3A_81 = tpu.memref_slice %arg6[%add3A_78, %dma_wait3A_80] : memref<10240x128xf32, #tpu.memory_space<vmem_shared>> -> memref<40x128xf32, #tpu.memory_space<vmem_shared>>
      tpu.wait_dma2 semaphore(%arg23 : memref<!tpu.dma_semaphore, #tpu.memory_space<semaphore_mem>>) src(%arg13 : memref<40x128xf32, #tpu.memory_space<vmem>>) dst(%dma_wait3A_81 : memref<40x128xf32, #tpu.memory_space<vmem_shared>>)
    }
    %scan3A_58 = arith.constant 16 : i32
    %multiple_of3A_59 = arith.constant 0 : i32
    %multiple_of3A_60 = tpu.assume_multiple %multiple_of3A_59, 8 : i32
    %add3A_61 = arith.addi %add3A_5, %multiple_of3A_60 : i32
    %dma_start3A_62 = tpu.memref_slice %arg4[%add3A_61] : memref<320000xi32, #tpu.memory_space<hbm>> -> memref<40xi32, #tpu.memory_space<hbm>>
    %dma_start3A_63 = tpu.memref_slice %arg4[%add3A_61] : memref<320000xi32, #tpu.memory_space<hbm>> -> memref<40xi32, #tpu.memory_space<hbm>>
    tpu.enqueue_dma source(%dma_start3A_63 : memref<40xi32, #tpu.memory_space<hbm>>) target(%arg8 : memref<40xi32, #tpu.memory_space<vmem>>) target_semaphore(%arg28 : memref<!tpu.dma_semaphore, #tpu.memory_space<semaphore_mem>>)
    %dma_start3A_64 = tpu.memref_slice %arg7[%multiple_of3A_60] : memref<10000xi32, #tpu.memory_space<vmem>> -> memref<40xi32, #tpu.memory_space<vmem>>
    %dma_start3A_65 = arith.constant 0 : i32
    %dma_start3A_66 = arith.constant 0 : i32
    %dma_start3A_67 = tpu.memref_slice %arg2[%dma_start3A_65, %dma_start3A_66] : memref<10240x128xf32, #tpu.memory_space<hbm>> -> memref<10240x128xf32, #tpu.memory_space<hbm>>
    tpu.enqueue_indirect_dma source(%dma_start3A_67 : memref<10240x128xf32, #tpu.memory_space<hbm>>) target(%arg13 : memref<40x128xf32, #tpu.memory_space<vmem>>) offsets(%dma_start3A_64 : memref<40xi32, #tpu.memory_space<vmem>>) semaphore(%arg18 : memref<!tpu.dma_semaphore, #tpu.memory_space<semaphore_mem>>)
    %barrier3A = arith.constant 0 : index
    tpu.barrier barrier_id(%barrier3A)
    %scan3A_68 = arith.constant 0 : i32
    %scan3A_69 = arith.constant 0 : i32
    %scan3A_70 = arith.constant 50 : i32
    %scan3A_71 = arith.addi %scan3A_69, %scan3A_70 : i32
    %scan3A_72 = arith.constant 1 : i32
    scf.for %scan3A_75 = %scan3A_69 to %scan3A_71 step %scan3A_72  : i32 {
      %mul3A_76 = arith.constant 5 : i32
      %mul3A_77 = arith.muli %mul3A_76, %scan3A_75 : i32
      %add3A_78 = arith.constant 0 : i32
      %add3A_79 = arith.addi %mul3A_77, %add3A_78 : i32
      %mul3A_80 = arith.constant 40 : i32
      %mul3A_81 = arith.muli %add3A_79, %mul3A_80 : i32
      %multiple_of3A_82 = tpu.assume_multiple %mul3A_81, 8 : i32
      %add3A_83 = arith.addi %add3A_5, %multiple_of3A_82 : i32
      %dma_wait3A = tpu.memref_slice %arg4[%add3A_83] : memref<320000xi32, #tpu.memory_space<hbm>> -> memref<40xi32, #tpu.memory_space<hbm>>
      %dma_wait3A_84 = tpu.memref_slice %arg4[%add3A_83] : memref<320000xi32, #tpu.memory_space<hbm>> -> memref<40xi32, #tpu.memory_space<hbm>>
      tpu.wait_dma2 semaphore(%arg28 : memref<!tpu.dma_semaphore, #tpu.memory_space<semaphore_mem>>) src(%dma_wait3A_84 : memref<40xi32, #tpu.memory_space<hbm>>) dst(%arg8 : memref<40xi32, #tpu.memory_space<vmem>>)
      %dma_wait3A_85 = tpu.memref_slice %arg7[%multiple_of3A_82] : memref<10000xi32, #tpu.memory_space<vmem>> -> memref<40xi32, #tpu.memory_space<vmem>>
      %dma_wait3A_86 = arith.constant 0 : i32
      %dma_wait3A_87 = arith.constant 0 : i32
      %dma_wait3A_88 = tpu.memref_slice %arg2[%dma_wait3A_86, %dma_wait3A_87] : memref<10240x128xf32, #tpu.memory_space<hbm>> -> memref<10240x128xf32, #tpu.memory_space<hbm>>
      tpu.wait_indirect_dma semaphore(%arg18 : memref<!tpu.dma_semaphore, #tpu.memory_space<semaphore_mem>>) src(%dma_wait3A_88 : memref<10240x128xf32, #tpu.memory_space<hbm>>) dst(%arg13 : memref<40x128xf32, #tpu.memory_space<vmem>>)
      %dma_start3A_89 = arith.constant 0 : i32
      %dma_start3A_90 = arith.constant 0 : i32
      %dma_start3A_91 = tpu.memref_slice %arg6[%dma_start3A_89, %dma_start3A_90] : memref<10240x128xf32, #tpu.memory_space<vmem_shared>> -> memref<10240x128xf32, #tpu.memory_space<vmem_shared>>
      tpu.enqueue_indirect_dma source(%arg13 : memref<40x128xf32, #tpu.memory_space<vmem>>) target(%dma_start3A_91 : memref<10240x128xf32, #tpu.memory_space<vmem_shared>>) offsets(%arg8 : memref<40xi32, #tpu.memory_space<vmem>>) semaphore(%arg23 : memref<!tpu.dma_semaphore, #tpu.memory_space<semaphore_mem>>) {add = true}
      %mul3A_92 = arith.constant 5 : i32
      %mul3A_93 = arith.muli %mul3A_92, %scan3A_75 : i32
      %add3A_94 = arith.constant 1 : i32
      %add3A_95 = arith.addi %mul3A_93, %add3A_94 : i32
      %mul3A_96 = arith.constant 40 : i32
      %mul3A_97 = arith.muli %add3A_95, %mul3A_96 : i32
      %multiple_of3A_98 = tpu.assume_multiple %mul3A_97, 8 : i32
      %add3A_99 = arith.addi %add3A_5, %multiple_of3A_98 : i32
      %dma_wait3A_100 = tpu.memref_slice %arg4[%add3A_99] : memref<320000xi32, #tpu.memory_space<hbm>> -> memref<40xi32, #tpu.memory_space<hbm>>
      %dma_wait3A_101 = tpu.memref_slice %arg4[%add3A_99] : memref<320000xi32, #tpu.memory_space<hbm>> -> memref<40xi32, #tpu.memory_space<hbm>>
      tpu.wait_dma2 semaphore(%arg29 : memref<!tpu.dma_semaphore, #tpu.memory_space<semaphore_mem>>) src(%dma_wait3A_101 : memref<40xi32, #tpu.memory_space<hbm>>) dst(%arg9 : memref<40xi32, #tpu.memory_space<vmem>>)
      %dma_wait3A_102 = tpu.memref_slice %arg7[%multiple_of3A_98] : memref<10000xi32, #tpu.memory_space<vmem>> -> memref<40xi32, #tpu.memory_space<vmem>>
      %dma_wait3A_103 = arith.constant 0 : i32
      %dma_wait3A_104 = arith.constant 0 : i32
      %dma_wait3A_105 = tpu.memref_slice %arg2[%dma_wait3A_103, %dma_wait3A_104] : memref<10240x128xf32, #tpu.memory_space<hbm>> -> memref<10240x128xf32, #tpu.memory_space<hbm>>
      tpu.wait_indirect_dma semaphore(%arg19 : memref<!tpu.dma_semaphore, #tpu.memory_space<semaphore_mem>>) src(%dma_wait3A_105 : memref<10240x128xf32, #tpu.memory_space<hbm>>) dst(%arg14 : memref<40x128xf32, #tpu.memory_space<vmem>>)
      %dma_start3A_106 = arith.constant 0 : i32
      %dma_start3A_107 = arith.constant 0 : i32
      %dma_start3A_108 = tpu.memref_slice %arg6[%dma_start3A_106, %dma_start3A_107] : memref<10240x128xf32, #tpu.memory_space<vmem_shared>> -> memref<10240x128xf32, #tpu.memory_space<vmem_shared>>
      tpu.enqueue_indirect_dma source(%arg14 : memref<40x128xf32, #tpu.memory_space<vmem>>) target(%dma_start3A_108 : memref<10240x128xf32, #tpu.memory_space<vmem_shared>>) offsets(%arg9 : memref<40xi32, #tpu.memory_space<vmem>>) semaphore(%arg24 : memref<!tpu.dma_semaphore, #tpu.memory_space<semaphore_mem>>) {add = true}
      %mul3A_109 = arith.constant 5 : i32
      %mul3A_110 = arith.muli %mul3A_109, %scan3A_75 : i32
      %add3A_111 = arith.constant 2 : i32
      %add3A_112 = arith.addi %mul3A_110, %add3A_111 : i32
      %mul3A_113 = arith.constant 40 : i32
      %mul3A_114 = arith.muli %add3A_112, %mul3A_113 : i32
      %multiple_of3A_115 = tpu.assume_multiple %mul3A_114, 8 : i32
      %add3A_116 = arith.addi %add3A_5, %multiple_of3A_115 : i32
      %dma_wait3A_117 = tpu.memref_slice %arg4[%add3A_116] : memref<320000xi32, #tpu.memory_space<hbm>> -> memref<40xi32, #tpu.memory_space<hbm>>
      %dma_wait3A_118 = tpu.memref_slice %arg4[%add3A_116] : memref<320000xi32, #tpu.memory_space<hbm>> -> memref<40xi32, #tpu.memory_space<hbm>>
      tpu.wait_dma2 semaphore(%arg30 : memref<!tpu.dma_semaphore, #tpu.memory_space<semaphore_mem>>) src(%dma_wait3A_118 : memref<40xi32, #tpu.memory_space<hbm>>) dst(%arg10 : memref<40xi32, #tpu.memory_space<vmem>>)
      %dma_wait3A_119 = tpu.memref_slice %arg7[%multiple_of3A_115] : memref<10000xi32, #tpu.memory_space<vmem>> -> memref<40xi32, #tpu.memory_space<vmem>>
      %dma_wait3A_120 = arith.constant 0 : i32
      %dma_wait3A_121 = arith.constant 0 : i32
      %dma_wait3A_122 = tpu.memref_slice %arg2[%dma_wait3A_120, %dma_wait3A_121] : memref<10240x128xf32, #tpu.memory_space<hbm>> -> memref<10240x128xf32, #tpu.memory_space<hbm>>
      tpu.wait_indirect_dma semaphore(%arg20 : memref<!tpu.dma_semaphore, #tpu.memory_space<semaphore_mem>>) src(%dma_wait3A_122 : memref<10240x128xf32, #tpu.memory_space<hbm>>) dst(%arg15 : memref<40x128xf32, #tpu.memory_space<vmem>>)
      %dma_start3A_123 = arith.constant 0 : i32
      %dma_start3A_124 = arith.constant 0 : i32
      %dma_start3A_125 = tpu.memref_slice %arg6[%dma_start3A_123, %dma_start3A_124] : memref<10240x128xf32, #tpu.memory_space<vmem_shared>> -> memref<10240x128xf32, #tpu.memory_space<vmem_shared>>
      tpu.enqueue_indirect_dma source(%arg15 : memref<40x128xf32, #tpu.memory_space<vmem>>) target(%dma_start3A_125 : memref<10240x128xf32, #tpu.memory_space<vmem_shared>>) offsets(%arg10 : memref<40xi32, #tpu.memory_space<vmem>>) semaphore(%arg25 : memref<!tpu.dma_semaphore, #tpu.memory_space<semaphore_mem>>) {add = true}
      %mul3A_126 = arith.constant 5 : i32
      %mul3A_127 = arith.muli %mul3A_126, %scan3A_75 : i32
      %add3A_128 = arith.constant 3 : i32
      %add3A_129 = arith.addi %mul3A_127, %add3A_128 : i32
      %mul3A_130 = arith.constant 40 : i32
      %mul3A_131 = arith.muli %add3A_129, %mul3A_130 : i32
      %multiple_of3A_132 = tpu.assume_multiple %mul3A_131, 8 : i32
      %add3A_133 = arith.addi %add3A_5, %multiple_of3A_132 : i32
      %dma_wait3A_134 = tpu.memref_slice %arg4[%add3A_133] : memref<320000xi32, #tpu.memory_space<hbm>> -> memref<40xi32, #tpu.memory_space<hbm>>
      %dma_wait3A_135 = tpu.memref_slice %arg4[%add3A_133] : memref<320000xi32, #tpu.memory_space<hbm>> -> memref<40xi32, #tpu.memory_space<hbm>>
      tpu.wait_dma2 semaphore(%arg31 : memref<!tpu.dma_semaphore, #tpu.memory_space<semaphore_mem>>) src(%dma_wait3A_135 : memref<40xi32, #tpu.memory_space<hbm>>) dst(%arg11 : memref<40xi32, #tpu.memory_space<vmem>>)
      %dma_wait3A_136 = tpu.memref_slice %arg7[%multiple_of3A_132] : memref<10000xi32, #tpu.memory_space<vmem>> -> memref<40xi32, #tpu.memory_space<vmem>>
      %dma_wait3A_137 = arith.constant 0 : i32
      %dma_wait3A_138 = arith.constant 0 : i32
      %dma_wait3A_139 = tpu.memref_slice %arg2[%dma_wait3A_137, %dma_wait3A_138] : memref<10240x128xf32, #tpu.memory_space<hbm>> -> memref<10240x128xf32, #tpu.memory_space<hbm>>
      tpu.wait_indirect_dma semaphore(%arg21 : memref<!tpu.dma_semaphore, #tpu.memory_space<semaphore_mem>>) src(%dma_wait3A_139 : memref<10240x128xf32, #tpu.memory_space<hbm>>) dst(%arg16 : memref<40x128xf32, #tpu.memory_space<vmem>>)
      %dma_start3A_140 = arith.constant 0 : i32
      %dma_start3A_141 = arith.constant 0 : i32
      %dma_start3A_142 = tpu.memref_slice %arg6[%dma_start3A_140, %dma_start3A_141] : memref<10240x128xf32, #tpu.memory_space<vmem_shared>> -> memref<10240x128xf32, #tpu.memory_space<vmem_shared>>
      tpu.enqueue_indirect_dma source(%arg16 : memref<40x128xf32, #tpu.memory_space<vmem>>) target(%dma_start3A_142 : memref<10240x128xf32, #tpu.memory_space<vmem_shared>>) offsets(%arg11 : memref<40xi32, #tpu.memory_space<vmem>>) semaphore(%arg26 : memref<!tpu.dma_semaphore, #tpu.memory_space<semaphore_mem>>) {add = true}
      %mul3A_143 = arith.constant 5 : i32
      %mul3A_144 = arith.muli %mul3A_143, %scan3A_75 : i32
      %add3A_145 = arith.constant 4 : i32
      %add3A_146 = arith.addi %mul3A_144, %add3A_145 : i32
      %mul3A_147 = arith.constant 40 : i32
      %mul3A_148 = arith.muli %add3A_146, %mul3A_147 : i32
      %multiple_of3A_149 = tpu.assume_multiple %mul3A_148, 8 : i32
      %add3A_150 = arith.addi %add3A_5, %multiple_of3A_149 : i32
      %dma_wait3A_151 = tpu.memref_slice %arg4[%add3A_150] : memref<320000xi32, #tpu.memory_space<hbm>> -> memref<40xi32, #tpu.memory_space<hbm>>
      %dma_wait3A_152 = tpu.memref_slice %arg4[%add3A_150] : memref<320000xi32, #tpu.memory_space<hbm>> -> memref<40xi32, #tpu.memory_space<hbm>>
      tpu.wait_dma2 semaphore(%arg32 : memref<!tpu.dma_semaphore, #tpu.memory_space<semaphore_mem>>) src(%dma_wait3A_152 : memref<40xi32, #tpu.memory_space<hbm>>) dst(%arg12 : memref<40xi32, #tpu.memory_space<vmem>>)
      %dma_wait3A_153 = tpu.memref_slice %arg7[%multiple_of3A_149] : memref<10000xi32, #tpu.memory_space<vmem>> -> memref<40xi32, #tpu.memory_space<vmem>>
      %dma_wait3A_154 = arith.constant 0 : i32
      %dma_wait3A_155 = arith.constant 0 : i32
      %dma_wait3A_156 = tpu.memref_slice %arg2[%dma_wait3A_154, %dma_wait3A_155] : memref<10240x128xf32, #tpu.memory_space<hbm>> -> memref<10240x128xf32, #tpu.memory_space<hbm>>
      tpu.wait_indirect_dma semaphore(%arg22 : memref<!tpu.dma_semaphore, #tpu.memory_space<semaphore_mem>>) src(%dma_wait3A_156 : memref<10240x128xf32, #tpu.memory_space<hbm>>) dst(%arg17 : memref<40x128xf32, #tpu.memory_space<vmem>>)
      %dma_start3A_157 = arith.constant 0 : i32
      %dma_start3A_158 = arith.constant 0 : i32
      %dma_start3A_159 = tpu.memref_slice %arg6[%dma_start3A_157, %dma_start3A_158] : memref<10240x128xf32, #tpu.memory_space<vmem_shared>> -> memref<10240x128xf32, #tpu.memory_space<vmem_shared>>
      tpu.enqueue_indirect_dma source(%arg17 : memref<40x128xf32, #tpu.memory_space<vmem>>) target(%dma_start3A_159 : memref<10240x128xf32, #tpu.memory_space<vmem_shared>>) offsets(%arg12 : memref<40xi32, #tpu.memory_space<vmem>>) semaphore(%arg27 : memref<!tpu.dma_semaphore, #tpu.memory_space<semaphore_mem>>) {add = true}
      %dma_wait3A_160 = arith.constant 0 : i32
      %dma_wait3A_161 = arith.constant 0 : i32
      %dma_wait3A_162 = tpu.memref_slice %arg6[%dma_wait3A_160, %dma_wait3A_161] : memref<10240x128xf32, #tpu.memory_space<vmem_shared>> -> memref<10240x128xf32, #tpu.memory_space<vmem_shared>>
      tpu.wait_indirect_dma semaphore(%arg23 : memref<!tpu.dma_semaphore, #tpu.memory_space<semaphore_mem>>) src(%arg13 : memref<40x128xf32, #tpu.memory_space<vmem>>) dst(%dma_wait3A_162 : memref<10240x128xf32, #tpu.memory_space<vmem_shared>>)
      %lt3A = arith.constant 49 : i32
      %lt3A_163 = arith.cmpi slt, %scan3A_75, %lt3A : i32
      %convert_element_type3A = arith.extui %lt3A_163 : i1 to i32
      %cond3A = arith.constant 0 : i32
      %cond3A_164 = arith.cmpi ne, %convert_element_type3A, %cond3A : i32
      scf.if %cond3A_164 {
        %add3A_197 = arith.constant 1 : i32
        %add3A_198 = arith.addi %scan3A_75, %add3A_197 : i32
        %mul3A_199 = arith.constant 5 : i32
        %mul3A_200 = arith.muli %mul3A_199, %add3A_198 : i32
        %add3A_201 = arith.constant 0 : i32
        %add3A_202 = arith.addi %mul3A_200, %add3A_201 : i32
        %mul3A_203 = arith.constant 40 : i32
        %mul3A_204 = arith.muli %add3A_202, %mul3A_203 : i32
        %multiple_of3A_205 = tpu.assume_multiple %mul3A_204, 8 : i32
        %add3A_206 = arith.addi %add3A_5, %multiple_of3A_205 : i32
        %dma_start3A_207 = tpu.memref_slice %arg4[%add3A_206] : memref<320000xi32, #tpu.memory_space<hbm>> -> memref<40xi32, #tpu.memory_space<hbm>>
        %dma_start3A_208 = tpu.memref_slice %arg4[%add3A_206] : memref<320000xi32, #tpu.memory_space<hbm>> -> memref<40xi32, #tpu.memory_space<hbm>>
        tpu.enqueue_dma source(%dma_start3A_208 : memref<40xi32, #tpu.memory_space<hbm>>) target(%arg8 : memref<40xi32, #tpu.memory_space<vmem>>) target_semaphore(%arg28 : memref<!tpu.dma_semaphore, #tpu.memory_space<semaphore_mem>>)
        %dma_start3A_209 = tpu.memref_slice %arg7[%multiple_of3A_205] : memref<10000xi32, #tpu.memory_space<vmem>> -> memref<40xi32, #tpu.memory_space<vmem>>
        %dma_start3A_210 = arith.constant 0 : i32
        %dma_start3A_211 = arith.constant 0 : i32
        %dma_start3A_212 = tpu.memref_slice %arg2[%dma_start3A_210, %dma_start3A_211] : memref<10240x128xf32, #tpu.memory_space<hbm>> -> memref<10240x128xf32, #tpu.memory_space<hbm>>
        tpu.enqueue_indirect_dma source(%dma_start3A_212 : memref<10240x128xf32, #tpu.memory_space<hbm>>) target(%arg13 : memref<40x128xf32, #tpu.memory_space<vmem>>) offsets(%dma_start3A_209 : memref<40xi32, #tpu.memory_space<vmem>>) semaphore(%arg18 : memref<!tpu.dma_semaphore, #tpu.memory_space<semaphore_mem>>)
      } else {
      }
      %dma_wait3A_165 = arith.constant 0 : i32
      %dma_wait3A_166 = arith.constant 0 : i32
      %dma_wait3A_167 = tpu.memref_slice %arg6[%dma_wait3A_165, %dma_wait3A_166] : memref<10240x128xf32, #tpu.memory_space<vmem_shared>> -> memref<10240x128xf32, #tpu.memory_space<vmem_shared>>
      tpu.wait_indirect_dma semaphore(%arg24 : memref<!tpu.dma_semaphore, #tpu.memory_space<semaphore_mem>>) src(%arg14 : memref<40x128xf32, #tpu.memory_space<vmem>>) dst(%dma_wait3A_167 : memref<10240x128xf32, #tpu.memory_space<vmem_shared>>)
      %lt3A_168 = arith.constant 49 : i32
      %lt3A_169 = arith.cmpi slt, %scan3A_75, %lt3A_168 : i32
      %convert_element_type3A_170 = arith.extui %lt3A_169 : i1 to i32
      %cond3A_171 = arith.constant 0 : i32
      %cond3A_172 = arith.cmpi ne, %convert_element_type3A_170, %cond3A_171 : i32
      scf.if %cond3A_172 {
        %add3A_197 = arith.constant 1 : i32
        %add3A_198 = arith.addi %scan3A_75, %add3A_197 : i32
        %mul3A_199 = arith.constant 5 : i32
        %mul3A_200 = arith.muli %mul3A_199, %add3A_198 : i32
        %add3A_201 = arith.constant 1 : i32
        %add3A_202 = arith.addi %mul3A_200, %add3A_201 : i32
        %mul3A_203 = arith.constant 40 : i32
        %mul3A_204 = arith.muli %add3A_202, %mul3A_203 : i32
        %multiple_of3A_205 = tpu.assume_multiple %mul3A_204, 8 : i32
        %add3A_206 = arith.addi %add3A_5, %multiple_of3A_205 : i32
        %dma_start3A_207 = tpu.memref_slice %arg4[%add3A_206] : memref<320000xi32, #tpu.memory_space<hbm>> -> memref<40xi32, #tpu.memory_space<hbm>>
        %dma_start3A_208 = tpu.memref_slice %arg4[%add3A_206] : memref<320000xi32, #tpu.memory_space<hbm>> -> memref<40xi32, #tpu.memory_space<hbm>>
        tpu.enqueue_dma source(%dma_start3A_208 : memref<40xi32, #tpu.memory_space<hbm>>) target(%arg9 : memref<40xi32, #tpu.memory_space<vmem>>) target_semaphore(%arg29 : memref<!tpu.dma_semaphore, #tpu.memory_space<semaphore_mem>>)
        %dma_start3A_209 = tpu.memref_slice %arg7[%multiple_of3A_205] : memref<10000xi32, #tpu.memory_space<vmem>> -> memref<40xi32, #tpu.memory_space<vmem>>
        %dma_start3A_210 = arith.constant 0 : i32
        %dma_start3A_211 = arith.constant 0 : i32
        %dma_start3A_212 = tpu.memref_slice %arg2[%dma_start3A_210, %dma_start3A_211] : memref<10240x128xf32, #tpu.memory_space<hbm>> -> memref<10240x128xf32, #tpu.memory_space<hbm>>
        tpu.enqueue_indirect_dma source(%dma_start3A_212 : memref<10240x128xf32, #tpu.memory_space<hbm>>) target(%arg14 : memref<40x128xf32, #tpu.memory_space<vmem>>) offsets(%dma_start3A_209 : memref<40xi32, #tpu.memory_space<vmem>>) semaphore(%arg19 : memref<!tpu.dma_semaphore, #tpu.memory_space<semaphore_mem>>)
      } else {
      }
      %dma_wait3A_173 = arith.constant 0 : i32
      %dma_wait3A_174 = arith.constant 0 : i32
      %dma_wait3A_175 = tpu.memref_slice %arg6[%dma_wait3A_173, %dma_wait3A_174] : memref<10240x128xf32, #tpu.memory_space<vmem_shared>> -> memref<10240x128xf32, #tpu.memory_space<vmem_shared>>
      tpu.wait_indirect_dma semaphore(%arg25 : memref<!tpu.dma_semaphore, #tpu.memory_space<semaphore_mem>>) src(%arg15 : memref<40x128xf32, #tpu.memory_space<vmem>>) dst(%dma_wait3A_175 : memref<10240x128xf32, #tpu.memory_space<vmem_shared>>)
      %lt3A_176 = arith.constant 49 : i32
      %lt3A_177 = arith.cmpi slt, %scan3A_75, %lt3A_176 : i32
      %convert_element_type3A_178 = arith.extui %lt3A_177 : i1 to i32
      %cond3A_179 = arith.constant 0 : i32
      %cond3A_180 = arith.cmpi ne, %convert_element_type3A_178, %cond3A_179 : i32
      scf.if %cond3A_180 {
        %add3A_197 = arith.constant 1 : i32
        %add3A_198 = arith.addi %scan3A_75, %add3A_197 : i32
        %mul3A_199 = arith.constant 5 : i32
        %mul3A_200 = arith.muli %mul3A_199, %add3A_198 : i32
        %add3A_201 = arith.constant 2 : i32
        %add3A_202 = arith.addi %mul3A_200, %add3A_201 : i32
        %mul3A_203 = arith.constant 40 : i32
        %mul3A_204 = arith.muli %add3A_202, %mul3A_203 : i32
        %multiple_of3A_205 = tpu.assume_multiple %mul3A_204, 8 : i32
        %add3A_206 = arith.addi %add3A_5, %multiple_of3A_205 : i32
        %dma_start3A_207 = tpu.memref_slice %arg4[%add3A_206] : memref<320000xi32, #tpu.memory_space<hbm>> -> memref<40xi32, #tpu.memory_space<hbm>>
        %dma_start3A_208 = tpu.memref_slice %arg4[%add3A_206] : memref<320000xi32, #tpu.memory_space<hbm>> -> memref<40xi32, #tpu.memory_space<hbm>>
        tpu.enqueue_dma source(%dma_start3A_208 : memref<40xi32, #tpu.memory_space<hbm>>) target(%arg10 : memref<40xi32, #tpu.memory_space<vmem>>) target_semaphore(%arg30 : memref<!tpu.dma_semaphore, #tpu.memory_space<semaphore_mem>>)
        %dma_start3A_209 = tpu.memref_slice %arg7[%multiple_of3A_205] : memref<10000xi32, #tpu.memory_space<vmem>> -> memref<40xi32, #tpu.memory_space<vmem>>
        %dma_start3A_210 = arith.constant 0 : i32
        %dma_start3A_211 = arith.constant 0 : i32
        %dma_start3A_212 = tpu.memref_slice %arg2[%dma_start3A_210, %dma_start3A_211] : memref<10240x128xf32, #tpu.memory_space<hbm>> -> memref<10240x128xf32, #tpu.memory_space<hbm>>
        tpu.enqueue_indirect_dma source(%dma_start3A_212 : memref<10240x128xf32, #tpu.memory_space<hbm>>) target(%arg15 : memref<40x128xf32, #tpu.memory_space<vmem>>) offsets(%dma_start3A_209 : memref<40xi32, #tpu.memory_space<vmem>>) semaphore(%arg20 : memref<!tpu.dma_semaphore, #tpu.memory_space<semaphore_mem>>)
      } else {
      }
      %dma_wait3A_181 = arith.constant 0 : i32
      %dma_wait3A_182 = arith.constant 0 : i32
      %dma_wait3A_183 = tpu.memref_slice %arg6[%dma_wait3A_181, %dma_wait3A_182] : memref<10240x128xf32, #tpu.memory_space<vmem_shared>> -> memref<10240x128xf32, #tpu.memory_space<vmem_shared>>
      tpu.wait_indirect_dma semaphore(%arg26 : memref<!tpu.dma_semaphore, #tpu.memory_space<semaphore_mem>>) src(%arg16 : memref<40x128xf32, #tpu.memory_space<vmem>>) dst(%dma_wait3A_183 : memref<10240x128xf32, #tpu.memory_space<vmem_shared>>)
      %lt3A_184 = arith.constant 49 : i32
      %lt3A_185 = arith.cmpi slt, %scan3A_75, %lt3A_184 : i32
      %convert_element_type3A_186 = arith.extui %lt3A_185 : i1 to i32
      %cond3A_187 = arith.constant 0 : i32
      %cond3A_188 = arith.cmpi ne, %convert_element_type3A_186, %cond3A_187 : i32
      scf.if %cond3A_188 {
        %add3A_197 = arith.constant 1 : i32
        %add3A_198 = arith.addi %scan3A_75, %add3A_197 : i32
        %mul3A_199 = arith.constant 5 : i32
        %mul3A_200 = arith.muli %mul3A_199, %add3A_198 : i32
        %add3A_201 = arith.constant 3 : i32
        %add3A_202 = arith.addi %mul3A_200, %add3A_201 : i32
        %mul3A_203 = arith.constant 40 : i32
        %mul3A_204 = arith.muli %add3A_202, %mul3A_203 : i32
        %multiple_of3A_205 = tpu.assume_multiple %mul3A_204, 8 : i32
        %add3A_206 = arith.addi %add3A_5, %multiple_of3A_205 : i32
        %dma_start3A_207 = tpu.memref_slice %arg4[%add3A_206] : memref<320000xi32, #tpu.memory_space<hbm>> -> memref<40xi32, #tpu.memory_space<hbm>>
        %dma_start3A_208 = tpu.memref_slice %arg4[%add3A_206] : memref<320000xi32, #tpu.memory_space<hbm>> -> memref<40xi32, #tpu.memory_space<hbm>>
        tpu.enqueue_dma source(%dma_start3A_208 : memref<40xi32, #tpu.memory_space<hbm>>) target(%arg11 : memref<40xi32, #tpu.memory_space<vmem>>) target_semaphore(%arg31 : memref<!tpu.dma_semaphore, #tpu.memory_space<semaphore_mem>>)
        %dma_start3A_209 = tpu.memref_slice %arg7[%multiple_of3A_205] : memref<10000xi32, #tpu.memory_space<vmem>> -> memref<40xi32, #tpu.memory_space<vmem>>
        %dma_start3A_210 = arith.constant 0 : i32
        %dma_start3A_211 = arith.constant 0 : i32
        %dma_start3A_212 = tpu.memref_slice %arg2[%dma_start3A_210, %dma_start3A_211] : memref<10240x128xf32, #tpu.memory_space<hbm>> -> memref<10240x128xf32, #tpu.memory_space<hbm>>
        tpu.enqueue_indirect_dma source(%dma_start3A_212 : memref<10240x128xf32, #tpu.memory_space<hbm>>) target(%arg16 : memref<40x128xf32, #tpu.memory_space<vmem>>) offsets(%dma_start3A_209 : memref<40xi32, #tpu.memory_space<vmem>>) semaphore(%arg21 : memref<!tpu.dma_semaphore, #tpu.memory_space<semaphore_mem>>)
      } else {
      }
      %dma_wait3A_189 = arith.constant 0 : i32
      %dma_wait3A_190 = arith.constant 0 : i32
      %dma_wait3A_191 = tpu.memref_slice %arg6[%dma_wait3A_189, %dma_wait3A_190] : memref<10240x128xf32, #tpu.memory_space<vmem_shared>> -> memref<10240x128xf32, #tpu.memory_space<vmem_shared>>
      tpu.wait_indirect_dma semaphore(%arg27 : memref<!tpu.dma_semaphore, #tpu.memory_space<semaphore_mem>>) src(%arg17 : memref<40x128xf32, #tpu.memory_space<vmem>>) dst(%dma_wait3A_191 : memref<10240x128xf32, #tpu.memory_space<vmem_shared>>)
      %lt3A_192 = arith.constant 49 : i32
      %lt3A_193 = arith.cmpi slt, %scan3A_75, %lt3A_192 : i32
      %convert_element_type3A_194 = arith.extui %lt3A_193 : i1 to i32
      %cond3A_195 = arith.constant 0 : i32
      %cond3A_196 = arith.cmpi ne, %convert_element_type3A_194, %cond3A_195 : i32
      scf.if %cond3A_196 {
        %add3A_197 = arith.constant 1 : i32
        %add3A_198 = arith.addi %scan3A_75, %add3A_197 : i32
        %mul3A_199 = arith.constant 5 : i32
        %mul3A_200 = arith.muli %mul3A_199, %add3A_198 : i32
        %add3A_201 = arith.constant 4 : i32
        %add3A_202 = arith.addi %mul3A_200, %add3A_201 : i32
        %mul3A_203 = arith.constant 40 : i32
        %mul3A_204 = arith.muli %add3A_202, %mul3A_203 : i32
        %multiple_of3A_205 = tpu.assume_multiple %mul3A_204, 8 : i32
        %add3A_206 = arith.addi %add3A_5, %multiple_of3A_205 : i32
        %dma_start3A_207 = tpu.memref_slice %arg4[%add3A_206] : memref<320000xi32, #tpu.memory_space<hbm>> -> memref<40xi32, #tpu.memory_space<hbm>>
        %dma_start3A_208 = tpu.memref_slice %arg4[%add3A_206] : memref<320000xi32, #tpu.memory_space<hbm>> -> memref<40xi32, #tpu.memory_space<hbm>>
        tpu.enqueue_dma source(%dma_start3A_208 : memref<40xi32, #tpu.memory_space<hbm>>) target(%arg12 : memref<40xi32, #tpu.memory_space<vmem>>) target_semaphore(%arg32 : memref<!tpu.dma_semaphore, #tpu.memory_space<semaphore_mem>>)
        %dma_start3A_209 = tpu.memref_slice %arg7[%multiple_of3A_205] : memref<10000xi32, #tpu.memory_space<vmem>> -> memref<40xi32, #tpu.memory_space<vmem>>
        %dma_start3A_210 = arith.constant 0 : i32
        %dma_start3A_211 = arith.constant 0 : i32
        %dma_start3A_212 = tpu.memref_slice %arg2[%dma_start3A_210, %dma_start3A_211] : memref<10240x128xf32, #tpu.memory_space<hbm>> -> memref<10240x128xf32, #tpu.memory_space<hbm>>
        tpu.enqueue_indirect_dma source(%dma_start3A_212 : memref<10240x128xf32, #tpu.memory_space<hbm>>) target(%arg17 : memref<40x128xf32, #tpu.memory_space<vmem>>) offsets(%dma_start3A_209 : memref<40xi32, #tpu.memory_space<vmem>>) semaphore(%arg22 : memref<!tpu.dma_semaphore, #tpu.memory_space<semaphore_mem>>)
      } else {
      }
    }
    %scan3A_73 = arith.constant 50 : i32
    %barrier3A_74 = arith.constant 0 : index
    tpu.barrier barrier_id(%barrier3A_74)
    "tpu.region"() ({
      %run_scoped3A = tpu.sem_alloc : memref<!tpu.dma_semaphore, #tpu.memory_space<semaphore_mem>>
      %dma_start3A_75 = arith.constant 0 : i32
      %dma_start3A_76 = tpu.memref_slice %arg5[%arg0, %mul3A_46, %dma_start3A_75] : memref<2x10240x128xf32, #tpu.memory_space<hbm>> -> memref<1x640x128xf32, #tpu.memory_space<hbm>>
      %dma_start3A_77 = tpu.memref_squeeze %dma_start3A_76 : memref<1x640x128xf32, #tpu.memory_space<hbm>> -> memref<640x128xf32, #tpu.memory_space<hbm>>
      %dma_start3A_78 = arith.constant 0 : i32
      %dma_start3A_79 = tpu.memref_slice %arg6[%mul3A_46, %dma_start3A_78] : memref<10240x128xf32, #tpu.memory_space<vmem_shared>> -> memref<640x128xf32, #tpu.memory_space<vmem_shared>>
      tpu.enqueue_dma source(%dma_start3A_79 : memref<640x128xf32, #tpu.memory_space<vmem_shared>>) target(%dma_start3A_77 : memref<640x128xf32, #tpu.memory_space<hbm>>) target_semaphore(%run_scoped3A : memref<!tpu.dma_semaphore, #tpu.memory_space<semaphore_mem>>)
      %dma_wait3A = arith.constant 0 : i32
      %dma_wait3A_80 = tpu.memref_slice %arg5[%arg0, %mul3A_46, %dma_wait3A] : memref<2x10240x128xf32, #tpu.memory_space<hbm>> -> memref<1x640x128xf32, #tpu.memory_space<hbm>>
      %dma_wait3A_81 = tpu.memref_squeeze %dma_wait3A_80 : memref<1x640x128xf32, #tpu.memory_space<hbm>> -> memref<640x128xf32, #tpu.memory_space<hbm>>
      %dma_wait3A_82 = arith.constant 0 : i32
      %dma_wait3A_83 = tpu.memref_slice %arg6[%mul3A_46, %dma_wait3A_82] : memref<10240x128xf32, #tpu.memory_space<vmem_shared>> -> memref<640x128xf32, #tpu.memory_space<vmem_shared>>
      tpu.wait_dma2 semaphore(%run_scoped3A : memref<!tpu.dma_semaphore, #tpu.memory_space<semaphore_mem>>) src(%dma_wait3A_83 : memref<640x128xf32, #tpu.memory_space<vmem_shared>>) dst(%dma_wait3A_81 : memref<640x128xf32, #tpu.memory_space<hbm>>)
      tpu.yield
    }) : () -> ()
    return
  }
}

module attributes {stable_mosaic.version = 14 : i64} {
  func.func @_layer_body(%arg0: i32, %arg1: memref<512x128xf32, #tpu.memory_space<vmem>>, %arg2: memref<512x128xf32, #tpu.memory_space<vmem>>, %arg3: memref<512x128xf32, #tpu.memory_space<vmem>>, %arg4: memref<128x128xf32, #tpu.memory_space<vmem>>, %arg5: memref<128x128xf32, #tpu.memory_space<vmem>>, %arg6: memref<1x128xf32, #tpu.memory_space<vmem>>, %arg7: memref<512x128xf32, #tpu.memory_space<vmem>>) attributes {dimension_semantics = [#tpu.dimension_semantics<arbitrary>], iteration_bounds = array<i64: 20>, scalar_prefetch = 0 : i64, scratch_operands = 0 : i64, tpu.core_type = #tpu.core_type<tc>, window_params = [{transform_indices = @transform_0, window_bounds = array<i64: 512, 128>}, {transform_indices = @transform_1, window_bounds = array<i64: 512, 128>}, {transform_indices = @transform_2, window_bounds = array<i64: 512, 128>}, {pipeline_mode = #tpu.pipeline_mode<synchronous>, transform_indices = @transform_3, window_bounds = array<i64: 128, 128>}, {pipeline_mode = #tpu.pipeline_mode<synchronous>, transform_indices = @transform_4, window_bounds = array<i64: 128, 128>}, {pipeline_mode = #tpu.pipeline_mode<synchronous>, transform_indices = @transform_5, window_bounds = array<i64: 1, 128>}, {transform_indices = @transform_6, window_bounds = array<i64: 512, 128>}]} {
    %get3A = arith.constant 0 : index
    %get3A_0 = arith.constant 0 : index
    %get3A_1 = vector.load %arg1[%get3A, %get3A_0] : memref<512x128xf32, #tpu.memory_space<vmem>>, vector<512x128xf32>
    %get3A_2 = arith.constant 0 : index
    %get3A_3 = arith.constant 0 : index
    %get3A_4 = vector.load %arg2[%get3A_2, %get3A_3] : memref<512x128xf32, #tpu.memory_space<vmem>>, vector<512x128xf32>
    %add3A = arith.addf %get3A_1, %get3A_4 : vector<512x128xf32>
    %get3A_5 = arith.constant 0 : index
    %get3A_6 = arith.constant 0 : index
    %get3A_7 = vector.load %arg4[%get3A_5, %get3A_6] : memref<128x128xf32, #tpu.memory_space<vmem>>, vector<128x128xf32>
    %dot_general3A = arith.constant dense<0.000000e+00> : vector<512x128xf32>
    %dot_general3A_8 = tpu.matmul %add3A, %get3A_7, %dot_general3A {dimension_numbers = #tpu.dot_dimension_numbers<[1], [0], [0], [1], [0, 0, 1, 1], [], []>, transpose_lhs_hint = false} : vector<512x128xf32>, vector<128x128xf32>, vector<512x128xf32> -> vector<512x128xf32>
    %get3A_9 = arith.constant 0 : index
    %get3A_10 = arith.constant 0 : index
    %get3A_11 = vector.load %arg3[%get3A_9, %get3A_10] : memref<512x128xf32, #tpu.memory_space<vmem>>, vector<512x128xf32>
    %get3A_12 = arith.constant 0 : index
    %get3A_13 = arith.constant 0 : index
    %get3A_14 = vector.load %arg5[%get3A_12, %get3A_13] : memref<128x128xf32, #tpu.memory_space<vmem>>, vector<128x128xf32>
    %dot_general3A_15 = arith.constant dense<0.000000e+00> : vector<512x128xf32>
    %dot_general3A_16 = tpu.matmul %get3A_11, %get3A_14, %dot_general3A_15 {dimension_numbers = #tpu.dot_dimension_numbers<[1], [0], [0], [1], [0, 0, 1, 1], [], []>, transpose_lhs_hint = false} : vector<512x128xf32>, vector<128x128xf32>, vector<512x128xf32> -> vector<512x128xf32>
    %add3A_17 = arith.addf %dot_general3A_8, %dot_general3A_16 : vector<512x128xf32>
    %get3A_18 = arith.constant 0 : index
    %get3A_19 = arith.constant 0 : index
    %get3A_20 = vector.load %arg6[%get3A_18, %get3A_19] : memref<1x128xf32, #tpu.memory_space<vmem>>, vector<1x128xf32>
    %add3A_21 = vector.broadcast %get3A_20 : vector<1x128xf32> to vector<512x128xf32>
    %add3A_22 = arith.addf %add3A_17, %add3A_21 : vector<512x128xf32>
    %max3A = arith.constant 0.000000e+00 : f32
    %max3A_23 = vector.broadcast %max3A : f32 to vector<512x128xf32>
    %max3A_24 = arith.maximumf %add3A_22, %max3A_23 : vector<512x128xf32>
    %swap3A = arith.constant 0 : index
    %swap3A_25 = arith.constant 0 : index
    %swap3A_26 = vector.load %arg7[%swap3A, %swap3A_25] : memref<512x128xf32, #tpu.memory_space<vmem>>, vector<512x128xf32>
    tpu.vector_store %arg7[%swap3A, %swap3A_25], %max3A_24 {strides = array<i32>} : memref<512x128xf32, #tpu.memory_space<vmem>>, vector<512x128xf32>,
    return
  }
  func.func @transform_0(%arg0: i32) -> (i32, i32) {
    %c0_i32 = arith.constant 0 : i32
    %c0_i32_0 = arith.constant 0 : i32
    return %arg0, %c0_i32 : i32, i32
  }
  func.func @transform_1(%arg0: i32) -> (i32, i32) {
    %c0_i32 = arith.constant 0 : i32
    %c0_i32_0 = arith.constant 0 : i32
    return %arg0, %c0_i32 : i32, i32
  }
  func.func @transform_2(%arg0: i32) -> (i32, i32) {
    %c0_i32 = arith.constant 0 : i32
    %c0_i32_0 = arith.constant 0 : i32
    return %arg0, %c0_i32 : i32, i32
  }
  func.func @transform_3(%arg0: i32) -> (i32, i32) {
    %c0_i32 = arith.constant 0 : i32
    %c0_i32_0 = arith.constant 0 : i32
    %c0_i32_1 = arith.constant 0 : i32
    return %c0_i32, %c0_i32_0 : i32, i32
  }
  func.func @transform_4(%arg0: i32) -> (i32, i32) {
    %c0_i32 = arith.constant 0 : i32
    %c0_i32_0 = arith.constant 0 : i32
    %c0_i32_1 = arith.constant 0 : i32
    return %c0_i32, %c0_i32_0 : i32, i32
  }
  func.func @transform_5(%arg0: i32) -> (i32, i32) {
    %c0_i32 = arith.constant 0 : i32
    %c0_i32_0 = arith.constant 0 : i32
    %c0_i32_1 = arith.constant 0 : i32
    return %c0_i32, %c0_i32_0 : i32, i32
  }
  func.func @transform_6(%arg0: i32) -> (i32, i32) {
    %c0_i32 = arith.constant 0 : i32
    %c0_i32_0 = arith.constant 0 : i32
    return %arg0, %c0_i32 : i32, i32
  }
}

module attributes {stable_mosaic.version = 14 : i64} {
  func.func @_head_body(%arg0: i32, %arg1: memref<512x128xf32, #tpu.memory_space<vmem>>, %arg2: memref<512x128xf32, #tpu.memory_space<vmem>>, %arg3: memref<512x128xf32, #tpu.memory_space<vmem>>, %arg4: memref<128x128xf32, #tpu.memory_space<vmem>>, %arg5: memref<128x128xf32, #tpu.memory_space<vmem>>, %arg6: memref<1x128xf32, #tpu.memory_space<vmem>>, %arg7: memref<512x1xi32, #tpu.memory_space<vmem>>, %arg8: memref<512x1xi32, #tpu.memory_space<smem>>, %arg9: memref<64x1xf32, #tpu.memory_space<vmem>>, %arg10: memref<128x128xf32, #tpu.memory_space<vmem>>, %arg11: memref<128x128xf32, #tpu.memory_space<vmem>>, %arg12: memref<128x128xf32, #tpu.memory_space<vmem>>, %arg13: memref<1x128xf32, #tpu.memory_space<vmem>>, %arg14: memref<1x128xf32, #tpu.memory_space<vmem>>, %arg15: memref<128x128xf32, #tpu.memory_space<vmem>>, %arg16: memref<1x128xf32, #tpu.memory_space<vmem>>, %arg17: memref<128x1xf32, #tpu.memory_space<vmem>>, %arg18: memref<1x1xf32, #tpu.memory_space<vmem>>, %arg19: memref<64x1xf32, #tpu.memory_space<vmem>>, %arg20: memref<64x128xf32, #tpu.memory_space<vmem>>, %arg21: memref<64x128xf32, #tpu.memory_space<vmem>>, %arg22: memref<64x128xf32, #tpu.memory_space<vmem>>) attributes {dimension_semantics = [#tpu.dimension_semantics<arbitrary>], iteration_bounds = array<i64: 20>, scalar_prefetch = 0 : i64, scratch_operands = 3 : i64, tpu.core_type = #tpu.core_type<tc>, window_params = [{transform_indices = @transform_0, window_bounds = array<i64: 512, 128>}, {transform_indices = @transform_1, window_bounds = array<i64: 512, 128>}, {transform_indices = @transform_2, window_bounds = array<i64: 512, 128>}, {pipeline_mode = #tpu.pipeline_mode<synchronous>, transform_indices = @transform_3, window_bounds = array<i64: 128, 128>}, {pipeline_mode = #tpu.pipeline_mode<synchronous>, transform_indices = @transform_4, window_bounds = array<i64: 128, 128>}, {pipeline_mode = #tpu.pipeline_mode<synchronous>, transform_indices = @transform_5, window_bounds = array<i64: 1, 128>}, {transform_indices = @transform_6, window_bounds = array<i64: 512, 1>}, {transform_indices = @transform_7, window_bounds = array<i64: 512, 1>}, {pipeline_mode = #tpu.pipeline_mode<synchronous>, transform_indices = @transform_8, window_bounds = array<i64: 64, 1>}, {pipeline_mode = #tpu.pipeline_mode<synchronous>, transform_indices = @transform_9, window_bounds = array<i64: 128, 128>}, {pipeline_mode = #tpu.pipeline_mode<synchronous>, transform_indices = @transform_10, window_bounds = array<i64: 128, 128>}, {pipeline_mode = #tpu.pipeline_mode<synchronous>, transform_indices = @transform_11, window_bounds = array<i64: 128, 128>}, {pipeline_mode = #tpu.pipeline_mode<synchronous>, transform_indices = @transform_12, window_bounds = array<i64: 1, 128>}, {pipeline_mode = #tpu.pipeline_mode<synchronous>, transform_indices = @transform_13, window_bounds = array<i64: 1, 128>}, {pipeline_mode = #tpu.pipeline_mode<synchronous>, transform_indices = @transform_14, window_bounds = array<i64: 128, 128>}, {pipeline_mode = #tpu.pipeline_mode<synchronous>, transform_indices = @transform_15, window_bounds = array<i64: 1, 128>}, {pipeline_mode = #tpu.pipeline_mode<synchronous>, transform_indices = @transform_16, window_bounds = array<i64: 128, 1>}, {pipeline_mode = #tpu.pipeline_mode<synchronous>, transform_indices = @transform_17, window_bounds = array<i64: 1, 1>}, {pipeline_mode = #tpu.pipeline_mode<synchronous>, transform_indices = @transform_18, window_bounds = array<i64: 64, 1>}]} {
    %eq3A = arith.constant 0 : i32
    %eq3A_0 = arith.cmpi eq, %arg0, %eq3A : i32
    %convert_element_type3A = arith.extui %eq3A_0 : i1 to i32
    %cond3A = arith.constant 0 : i32
    %cond3A_1 = arith.cmpi ne, %convert_element_type3A, %cond3A : i32
    scf.if %cond3A_1 {
      %broadcast_in_dim3A_72 = arith.constant 0xFF800000 : f32
      %broadcast_in_dim3A_73 = vector.broadcast %broadcast_in_dim3A_72 : f32 to vector<64x128xf32>
      %swap3A_74 = arith.constant 0 : index
      %swap3A_75 = arith.constant 0 : index
      %swap3A_76 = vector.load %arg20[%swap3A_74, %swap3A_75] : memref<64x128xf32, #tpu.memory_space<vmem>>, vector<64x128xf32>
      tpu.vector_store %arg20[%swap3A_74, %swap3A_75], %broadcast_in_dim3A_73 {strides = array<i32>} : memref<64x128xf32, #tpu.memory_space<vmem>>, vector<64x128xf32>,
      %broadcast_in_dim3A_77 = arith.constant 0.000000e+00 : f32
      %broadcast_in_dim3A_78 = vector.broadcast %broadcast_in_dim3A_77 : f32 to vector<64x128xf32>
      %swap3A_79 = arith.constant 0 : index
      %swap3A_80 = arith.constant 0 : index
      %swap3A_81 = vector.load %arg21[%swap3A_79, %swap3A_80] : memref<64x128xf32, #tpu.memory_space<vmem>>, vector<64x128xf32>
      tpu.vector_store %arg21[%swap3A_79, %swap3A_80], %broadcast_in_dim3A_78 {strides = array<i32>} : memref<64x128xf32, #tpu.memory_space<vmem>>, vector<64x128xf32>,
      %broadcast_in_dim3A_82 = arith.constant 0.000000e+00 : f32
      %broadcast_in_dim3A_83 = vector.broadcast %broadcast_in_dim3A_82 : f32 to vector<64x128xf32>
      %swap3A_84 = arith.constant 0 : index
      %swap3A_85 = arith.constant 0 : index
      %swap3A_86 = vector.load %arg22[%swap3A_84, %swap3A_85] : memref<64x128xf32, #tpu.memory_space<vmem>>, vector<64x128xf32>
      tpu.vector_store %arg22[%swap3A_84, %swap3A_85], %broadcast_in_dim3A_83 {strides = array<i32>} : memref<64x128xf32, #tpu.memory_space<vmem>>, vector<64x128xf32>,
    } else {
    }
    %get3A = arith.constant 0 : index
    %get3A_2 = arith.constant 0 : index
    %get3A_3 = vector.load %arg1[%get3A, %get3A_2] : memref<512x128xf32, #tpu.memory_space<vmem>>, vector<512x128xf32>
    %get3A_4 = arith.constant 0 : index
    %get3A_5 = arith.constant 0 : index
    %get3A_6 = vector.load %arg2[%get3A_4, %get3A_5] : memref<512x128xf32, #tpu.memory_space<vmem>>, vector<512x128xf32>
    %add3A = arith.addf %get3A_3, %get3A_6 : vector<512x128xf32>
    %get3A_7 = arith.constant 0 : index
    %get3A_8 = arith.constant 0 : index
    %get3A_9 = vector.load %arg4[%get3A_7, %get3A_8] : memref<128x128xf32, #tpu.memory_space<vmem>>, vector<128x128xf32>
    %dot_general3A = arith.constant dense<0.000000e+00> : vector<512x128xf32>
    %dot_general3A_10 = tpu.matmul %add3A, %get3A_9, %dot_general3A {dimension_numbers = #tpu.dot_dimension_numbers<[1], [0], [0], [1], [0, 0, 1, 1], [], []>, transpose_lhs_hint = false} : vector<512x128xf32>, vector<128x128xf32>, vector<512x128xf32> -> vector<512x128xf32>
    %get3A_11 = arith.constant 0 : index
    %get3A_12 = arith.constant 0 : index
    %get3A_13 = vector.load %arg3[%get3A_11, %get3A_12] : memref<512x128xf32, #tpu.memory_space<vmem>>, vector<512x128xf32>
    %get3A_14 = arith.constant 0 : index
    %get3A_15 = arith.constant 0 : index
    %get3A_16 = vector.load %arg5[%get3A_14, %get3A_15] : memref<128x128xf32, #tpu.memory_space<vmem>>, vector<128x128xf32>
    %dot_general3A_17 = arith.constant dense<0.000000e+00> : vector<512x128xf32>
    %dot_general3A_18 = tpu.matmul %get3A_13, %get3A_16, %dot_general3A_17 {dimension_numbers = #tpu.dot_dimension_numbers<[1], [0], [0], [1], [0, 0, 1, 1], [], []>, transpose_lhs_hint = false} : vector<512x128xf32>, vector<128x128xf32>, vector<512x128xf32> -> vector<512x128xf32>
    %add3A_19 = arith.addf %dot_general3A_10, %dot_general3A_18 : vector<512x128xf32>
    %get3A_20 = arith.constant 0 : index
    %get3A_21 = arith.constant 0 : index
    %get3A_22 = vector.load %arg6[%get3A_20, %get3A_21] : memref<1x128xf32, #tpu.memory_space<vmem>>, vector<1x128xf32>
    %add3A_23 = vector.broadcast %get3A_22 : vector<1x128xf32> to vector<512x128xf32>
    %add3A_24 = arith.addf %add3A_19, %add3A_23 : vector<512x128xf32>
    %get3A_25 = arith.constant 0 : index
    %get3A_26 = arith.constant 0 : index
    %get3A_27 = vector.load %arg7[%get3A_25, %get3A_26] : memref<512x1xi32, #tpu.memory_space<vmem>>, vector<512x1xi32>
    %iota3A = tpu.iota {dimensions = array<i32: 1>} : vector<512x64xi32>
    %eq3A_28 = vector.broadcast %get3A_27 : vector<512x1xi32> to vector<512x64xi32>
    %eq3A_29 = arith.cmpi eq, %eq3A_28, %iota3A : vector<512x64xi32>
    %convert_element_type3A_30 = arith.extui %eq3A_29 : vector<512x64xi1> to vector<512x64xi32>
    %convert_element_type3A_31 = arith.sitofp %convert_element_type3A_30 : vector<512x64xi32> to vector<512x64xf32>
    %get3A_32 = arith.constant 0 : index
    %get3A_33 = arith.constant 0 : index
    %get3A_34 = vector.load %arg21[%get3A_32, %get3A_33] : memref<64x128xf32, #tpu.memory_space<vmem>>, vector<64x128xf32>
    %dot_general3A_35 = arith.constant dense<0.000000e+00> : vector<64x128xf32>
    %dot_general3A_36 = tpu.matmul %convert_element_type3A_31, %add3A_24, %dot_general3A_35 {dimension_numbers = #tpu.dot_dimension_numbers<[0], [0], [1], [1], [0, 1, 1, 1], [], []>, precision = #tpu.contract_precision<fp32>, transpose_lhs_hint = false} : vector<512x64xf32>, vector<512x128xf32>, vector<64x128xf32> -> vector<64x128xf32>
    %add3A_37 = arith.addf %get3A_34, %dot_general3A_36 : vector<64x128xf32>
    %swap3A = arith.constant 0 : index
    %swap3A_38 = arith.constant 0 : index
    %swap3A_39 = vector.load %arg21[%swap3A, %swap3A_38] : memref<64x128xf32, #tpu.memory_space<vmem>>, vector<64x128xf32>
    tpu.vector_store %arg21[%swap3A, %swap3A_38], %add3A_37 {strides = array<i32>} : memref<64x128xf32, #tpu.memory_space<vmem>>, vector<64x128xf32>,
    %get3A_40 = arith.constant 0 : index
    %get3A_41 = arith.constant 0 : index
    %get3A_42 = vector.load %arg22[%get3A_40, %get3A_41] : memref<64x128xf32, #tpu.memory_space<vmem>>, vector<64x128xf32>
    %broadcast_in_dim3A = arith.constant 1.000000e+00 : f32
    %broadcast_in_dim3A_43 = vector.broadcast %broadcast_in_dim3A : f32 to vector<512x128xf32>
    %dot_general3A_44 = arith.constant dense<0.000000e+00> : vector<64x128xf32>
    %dot_general3A_45 = tpu.matmul %convert_element_type3A_31, %broadcast_in_dim3A_43, %dot_general3A_44 {dimension_numbers = #tpu.dot_dimension_numbers<[0], [0], [1], [1], [0, 1, 1, 1], [], []>, precision = #tpu.contract_precision<fp32>, transpose_lhs_hint = false} : vector<512x64xf32>, vector<512x128xf32>, vector<64x128xf32> -> vector<64x128xf32>
    %add3A_46 = arith.addf %get3A_42, %dot_general3A_45 : vector<64x128xf32>
    %swap3A_47 = arith.constant 0 : index
    %swap3A_48 = arith.constant 0 : index
    %swap3A_49 = vector.load %arg22[%swap3A_47, %swap3A_48] : memref<64x128xf32, #tpu.memory_space<vmem>>, vector<64x128xf32>
    tpu.vector_store %arg22[%swap3A_47, %swap3A_48], %add3A_46 {strides = array<i32>} : memref<64x128xf32, #tpu.memory_space<vmem>>, vector<64x128xf32>,
    %get3A_50 = arith.constant 0 : index
    %get3A_51 = arith.constant 0 : index
    %get3A_52 = memref.load %arg8[%get3A_50, %get3A_51] : memref<512x1xi32, #tpu.memory_space<smem>>
    %get3A_53 = arith.constant 511 : index
    %get3A_54 = arith.constant 0 : index
    %get3A_55 = memref.load %arg8[%get3A_53, %get3A_54] : memref<512x1xi32, #tpu.memory_space<smem>>
    %min3A = arith.constant 63 : i32
    %min3A_56 = arith.minsi %get3A_55, %min3A : i32
    %add3A_57 = arith.constant 1 : i32
    %add3A_58 = arith.addi %min3A_56, %add3A_57 : i32
    %while3A = arith.constant 0 : i32
    %while3A_59 = arith.subi %add3A_58, %get3A_52 : i32
    %while3A_60 = arith.addi %get3A_52, %while3A_59 : i32
    %while3A_61 = arith.constant 1 : i32
    %while3A_62 = arith.divsi %while3A_59, %while3A_61 : i32
    %while3A_63 = arith.muli %while3A_62, %while3A_61 : i32
    %while3A_64 = arith.addi %get3A_52, %while3A_63 : i32
    %while3A_65 = arith.constant 1 : i32
    scf.for %while3A_72 = %get3A_52 to %while3A_64 step %while3A_65  : i32 {
      %eq3A_73 = vector.broadcast %while3A_72 : i32 to vector<512x1xi32>
      %eq3A_74 = arith.cmpi eq, %get3A_27, %eq3A_73 : vector<512x1xi32>
      %jit3A = arith.constant 0xFF800000 : f32
      %broadcast_in_dim3A_75 = vector.shape_cast %eq3A_74 : vector<512x1xi1> to vector<512x1xi1>
      %broadcast_in_dim3A_76 = vector.broadcast %broadcast_in_dim3A_75 : vector<512x1xi1> to vector<512x128xi1>
      %broadcast_in_dim3A_77 = vector.broadcast %jit3A : f32 to vector<512x128xf32>
      %select_n3A = arith.select %broadcast_in_dim3A_76, %add3A_24, %broadcast_in_dim3A_77 : vector<512x128xi1>, vector<512x128xf32>
      %reduce_max3A = arith.constant dense<0xFF800000> : vector<128xf32>
      %reduce_max3A_78 = vector.multi_reduction <maximumf>, %select_n3A, %reduce_max3A [0] : vector<512x128xf32> to vector<128xf32>
      %broadcast_in_dim3A_79 = vector.shape_cast %reduce_max3A_78 : vector<128xf32> to vector<1x128xf32>
      %get3A_80 = arith.index_cast %while3A_72 : i32 to index
      %get3A_81 = arith.constant 0 : index
      %get3A_82 = vector.load %arg20[%get3A_80, %get3A_81] : memref<64x128xf32, #tpu.memory_space<vmem>>, vector<1x128xf32>
      %max3A = arith.maximumf %get3A_82, %broadcast_in_dim3A_79 : vector<1x128xf32>
      %swap3A_83 = arith.index_cast %while3A_72 : i32 to index
      %swap3A_84 = arith.constant 0 : index
      %swap3A_85 = vector.load %arg20[%swap3A_83, %swap3A_84] : memref<64x128xf32, #tpu.memory_space<vmem>>, vector<1x128xf32>
      tpu.vector_store %arg20[%swap3A_83, %swap3A_84], %max3A {strides = array<i32>} : memref<64x128xf32, #tpu.memory_space<vmem>>, vector<1x128xf32>,
    }
    %while3A_66 = arith.constant 1 : i32
    scf.for %while3A_72 = %while3A_64 to %while3A_60 step %while3A_66  : i32 {
      %eq3A_73 = vector.broadcast %while3A_72 : i32 to vector<512x1xi32>
      %eq3A_74 = arith.cmpi eq, %get3A_27, %eq3A_73 : vector<512x1xi32>
      %jit3A = arith.constant 0xFF800000 : f32
      %broadcast_in_dim3A_75 = vector.shape_cast %eq3A_74 : vector<512x1xi1> to vector<512x1xi1>
      %broadcast_in_dim3A_76 = vector.broadcast %broadcast_in_dim3A_75 : vector<512x1xi1> to vector<512x128xi1>
      %broadcast_in_dim3A_77 = vector.broadcast %jit3A : f32 to vector<512x128xf32>
      %select_n3A = arith.select %broadcast_in_dim3A_76, %add3A_24, %broadcast_in_dim3A_77 : vector<512x128xi1>, vector<512x128xf32>
      %reduce_max3A = arith.constant dense<0xFF800000> : vector<128xf32>
      %reduce_max3A_78 = vector.multi_reduction <maximumf>, %select_n3A, %reduce_max3A [0] : vector<512x128xf32> to vector<128xf32>
      %broadcast_in_dim3A_79 = vector.shape_cast %reduce_max3A_78 : vector<128xf32> to vector<1x128xf32>
      %get3A_80 = arith.index_cast %while3A_72 : i32 to index
      %get3A_81 = arith.constant 0 : index
      %get3A_82 = vector.load %arg20[%get3A_80, %get3A_81] : memref<64x128xf32, #tpu.memory_space<vmem>>, vector<1x128xf32>
      %max3A = arith.maximumf %get3A_82, %broadcast_in_dim3A_79 : vector<1x128xf32>
      %swap3A_83 = arith.index_cast %while3A_72 : i32 to index
      %swap3A_84 = arith.constant 0 : index
      %swap3A_85 = vector.load %arg20[%swap3A_83, %swap3A_84] : memref<64x128xf32, #tpu.memory_space<vmem>>, vector<1x128xf32>
      tpu.vector_store %arg20[%swap3A_83, %swap3A_84], %max3A {strides = array<i32>} : memref<64x128xf32, #tpu.memory_space<vmem>>, vector<1x128xf32>,
    }
    %eq3A_67 = arith.constant 19 : i32
    %eq3A_68 = arith.cmpi eq, %arg0, %eq3A_67 : i32
    %convert_element_type3A_69 = arith.extui %eq3A_68 : i1 to i32
    %cond3A_70 = arith.constant 0 : i32
    %cond3A_71 = arith.cmpi ne, %convert_element_type3A_69, %cond3A_70 : i32
    scf.if %cond3A_71 {
      %get3A_72 = arith.constant 0 : index
      %get3A_73 = arith.constant 0 : index
      %get3A_74 = vector.load %arg20[%get3A_72, %get3A_73] : memref<64x128xf32, #tpu.memory_space<vmem>>, vector<64x128xf32>
      %get3A_75 = arith.constant 0 : index
      %get3A_76 = arith.constant 0 : index
      %get3A_77 = vector.load %arg21[%get3A_75, %get3A_76] : memref<64x128xf32, #tpu.memory_space<vmem>>, vector<64x128xf32>
      %get3A_78 = arith.constant 0 : index
      %get3A_79 = arith.constant 0 : index
      %get3A_80 = vector.load %arg22[%get3A_78, %get3A_79] : memref<64x128xf32, #tpu.memory_space<vmem>>, vector<64x128xf32>
      %max3A = arith.constant 1.000000e+00 : f32
      %max3A_81 = vector.broadcast %max3A : f32 to vector<64x128xf32>
      %max3A_82 = arith.maximumf %get3A_80, %max3A_81 : vector<64x128xf32>
      %div3A = arith.divf %get3A_77, %max3A_82 : vector<64x128xf32>
      %get3A_83 = arith.constant 0 : index
      %get3A_84 = arith.constant 0 : index
      %get3A_85 = vector.load %arg10[%get3A_83, %get3A_84] : memref<128x128xf32, #tpu.memory_space<vmem>>, vector<128x128xf32>
      %dot_general3A_86 = arith.constant dense<0.000000e+00> : vector<64x128xf32>
      %dot_general3A_87 = tpu.matmul %get3A_74, %get3A_85, %dot_general3A_86 {dimension_numbers = #tpu.dot_dimension_numbers<[1], [0], [0], [1], [0, 0, 1, 1], [], []>, transpose_lhs_hint = false} : vector<64x128xf32>, vector<128x128xf32>, vector<64x128xf32> -> vector<64x128xf32>
      %get3A_88 = arith.constant 0 : index
      %get3A_89 = arith.constant 0 : index
      %get3A_90 = vector.load %arg11[%get3A_88, %get3A_89] : memref<128x128xf32, #tpu.memory_space<vmem>>, vector<128x128xf32>
      %dot_general3A_91 = arith.constant dense<0.000000e+00> : vector<64x128xf32>
      %dot_general3A_92 = tpu.matmul %div3A, %get3A_90, %dot_general3A_91 {dimension_numbers = #tpu.dot_dimension_numbers<[1], [0], [0], [1], [0, 0, 1, 1], [], []>, transpose_lhs_hint = false} : vector<64x128xf32>, vector<128x128xf32>, vector<64x128xf32> -> vector<64x128xf32>
      %add3A_93 = arith.addf %dot_general3A_87, %dot_general3A_92 : vector<64x128xf32>
      %get3A_94 = arith.constant 0 : index
      %get3A_95 = arith.constant 0 : index
      %get3A_96 = vector.load %arg12[%get3A_94, %get3A_95] : memref<128x128xf32, #tpu.memory_space<vmem>>, vector<128x128xf32>
      %dot_general3A_97 = arith.constant dense<0.000000e+00> : vector<64x128xf32>
      %dot_general3A_98 = tpu.matmul %get3A_77, %get3A_96, %dot_general3A_97 {dimension_numbers = #tpu.dot_dimension_numbers<[1], [0], [0], [1], [0, 0, 1, 1], [], []>, transpose_lhs_hint = false} : vector<64x128xf32>, vector<128x128xf32>, vector<64x128xf32> -> vector<64x128xf32>
      %add3A_99 = arith.addf %add3A_93, %dot_general3A_98 : vector<64x128xf32>
      %get3A_100 = arith.constant 0 : index
      %get3A_101 = arith.constant 0 : index
      %get3A_102 = vector.load %arg9[%get3A_100, %get3A_101] : memref<64x1xf32, #tpu.memory_space<vmem>>, vector<64x1xf32>
      %get3A_103 = arith.constant 0 : index
      %get3A_104 = arith.constant 0 : index
      %get3A_105 = vector.load %arg13[%get3A_103, %get3A_104] : memref<1x128xf32, #tpu.memory_space<vmem>>, vector<1x128xf32>
      %mul3A = vector.broadcast %get3A_102 : vector<64x1xf32> to vector<64x128xf32>
      %mul3A_106 = vector.broadcast %get3A_105 : vector<1x128xf32> to vector<64x128xf32>
      %mul3A_107 = arith.mulf %mul3A, %mul3A_106 : vector<64x128xf32>
      %add3A_108 = arith.addf %add3A_99, %mul3A_107 : vector<64x128xf32>
      %get3A_109 = arith.constant 0 : index
      %get3A_110 = arith.constant 0 : index
      %get3A_111 = vector.load %arg14[%get3A_109, %get3A_110] : memref<1x128xf32, #tpu.memory_space<vmem>>, vector<1x128xf32>
      %add3A_112 = vector.broadcast %get3A_111 : vector<1x128xf32> to vector<64x128xf32>
      %add3A_113 = arith.addf %add3A_108, %add3A_112 : vector<64x128xf32>
      %max3A_114 = arith.constant 0.000000e+00 : f32
      %max3A_115 = vector.broadcast %max3A_114 : f32 to vector<64x128xf32>
      %max3A_116 = arith.maximumf %add3A_113, %max3A_115 : vector<64x128xf32>
      %get3A_117 = arith.constant 0 : index
      %get3A_118 = arith.constant 0 : index
      %get3A_119 = vector.load %arg15[%get3A_117, %get3A_118] : memref<128x128xf32, #tpu.memory_space<vmem>>, vector<128x128xf32>
      %dot_general3A_120 = arith.constant dense<0.000000e+00> : vector<64x128xf32>
      %dot_general3A_121 = tpu.matmul %max3A_116, %get3A_119, %dot_general3A_120 {dimension_numbers = #tpu.dot_dimension_numbers<[1], [0], [0], [1], [0, 0, 1, 1], [], []>, transpose_lhs_hint = false} : vector<64x128xf32>, vector<128x128xf32>, vector<64x128xf32> -> vector<64x128xf32>
      %get3A_122 = arith.constant 0 : index
      %get3A_123 = arith.constant 0 : index
      %get3A_124 = vector.load %arg16[%get3A_122, %get3A_123] : memref<1x128xf32, #tpu.memory_space<vmem>>, vector<1x128xf32>
      %add3A_125 = vector.broadcast %get3A_124 : vector<1x128xf32> to vector<64x128xf32>
      %add3A_126 = arith.addf %dot_general3A_121, %add3A_125 : vector<64x128xf32>
      %max3A_127 = arith.constant 0.000000e+00 : f32
      %max3A_128 = vector.broadcast %max3A_127 : f32 to vector<64x128xf32>
      %max3A_129 = arith.maximumf %add3A_126, %max3A_128 : vector<64x128xf32>
      %get3A_130 = arith.constant 0 : index
      %get3A_131 = arith.constant 0 : index
      %get3A_132 = vector.load %arg17[%get3A_130, %get3A_131] : memref<128x1xf32, #tpu.memory_space<vmem>>, vector<128x1xf32>
      %dot_general3A_133 = arith.constant dense<0.000000e+00> : vector<64x1xf32>
      %dot_general3A_134 = tpu.matmul %max3A_129, %get3A_132, %dot_general3A_133 {dimension_numbers = #tpu.dot_dimension_numbers<[1], [0], [0], [1], [0, 0, 1, 1], [], []>, transpose_lhs_hint = false} : vector<64x128xf32>, vector<128x1xf32>, vector<64x1xf32> -> vector<64x1xf32>
      %get3A_135 = arith.constant 0 : index
      %get3A_136 = arith.constant 0 : index
      %get3A_137 = vector.load %arg18[%get3A_135, %get3A_136] : memref<1x1xf32, #tpu.memory_space<vmem>>, vector<1x1xf32>
      %add3A_138 = vector.broadcast %get3A_137 : vector<1x1xf32> to vector<64x1xf32>
      %add3A_139 = arith.addf %dot_general3A_134, %add3A_138 : vector<64x1xf32>
      %swap3A_140 = arith.constant 0 : index
      %swap3A_141 = arith.constant 0 : index
      %swap3A_142 = vector.load %arg19[%swap3A_140, %swap3A_141] : memref<64x1xf32, #tpu.memory_space<vmem>>, vector<64x1xf32>
      tpu.vector_store %arg19[%swap3A_140, %swap3A_141], %add3A_139 {strides = array<i32>} : memref<64x1xf32, #tpu.memory_space<vmem>>, vector<64x1xf32>,
    } else {
    }
    return
  }
  func.func @transform_0(%arg0: i32) -> (i32, i32) {
    %c0_i32 = arith.constant 0 : i32
    %c0_i32_0 = arith.constant 0 : i32
    return %arg0, %c0_i32 : i32, i32
  }
  func.func @transform_1(%arg0: i32) -> (i32, i32) {
    %c0_i32 = arith.constant 0 : i32
    %c0_i32_0 = arith.constant 0 : i32
    return %arg0, %c0_i32 : i32, i32
  }
  func.func @transform_2(%arg0: i32) -> (i32, i32) {
    %c0_i32 = arith.constant 0 : i32
    %c0_i32_0 = arith.constant 0 : i32
    return %arg0, %c0_i32 : i32, i32
  }
  func.func @transform_3(%arg0: i32) -> (i32, i32) {
    %c0_i32 = arith.constant 0 : i32
    %c0_i32_0 = arith.constant 0 : i32
    %c0_i32_1 = arith.constant 0 : i32
    return %c0_i32, %c0_i32_0 : i32, i32
  }
  func.func @transform_4(%arg0: i32) -> (i32, i32) {
    %c0_i32 = arith.constant 0 : i32
    %c0_i32_0 = arith.constant 0 : i32
    %c0_i32_1 = arith.constant 0 : i32
    return %c0_i32, %c0_i32_0 : i32, i32
  }
  func.func @transform_5(%arg0: i32) -> (i32, i32) {
    %c0_i32 = arith.constant 0 : i32
    %c0_i32_0 = arith.constant 0 : i32
    %c0_i32_1 = arith.constant 0 : i32
    return %c0_i32, %c0_i32_0 : i32, i32
  }
  func.func @transform_6(%arg0: i32) -> (i32, i32) {
    %c0_i32 = arith.constant 0 : i32
    %c0_i32_0 = arith.constant 0 : i32
    return %arg0, %c0_i32 : i32, i32
  }
  func.func @transform_7(%arg0: i32) -> (i32, i32) {
    %c0_i32 = arith.constant 0 : i32
    %c0_i32_0 = arith.constant 0 : i32
    return %arg0, %c0_i32 : i32, i32
  }
  func.func @transform_8(%arg0: i32) -> (i32, i32) {
    %c0_i32 = arith.constant 0 : i32
    %c0_i32_0 = arith.constant 0 : i32
    %c0_i32_1 = arith.constant 0 : i32
    return %c0_i32, %c0_i32_0 : i32, i32
  }
  func.func @transform_9(%arg0: i32) -> (i32, i32) {
    %c0_i32 = arith.constant 0 : i32
    %c0_i32_0 = arith.constant 0 : i32
    %c0_i32_1 = arith.constant 0 : i32
    return %c0_i32, %c0_i32_0 : i32, i32
  }
  func.func @transform_10(%arg0: i32) -> (i32, i32) {
    %c0_i32 = arith.constant 0 : i32
    %c0_i32_0 = arith.constant 0 : i32
    %c0_i32_1 = arith.constant 0 : i32
    return %c0_i32, %c0_i32_0 : i32, i32
  }
  func.func @transform_11(%arg0: i32) -> (i32, i32) {
    %c0_i32 = arith.constant 0 : i32
    %c0_i32_0 = arith.constant 0 : i32
    %c0_i32_1 = arith.constant 0 : i32
    return %c0_i32, %c0_i32_0 : i32, i32
  }
  func.func @transform_12(%arg0: i32) -> (i32, i32) {
    %c0_i32 = arith.constant 0 : i32
    %c0_i32_0 = arith.constant 0 : i32
    %c0_i32_1 = arith.constant 0 : i32
    return %c0_i32, %c0_i32_0 : i32, i32
  }
  func.func @transform_13(%arg0: i32) -> (i32, i32) {
    %c0_i32 = arith.constant 0 : i32
    %c0_i32_0 = arith.constant 0 : i32
    %c0_i32_1 = arith.constant 0 : i32
    return %c0_i32, %c0_i32_0 : i32, i32
  }
  func.func @transform_14(%arg0: i32) -> (i32, i32) {
    %c0_i32 = arith.constant 0 : i32
    %c0_i32_0 = arith.constant 0 : i32
    %c0_i32_1 = arith.constant 0 : i32
    return %c0_i32, %c0_i32_0 : i32, i32
  }
  func.func @transform_15(%arg0: i32) -> (i32, i32) {
    %c0_i32 = arith.constant 0 : i32
    %c0_i32_0 = arith.constant 0 : i32
    %c0_i32_1 = arith.constant 0 : i32
    return %c0_i32, %c0_i32_0 : i32, i32
  }
  func.func @transform_16(%arg0: i32) -> (i32, i32) {
    %c0_i32 = arith.constant 0 : i32
    %c0_i32_0 = arith.constant 0 : i32
    %c0_i32_1 = arith.constant 0 : i32
    return %c0_i32, %c0_i32_0 : i32, i32
  }
  func.func @transform_17(%arg0: i32) -> (i32, i32) {
    %c0_i32 = arith.constant 0 : i32
    %c0_i32_0 = arith.constant 0 : i32
    %c0_i32_1 = arith.constant 0 : i32
    return %c0_i32, %c0_i32_0 : i32, i32
  }
  func.func @transform_18(%arg0: i32) -> (i32, i32) {
    %c0_i32 = arith.constant 0 : i32
    %c0_i32_0 = arith.constant 0 : i32
    %c0_i32_1 = arith.constant 0 : i32
    return %c0_i32, %c0_i32_0 : i32, i32
  }
}

</mosaic_0001>

<sc_bundles>
// kernel: kernel.11.cloned.1.call-start
scs
__scs_entry_jumppad:
0x0: {  	(pc) =	sbr.rel $0x88, $3  }
0x1: {  	(tag) =	ssettag $0x0;
	lr =	simm.s32 $0x1  }
0x2: {  	[smem:$0x3F8E] =	sst lr;
	_ =	strace $0xD0000000  }
0x3: {  	_ = 	snop  }
0x4: {  	_ = 	snop  }
0x5: {  	_ = 	snop  }
0x6: {  	_ = 	snop  }
0x7: {  	_ = 	snop  }
__scs_overlays_trampoline_lowered:
0x8: {  	[smem:$0x3F9D] =	sst s0  }
0x9: {  	[smem:$0x3F9E] =	sst s1  }
0xa: {  	[smem:$0x3F9F] =	sst s2  }
0xb: {  	[smem:$0x3FA0] =	sst s3  }
0xc: {  	[smem:$0x3FA1] =	sst s4  }
0xd: {  	[smem:$0x3FA2] =	sst s5  }
0xe: {  	[smem:$0x3FA3] =	sst s6  }
0xf: {  	[smem:$0x3FA4] =	sst s7  }
0x10: {  	[smem:$0x3FA5] =	sst s8  }
0x11: {  	[smem:$0x3FA6] =	sst s9;
	s0 =	simm.s32 @!p0 $0x0  }
0x12: {  	s1 =	sld [smem:$0x3F8C];
	s0 =	simm.s32 @p0 $0x1  }
0x13: {  	[smem:$0x3FA7] =	sst s0;
	s0 =	simm.s32 @!p1 $0x0  }
0x14: {  	s2 =	sld [smem:$0x3F8B];
	s0 =	simm.s32 @p1 $0x1  }
0x15: {  	[smem:$0x3FA8] =	sst s0;
	s0 =	simm.s32 @!p2 $0x0  }
0x16: {  	s3 =	sld [smem:$0x3FDB];
	s0 =	simm.s32 @p2 $0x1  }
0x17: {  	s4 =	simm.s32 $0x1BF5;
	[smem:$0x3FAA] =	sst s0  }
0x18: {  	s0 =	sld [smem:$0x3F8D];
	_ =	swait.ge [sflag:s4], $0x0  }
0x19: {  	s7 =	sld [smem:$0x3F8E]  }
0x1a: {  	s8 =	sadd.s32 $0xFFFFE003, lr  }
0x1b: {  	s9 =	sadd.s32 $0xFFFFFEF7, lr;
	s5 =	simm.s32 $0xFFFFFFFF;
	p2 =	slt.u32 s8, $0xFFFFF086  }
0x1c: {  	p1 =	slt.u32 s9, $0xF7A;
	s5 =	simm.s32 @!p2 $0x0  }
0x1d: {  	s5 =	simm.s32 @p1 $0x1;
	p0 =	seq.s32 s7, s2  }
0x1e: {  	s7 =	smul.u32 @!p0 $0xF7A, s2;
	p2 =	seq.s32 @!p0 s5, $0x0  }
0x1f: {  	s9 =	smul.u32 $0xF7A, s1;
	s8 =	simm.s32 @!p0 $0x1BF5;
	p2 =	por !p2, p0  }
0x20: {  	[sflag:s8] =	ssyncset.s32 @!p0 $0xFFFFF086;
	s6 =	sadd.s32 @!p0 s3, s7;
	s7 =	simm.s32 @!p0 $0x108  }
0x21: {  	s3 =	sadd.s32 s3, s9;
	s6 =	sadd.s32 @!p0 $0x88, s6;
	s7 =	simm.s32 @p2 $0x1082  }
0x22: {  	[simem:s7], [sflag:s8] =	dma.local @!p0 [hbm:s6], $0xF7A  }
0x23: {  	s9 =	sor.u32 $0xD0000000, s2;
	s6 =	simm.s32 $0x108;
	_ =	swait.ge @!p0 [sflag:s8], $0x0  }
0x24: {  	s3 =	sadd.s32 $0x88, s3;
	s6 =	simm.s32 @!p1 $0x1082;
	[sflag:s4] =	ssyncset.s32 $0xFFFFF086  }
0x25: {  	[simem:s6], [sflag:s4] =	dma.local [hbm:s3], $0xF7A  }
0x26: {  	[smem:$0x3F8E] =	sst s1;
	(tag) =	ssettag s2;
	_ =	strace s9  }
0x27: {  	s1 =	sld [smem:$0x3F9E]  }
0x28: {  	s2 =	sld [smem:$0x3F9F]  }
0x29: {  	s4 =	sld [smem:$0x3FA1]  }
0x2a: {  	p0 =	seq.s32 s5, $0x0;
	s5 =	sld [smem:$0x3FA2]  }
0x2b: {  	s6 =	sld [smem:$0x3FA3]  }
0x2c: {  	s7 =	sld [smem:$0x3FA4]  }
0x2d: {  	s3 =	simm.s32 $0x108;
	s8 =	sld [smem:$0x3FA5]  }
0x2e: {  	s3 =	simm.s32 @!p0 $0x1082;
	s9 =	sld [smem:$0x3FA6]  }
0x2f: {  	lr =	sadd.s32 s0, s3;
	s0 =	sld [smem:$0x3F9D]  }
0x30: {  	s3 =	sld [smem:$0x3FA0]  }
0x31: {  	[smem:$0x3FA9] =	sst s10  }
0x32: {  	s10 =	sld [smem:$0x3FA7];
	_ =	sdelay $0x3  }
0x33: {  	p0 =	seq.s32 s10, $0x1;
	s10 =	sld [smem:$0x3FA9];
	_ =	sdelay $0x3  }
0x34: {  	[smem:$0x3FA9] =	sst s10  }
0x35: {  	s10 =	sld [smem:$0x3FA8];
	_ =	sdelay $0x3  }
0x36: {  	p1 =	seq.s32 s10, $0x1;
	s10 =	sld [smem:$0x3FA9];
	_ =	sdelay $0x3  }
0x37: {  	[smem:$0x3FA9] =	sst s10  }
0x38: {  	s10 =	sld [smem:$0x3FAA]  }
0x39: {  	_ = 	snop;
	(pc) =	sbr.ind lr, $3  }
0x3a: {  	_ = 	snop  }
0x3b: {  	_ = 	snop  }
0x3c: {  	p2 =	seq.s32 s10, $0x1;
	s10 =	sld [smem:$0x3FA9]  }
0x3d: {  	_ =	shalt  }
0x3e: {  	_ =	shalt  }
0x3f: {  	_ =	shalt  }
0x40: {  	_ =	shalt  }
0x41: {  	_ =	shalt  }
0x42: {  	_ =	shalt  }
0x43: {  	_ =	shalt  }
0x44: {  	_ =	shalt  }
0x45: {  	_ =	shalt  }
0x46: {  	_ =	shalt  }
0x47: {  	_ =	shalt  }
0x48: {  	_ =	shalt  }
0x49: {  	_ =	shalt  }
0x4a: {  	_ =	shalt  }
0x4b: {  	_ =	shalt  }
0x4c: {  	_ =	shalt  }
0x4d: {  	_ =	shalt  }
0x4e: {  	_ =	shalt  }
0x4f: {  	_ =	shalt  }
0x50: {  	_ =	shalt  }
0x51: {  	_ =	shalt  }
0x52: {  	_ =	shalt  }
0x53: {  	_ =	shalt  }
0x54: {  	_ =	shalt  }
0x55: {  	_ =	shalt  }
0x56: {  	_ =	shalt  }
0x57: {  	_ =	shalt  }
0x58: {  	_ =	shalt  }
0x59: {  	_ =	shalt  }
0x5a: {  	_ =	shalt  }
0x5b: {  	_ =	shalt  }
0x5c: {  	_ =	shalt  }
0x5d: {  	_ =	shalt  }
0x5e: {  	_ =	shalt  }
0x5f: {  	_ =	shalt  }
0x60: {  	_ =	shalt  }
0x61: {  	_ =	shalt  }
0x62: {  	_ =	shalt  }
0x63: {  	_ =	shalt  }
0x64: {  	_ =	shalt  }
0x65: {  	_ =	shalt  }
0x66: {  	_ =	shalt  }
0x67: {  	_ =	shalt  }
0x68: {  	_ =	shalt  }
0x69: {  	_ =	shalt  }
0x6a: {  	_ =	shalt  }
0x6b: {  	_ =	shalt  }
0x6c: {  	_ =	shalt  }
0x6d: {  	_ =	shalt  }
0x6e: {  	_ =	shalt  }
0x6f: {  	_ =	shalt  }
0x70: {  	_ =	shalt  }
0x71: {  	_ =	shalt  }
0x72: {  	_ =	shalt  }
0x73: {  	_ =	shalt  }
0x74: {  	_ =	shalt  }
0x75: {  	_ =	shalt  }
0x76: {  	_ =	shalt  }
0x77: {  	_ =	shalt  }
0x78: {  	_ =	shalt  }
0x79: {  	_ =	shalt  }
0x7a: {  	_ =	shalt  }
0x7b: {  	_ =	shalt  }
0x7c: {  	_ =	shalt  }
0x7d: {  	_ =	shalt  }
0x7e: {  	_ =	shalt  }
0x7f: {  	_ =	shalt  }
0x80: {  	_ =	shalt  }
0x81: {  	_ =	shalt  }
0x82: {  	_ =	shalt  }
0x83: {  	_ =	shalt  }
0x84: {  	_ =	shalt  }
0x85: {  	_ =	shalt  }
0x86: {  	_ =	shalt  }
0x87: {  	_ =	shalt  }
.Lfunc_end0:
.L_simem_size_0:
called_computation.1_lowered:
.L_overlay_start_0:
0x88: {  	s2 =	sld [smem:$0x3FD9]  }
0x89: {  	s3 =	sld [smem:$0x3FFE];
	_ =	sdelay $0x1  }
0x8a: {  	s1 =	srdreg.scid  }
0x8b: {  	s0 =	sand.u32 $0x1, s1  }
0x8c: {  	s16 =	sshll.u32 s0, $0xA;
	s2 =	sadd.s32 s3, s2  }
0x8d: {  	s2 =	sadd.s32 s2, s16  }
0x8e: {  	[smem:$0x3FB5] =	sst s2  }
0x8f: {  	_ = 	snop  }
0x90: {  	(tm) =	ssettm $0x1  }
0x91: {  	s17 =	sld [smem:$0x3FFB];
	_ =	sdelay $0x3  }
0x92: {  	_ =	strace s17  }
0x93: {  	s2 =	sld [smem:$0x3FFC];
	_ =	sdelay $0x3  }
0x94: {  	_ =	strace s2  }
0x95: {  	s2 =	sld [smem:$0x3FFD];
	_ =	sdelay $0x3  }
0x96: {  	_ =	strace s2  }
0x97: {  	_ =	strace $0x8FFFFFFF  }
0x98: {  	s18 =	sld [smem:$0x3FDB];
	_ =	sdelay $0x1  }
0x99: {  	s19 =	simm.s32 $_scs_section_size  }
0x9a: {  	s4 =	simm.s32 $_size__tile_overlayer_lowered;
	s5 =	simm.s32 $_tile_overlayer_lowered  }
0x9b: {  	s22 =	simm.s32 $0x1BFF;
	s21 =	sshll.u32 s5, $0x1;
	s2 =	sadd.s32 s19, s18  }
0x9c: {  	s6 =	simm.s32 $0x0;
	s20 =	sshll.u32 s4, $0x1;
	s4 =	sadd.s32 s21, s2  }
0x9d: {  	[timem:s6], [sflag:s22] =	dma.local [hbm:s4], s20  }
0x9e: {  	_ =	swait.ge [sflag:s22], s20  }
0x9f: {  	s3 =	ssub.s32 $0x0, s20;
	[sflag:s22] =	ssyncset.done $0x0  }
0xa0: {  	[sflag:s22] =	ssyncadd.s32 s3;
	_ =	sdelay $0x1  }
0xa1: {  	s23 =	simm.s32 $0x1B8B  }
0xa2: {  	_ =	swait.ge [sflag:s23], $0x1  }
0xa3: {  	[sflag:s23] =	ssyncset.done $0x0  }
0xa4: {  	s25 =	simm.s32 $0x1B8E;
	s24 =	sld [smem:$0x3FFE];
	[sflag:s23] =	ssyncadd.s32 $0xFFFFFFFF  }
0xa5: {  	s26 =	simm.s32 $execute0_lowered;
	[smem:$0x3FD2] =	sst s25  }
0xa6: {  	s4 =	sshll.u32 s26, $0x1;
	_ =	strace $0x80000049;
	[dreg:$0x1] =	wrdreg $0xFFFFFFFF  }
0xa7: {  	s28 =	simm.s32 $_size_execute0_lowered;
	s2 =	sadd.s32 s2, s4;
	[dreg:$0x0] =	wrdreg $0x0  }
0xa8: {  	s4 =	sshll.u32 s28, $0x1;
	[dreg:$0x2] =	wrdreg s2  }
0xa9: {  	[dreg:$0x3] =	wrdreg s4  }
0xaa: {  	[dreg:$0x4] =	wrdreg $0xC0  }
0xab: {  	_ =	task [dreg:s6], $0x5FFFF  }
0xac: {  	[dreg:$0x1] =	wrdreg $0xFFFFFFFF  }
0xad: {  	[dreg:$0x0] =	wrdreg $0x60  }
0xae: {  	[dreg:$0x2] =	wrdreg s24  }
0xaf: {  	[dreg:$0x3] =	wrdreg $0x0  }
0xb0: {  	[dreg:$0x4] =	wrdreg $0x9  }
0xb1: {  	_ =	task.clear_ibuf [dreg:s6], $0x5FFFF;
	_ =	strace $0x90000049  }
0xb2: {  	s29 =	simm.s32 $0x9;
	_ =	strace $0x8000004B  }
0xb3: {  	_ =	swait.ge [sflag:s29], $0x1  }
0xb4: {  	[sflag:s29] =	ssyncadd.s32 $0xFFFFFFFF  }
0xb5: {  	_ =	strace $0x9000004B  }
0xb6: {  	_ =	sfence  }
0xb7: {  	s30 =	sld [smem:$0x0];
	_ =	sdelay $0x2  }
0xb8: {  	s31 =	sshll.u32 s1, $0xD;
	s1 =	sshrl.u32 s1, $0x2  }
0xb9: {  	s3 =	sand.u32 $0x4000, s31;
	s1 =	sadd.s32 s1, s30  }
0xba: {  	s0 =	sor.u32 s3, s0;
	s1 =	sshll.u32 s1, $0x11  }
0xbb: {  	s0 =	sor.u32 s1, s0  }
0xbc: {  	s0 =	sadd.s32 $0x8F2B, s0  }
0xbd: {  	[sflag:s0] =	ssyncadd.remote.s32 $0x1  }
0xbe: {  	_ =	sfence.sel $0xFFFF  }
0xbf: {  	[dreg:$0x0] =	wrdreg $0xFFFFFFFF;
	(pc) =	sbr.abs _section_cstart, $3  }
0xc0: {  	[dreg:$0x1] =	wrdreg $0xFFFFFFFF  }
0xc1: {  	_ =	task.clear_ibuf [dreg:s6], $0x2FFFF;
	_ =	strace $0x9FFFFFFF  }
0xc2: {  	(tm) =	ssettm $0x7FFFFFFF  }
0xc3: {  	_ =	shalt  }
tec
execute0_lowered:
.L_overlay_start_1:
0x0: {  	(tag) =	ssettag $0x1  }
0x1: {  	s0 =	srdreg.scid  }
0x2: {  	s10 =	stileid.u32;
	s5 =	rddreg [dreg:$0x0]  }
0x3: {  	s2 =	rddreg [dreg:$0x1];
	s3 =	simm.s32 $0x0;
	s29 =	simm.s32 $0x3  }
0x4: {  	s30 =	simm.s32 $0xE;
	s31 =	simm.s32 $0x4;
	s7 =	smul.u32 $0x14000, s10  }
0x5: {  	s28 =	simm.s32 $0x16780;
	s0 =	sand.u32 $0x1, s0;
	s9 =	smul.u32 $0x2710, s10  }
0x6: {  	s4 =	sshll.u32 s10, $0x7;
	[smem:$0x7FF] =	sst s3;
	s21 =	smul.u32 $0x50000, s10  }
0x7: {  	s11 =	sadd.s32 $0x4A00, s5;
	s1 =	sshll.u32 s0, $0x4;
	s6 =	smul.u32 $0x140000, s0  }
0x8: {  	s4 =	sand.u32 $0x380, s4;
	_ =	strace $0x8000004A;
	s8 =	smul.u32 $0x27100, s0  }
0x9: {  	s0 =	ssub.s32 $0x2, s0;
	[dreg:$0x3] =	wrdreg s11;
	s1 =	sor.u32 s10, s1  }
0xa: {  	s15 =	sshrl.u32 s0, $0x1;
	s25 =	sshrl.u32 s21, $0x2;
	s1 =	sshrl.u32 s1, $0x3  }
0xb: {  	s6 =	sadd.s32 s7, s6;
	s8 =	sadd.s32 s9, s8;
	s0 =	ssub.s32 s0, s15  }
0xc: {  	s14 =	sadd.s32 s25, s2;
	s1 =	smul.u32 $0x13C00, s1;
	s6 =	sshrl.u32 s6, $0x3  }
0xd: {  	s16 =	sadd.s32 $0x28, s8;
	s18 =	sshrl.u32 s8, $0x3;
	s20 =	sadd.s32 $0x78, s8  }
0xe: {  	s0 =	smax.u32 s0, $0x1;
	s26 =	sadd.s32 $0x1400, s14;
	[dreg:$0xb] =	wrdreg s14  }
0xf: {  	s7 =	sadd.s32 $0x6400, s14;
	s9 =	sadd.s32 $0x7800, s14;
	[dreg:$0xc] =	wrdreg s0  }
0x10: {  	s10 =	sadd.s32 $0x118, s8;
	s12 =	sadd.s32 $0x140, s8;
	[dreg:$0xd] =	wrdreg s26  }
0x11: {  	s13 =	sadd.s32 $0xF0, s8;
	s21 =	sadd.s32 $0xC800, s14;
	[dreg:$0x11] =	wrdreg s7  }
0x12: {  	s25 =	sadd.s32 $0x11800, s14;
	s17 =	sshrl.u32 s16, $0x3;
	[dreg:$0x12] =	wrdreg s9  }
0x13: {  	s19 =	sadd.s32 s11, s18;
	s23 =	sshrl.u32 s20, $0x3;
	[dreg:$0x1b] =	wrdreg s21  }
0x14: {  	s18 =	sadd.s32 $0x8C00, s14;
	s20 =	sadd.s32 $0xB400, s14;
	[dreg:$0x1f] =	wrdreg s25  }
0x15: {  	s26 =	sadd.s32 $0x12C00, s14;
	s7 =	simm.s32 $0x19200;
	[dreg:$0x5] =	wrdreg s19  }
0x16: {  	s21 =	simm.s32 $0x6;
	s9 =	simm.s32 $0x7;
	[dreg:$0x18] =	wrdreg s18  }
0x17: {  	s1 =	sor.u32 s4, s1;
	s4 =	sadd.s32 $0x18600, s5;
	[dreg:$0x1a] =	wrdreg s20  }
0x18: {  	s22 =	sadd.s32 $0xA, s19;
	s24 =	sadd.s32 $0x14, s19;
	[smem:$0x7FD] =	sst s26  }
0x19: {  	s19 =	sadd.s32 $0xA000, s14;
	s18 =	simm.s32 $0x16880;
	[dreg:$0x7] =	wrdreg s22  }
0x1a: {  	s20 =	simm.s32 $0x1A600;
	s26 =	simm.s32 $0x1BA00;
	[dreg:$0x9] =	wrdreg s24  }
0x1b: {  	s1 =	sshrl.u32 s1, $0x3;
	[dreg:$0x19] =	wrdreg s19;
	s22 =	sadd.s32 $0xDC00, s14  }
0x1c: {  	s24 =	sadd.s32 $0x10400, s14;
	s19 =	simm.s32 $0x17E00;
	s1 =	sadd.s32 s1, s5  }
0x1d: {  	s5 =	sadd.s32 s6, s5;
	s6 =	sadd.s32 $0x5000, s14;
	[dreg:$0x1c] =	wrdreg s22  }
0x1e: {  	[dreg:$0x1e] =	wrdreg s24;
	s22 =	simm.s32 $0x16900;
	s24 =	simm.s32 $0x16A00  }
0x1f: {  	s1 =	sadd.s32 $0xE800, s1;
	s5 =	sadd.s32 $0x40600, s5;
	[dreg:$0x10] =	wrdreg s6  }
0x20: {  	s6 =	simm.s32 $0x8;
	[dreg:$0x4] =	wrdreg s1;
	s1 =	sadd.s32 s11, s17  }
0x21: {  	[dreg:$0xa] =	wrdreg s5;
	s5 =	sadd.s32 $0x168, s8;
	s17 =	sadd.s32 $0xC8, s8  }
0x22: {  	s8 =	simm.s32 $0x9;
	[dreg:$0x6] =	wrdreg s1;
	s1 =	sadd.s32 s11, s23  }
0x23: {  	s0 =	sshrl.u32 s5, $0x3;
	s5 =	sshrl.u32 s13, $0x3;
	[dreg:$0x17] =	wrdreg s17  }
0x24: {  	s23 =	sadd.s32 $0xF000, s14;
	s17 =	simm.s32 $0x16800;
	[dreg:$0x8] =	wrdreg s1  }
0x25: {  	s13 =	simm.s32 $0xA;
	s1 =	sadd.s32 $0x2800, s14;
	[dreg:$0x1d] =	wrdreg s23  }
0x26: {  	s0 =	sadd.s32 s0, s11;
	s16 =	sadd.s32 s5, s11;
	[dreg:$0xe] =	wrdreg s1  }
0x27: {  	s23 =	simm.s32 $0x16980;
	s1 =	sadd.s32 $0x3C00, s14;
	[dreg:$0x13] =	wrdreg s0  }
.Ltmp0:
0x28: {  	s0 =	sshrl.u32 s10, $0x3;
	[dreg:$0x16] =	wrdreg s16;
	(pc) =	sbr.rel .LBB2_1-.Ltmp0, $4  }
0x29: {  	s16 =	simm.s32 $0x10;
	s10 =	simm.s32 $0x0;
	[dreg:$0xf] =	wrdreg s1  }
0x2a: {  	s1 =	sshrl.u32 s12, $0x3;
	s0 =	sadd.s32 s0, s11;
	s12 =	simm.s32 $0x28  }
0x2b: {  	[dreg:$0x14] =	wrdreg s0;
	s15 =	sadd.s32 s1, s11;
	s1 =	simm.s32 $0xF  }
0x2c: {  	v0 =	vimm.f32 $0.0e+00;
	s0 =	simm.s32 $0x5;
	[dreg:$0x15] =	wrdreg s15;
	s15 =	simm.s32 $0x14000  }
.LBB2_6:
0x2d: {  	_ =	swait.ge [sflag:s9], $0x1400  }
0x2e: {  	[sflag:s9] =	ssyncset.done $0x0  }
0x2f: {  	[sflag:s9] =	ssyncadd.s32 $0xFFFFEC00  }
0x30: {  	_ =	swait.ge [sflag:s6], $0x1400  }
0x31: {  	[sflag:s6] =	ssyncset.done $0x0  }
0x32: {  	[sflag:s6] =	ssyncadd.s32 $0xFFFFEC00  }
0x33: {  	_ =	swait.ge [sflag:s8], $0x1400  }
0x34: {  	[sflag:s8] =	ssyncset.done $0x0  }
0x35: {  	[sflag:s8] =	ssyncadd.s32 $0xFFFFEC00  }
0x36: {  	_ =	swait.ge [sflag:s13], $0x1400  }
0x37: {  	[sflag:s13] =	ssyncset.done $0x0  }
0x38: {  	[sflag:s13] =	ssyncadd.s32 $0xFFFFEC00  }
0x39: {  	s5 =	stileid.u32;
	[bflag:$0x0] =	sbarrier.arrive $0xFFFF  }
0x3a: {  	s16 =	simm.s32 $0x10;
	s5 =	sshll.u32 s5, $0x6;
	s14 =	rddreg [dreg:$0xb]  }
0x3b: {  	s5 =	sor.u32 $0x1C10, s5;
	s11 =	rddreg [dreg:$0xa];
	s10 =	sshrl.u32 s14, $0x3  }
0x3c: {  	[hbm:s11], [sflag:s5] =	dma.local [spmem:s10], $0x2800  }
0x3d: {  	_ =	swait.ge [sflag:s16], $0x2800  }
0x3e: {  	s15 =	sld [smem:$0x7FC];
	_ =	sdelay $0x2  }
0x3f: {  	s25 =	rddreg [dreg:$0xc];
	s10 =	sadd.s32 $0x1, s15  }
0x40: {  	p0 =	sne.s32 s10, s25  }
.Ltmp1:
0x41: {  	_ = 	snop;
	(pc) =	sbr.rel @!p0 .LBB2_7-.Ltmp1, $4  }
0x42: {  	_ = 	snop  }
0x43: {  	s26 =	simm.s32 $0x1BA00  }
0x44: {  	s23 =	simm.s32 $0x16980;
	s20 =	simm.s32 $0x1A600;
	[sflag:s16] =	ssyncset.done $0x0  }
0x45: {  	s22 =	simm.s32 $0x16900;
	[sflag:s16] =	ssyncadd.s32 $0xFFFFD800;
	s15 =	simm.s32 $0x14000  }
.LBB2_1:
0x46: {  	[smem:$0x7FC] =	sst s10  }
0x47: {  	s5 =	rddreg [dreg:$0x4];
	s25 =	simm.s32 $0x80;
	s11 =	simm.s32 $0x400  }
0x48: {  	[tilespmem:s15], [sflag:$0x10] =	stream.strided.gather [hbm4b:s5+s25], $0x2780, s11, s25, $0x38;
	[tilespmem:$0x1CE00] =	vst v63  }
0x49: {  	_ =	swait.ge [sflag:s16], $0x2780  }
0x4a: {  	[sflag:s16] =	ssyncset.done $0x0  }
0x4b: {  	s11 =	rddreg [dreg:$0x6];
	[sflag:s16] =	ssyncadd.s32 $0xFFFFD880  }
0x4c: {  	[tilespmem:s17], [sflag:$0xC] =	stream.linear.gather [hbm4b:s11+s3], $0x28, $0x38;
	[tilespmem:$0x1CE00] =	vst v63  }
0x4d: {  	s16 =	simm.s32 $0x14028  }
0x4e: {  	[tilespmem:s19], [sflag:$0x2] =	stream.indirect.gather [hbm4b:s4+s12], $0x80, s16, s12, $0xb8;
	[tilespmem:$0x1CE00] =	vst v63  }
0x4f: {  	s25 =	rddreg [dreg:$0x7]  }
0x50: {  	[tilespmem:s18], [sflag:$0xD] =	stream.linear.gather [hbm4b:s25+s3], $0x28, $0x38;
	[tilespmem:$0x1CE00] =	vst v63  }
0x51: {  	s10 =	simm.s32 $0x14050  }
0x52: {  	[tilespmem:s7], [sflag:$0x3] =	stream.indirect.gather [hbm4b:s4+s12], $0x80, s10, s12, $0xb8;
	[tilespmem:$0x1CE00] =	vst v63  }
0x53: {  	s11 =	rddreg [dreg:$0x8]  }
0x54: {  	[tilespmem:s22], [sflag:$0xE] =	stream.linear.gather [hbm4b:s11+s3], $0x28, $0x38;
	[tilespmem:$0x1CE00] =	vst v63  }
0x55: {  	s16 =	simm.s32 $0x14078  }
0x56: {  	[tilespmem:s20], [sflag:$0x4] =	stream.indirect.gather [hbm4b:s4+s12], $0x80, s16, s12, $0xb8;
	[tilespmem:$0x1CE00] =	vst v63  }
0x57: {  	s22 =	rddreg [dreg:$0x9]  }
0x58: {  	[tilespmem:s23], [sflag:$0xF] =	stream.linear.gather [hbm4b:s22+s3], $0x28, $0x38;
	[tilespmem:$0x1CE00] =	vst v63  }
0x59: {  	s5 =	simm.s32 $0x0;
	s25 =	simm.s32 $0x140A0;
	s10 =	simm.s32 $0x200  }
0x5a: {  	[tilespmem:s26], [sflag:$0x5] =	stream.indirect.gather [hbm4b:s4+s12], $0x80, s25, s12, $0xb8;
	[tilespmem:$0x1CE00] =	vst v63  }
.LBB2_2:
0x5b: {  	p0 =	sne.s32 s10, $0x4E00;
	[tilespmem:s5+$0x16A70] =	vst v0  }
0x5c: {  	[tilespmem:s5+$0x16A00] =	vst v0  }
0x5d: {  	[tilespmem:s5+$0x16A10] =	vst v0  }
.Ltmp2:
0x5e: {  	[tilespmem:s5+$0x16A20] =	vst v0;
	(pc) =	sbr.rel @p0 .LBB2_2-.Ltmp2, $4  }
0x5f: {  	[tilespmem:s5+$0x16A30] =	vst v0  }
0x60: {  	[tilespmem:s5+$0x16A40] =	vst v0  }
0x61: {  	[tilespmem:s5+$0x16A50] =	vst v0  }
0x62: {  	[tilespmem:s5+$0x16A60] =	vst v0;
	s5 =	sshra.s32 s10, $0x2;
	s10 =	sadd.s32 $0x200, s10  }
0x63: {  	[tilespmem:s5+$0x16A70] =	vst v0  }
0x64: {  	[tilespmem:s5+$0x16A00] =	vst v0  }
0x65: {  	[tilespmem:s5+$0x16A10] =	vst v0  }
0x66: {  	[tilespmem:s5+$0x16A20] =	vst v0  }
0x67: {  	[tilespmem:s5+$0x16A30] =	vst v0  }
0x68: {  	[tilespmem:s5+$0x16A40] =	vst v0  }
0x69: {  	[tilespmem:s5+$0x16A50] =	vst v0  }
0x6a: {  	[tilespmem:s5+$0x16A60] =	vst v0;
	s16 =	rddreg [dreg:$0xe]  }
0x6b: {  	[spmem:s14] =	stream.linear.scatter [tilespmem:s24], [sflag:$0x6], $0x1400, $0x38;
	[tilespmem:$0x1CE00] =	vst v63  }
0x6c: {  	s14 =	rddreg [dreg:$0xd]  }
0x6d: {  	[spmem:s14] =	stream.linear.scatter [tilespmem:s24], [sflag:$0x6], $0x1400, $0x38;
	[tilespmem:$0x1CE00] =	vst v63  }
0x6e: {  	s20 =	rddreg [dreg:$0xf]  }
0x6f: {  	[spmem:s16] =	stream.linear.scatter [tilespmem:s24], [sflag:$0x6], $0x1400, $0x38;
	[tilespmem:$0x1CE00] =	vst v63  }
0x70: {  	s22 =	rddreg [dreg:$0x10]  }
0x71: {  	[spmem:s20] =	stream.linear.scatter [tilespmem:s24], [sflag:$0x6], $0x1400, $0x38;
	[tilespmem:$0x1CE00] =	vst v63  }
0x72: {  	s23 =	rddreg [dreg:$0x11]  }
0x73: {  	[spmem:s22] =	stream.linear.scatter [tilespmem:s24], [sflag:$0x6], $0x1400, $0x38;
	[tilespmem:$0x1CE00] =	vst v63  }
0x74: {  	s25 =	rddreg [dreg:$0x12]  }
0x75: {  	[spmem:s23] =	stream.linear.scatter [tilespmem:s24], [sflag:$0x6], $0x1400, $0x38;
	[tilespmem:$0x1CE00] =	vst v63  }
0x76: {  	s26 =	rddreg [dreg:$0x18]  }
0x77: {  	[spmem:s25] =	stream.linear.scatter [tilespmem:s24], [sflag:$0x6], $0x1400, $0x38;
	[tilespmem:$0x1CE00] =	vst v63  }
0x78: {  	s10 =	rddreg [dreg:$0x19]  }
0x79: {  	[spmem:s26] =	stream.linear.scatter [tilespmem:s24], [sflag:$0x6], $0x1400, $0x38;
	[tilespmem:$0x1CE00] =	vst v63  }
0x7a: {  	s11 =	rddreg [dreg:$0x1a]  }
0x7b: {  	[spmem:s10] =	stream.linear.scatter [tilespmem:s24], [sflag:$0x6], $0x1400, $0x38;
	[tilespmem:$0x1CE00] =	vst v63  }
0x7c: {  	s14 =	rddreg [dreg:$0x1b]  }
0x7d: {  	[spmem:s11] =	stream.linear.scatter [tilespmem:s24], [sflag:$0x6], $0x1400, $0x38;
	[tilespmem:$0x1CE00] =	vst v63  }
0x7e: {  	s16 =	rddreg [dreg:$0x1c]  }
0x7f: {  	[spmem:s14] =	stream.linear.scatter [tilespmem:s24], [sflag:$0x6], $0x1400, $0x38;
	[tilespmem:$0x1CE00] =	vst v63  }
0x80: {  	s20 =	rddreg [dreg:$0x1d]  }
0x81: {  	[spmem:s16] =	stream.linear.scatter [tilespmem:s24], [sflag:$0x6], $0x1400, $0x38;
	[tilespmem:$0x1CE00] =	vst v63  }
0x82: {  	s22 =	rddreg [dreg:$0x1e]  }
0x83: {  	[spmem:s20] =	stream.linear.scatter [tilespmem:s24], [sflag:$0x6], $0x1400, $0x38;
	[tilespmem:$0x1CE00] =	vst v63  }
0x84: {  	s23 =	rddreg [dreg:$0x1f]  }
0x85: {  	[spmem:s22] =	stream.linear.scatter [tilespmem:s24], [sflag:$0x6], $0x1400, $0x38;
	[tilespmem:$0x1CE00] =	vst v63  }
0x86: {  	s25 =	sld [smem:$0x7FD]  }
0x87: {  	[spmem:s23] =	stream.linear.scatter [tilespmem:s24], [sflag:$0x6], $0x1400, $0x38;
	[tilespmem:$0x1CE00] =	vst v63  }
0x88: {  	_ = 	snop  }
0x89: {  	[spmem:s25] =	stream.linear.scatter [tilespmem:s24], [sflag:$0x6], $0x1400, $0x38;
	[tilespmem:$0x1CE00] =	vst v63  }
0x8a: {  	_ =	swait.ge [sflag:s21], $0x1400  }
0x8b: {  	[sflag:s21] =	ssyncset.done $0x0  }
0x8c: {  	[sflag:s21] =	ssyncadd.s32 $0xFFFFEC00  }
0x8d: {  	_ =	swait.ge [sflag:s21], $0x1400  }
0x8e: {  	[sflag:s21] =	ssyncset.done $0x0  }
0x8f: {  	[sflag:s21] =	ssyncadd.s32 $0xFFFFEC00  }
0x90: {  	_ =	swait.ge [sflag:s21], $0x1400  }
0x91: {  	[sflag:s21] =	ssyncset.done $0x0  }
0x92: {  	[sflag:s21] =	ssyncadd.s32 $0xFFFFEC00  }
0x93: {  	_ =	swait.ge [sflag:s21], $0x1400  }
0x94: {  	[sflag:s21] =	ssyncset.done $0x0  }
0x95: {  	[sflag:s21] =	ssyncadd.s32 $0xFFFFEC00  }
0x96: {  	_ =	swait.ge [sflag:s21], $0x1400  }
0x97: {  	[sflag:s21] =	ssyncset.done $0x0  }
0x98: {  	[sflag:s21] =	ssyncadd.s32 $0xFFFFEC00  }
0x99: {  	_ =	swait.ge [sflag:s21], $0x1400  }
0x9a: {  	[sflag:s21] =	ssyncset.done $0x0  }
0x9b: {  	[sflag:s21] =	ssyncadd.s32 $0xFFFFEC00  }
0x9c: {  	_ =	swait.ge [sflag:s21], $0x1400  }
0x9d: {  	[sflag:s21] =	ssyncset.done $0x0  }
0x9e: {  	[sflag:s21] =	ssyncadd.s32 $0xFFFFEC00  }
0x9f: {  	_ =	swait.ge [sflag:s21], $0x1400  }
0xa0: {  	[sflag:s21] =	ssyncset.done $0x0  }
0xa1: {  	[sflag:s21] =	ssyncadd.s32 $0xFFFFEC00  }
0xa2: {  	_ =	swait.ge [sflag:s21], $0x1400  }
0xa3: {  	[sflag:s21] =	ssyncset.done $0x0  }
0xa4: {  	[sflag:s21] =	ssyncadd.s32 $0xFFFFEC00  }
0xa5: {  	_ =	swait.ge [sflag:s21], $0x1400  }
0xa6: {  	[sflag:s21] =	ssyncset.done $0x0  }
0xa7: {  	[sflag:s21] =	ssyncadd.s32 $0xFFFFEC00  }
0xa8: {  	_ =	swait.ge [sflag:s21], $0x1400  }
0xa9: {  	[sflag:s21] =	ssyncset.done $0x0  }
0xaa: {  	[sflag:s21] =	ssyncadd.s32 $0xFFFFEC00  }
0xab: {  	_ =	swait.ge [sflag:s21], $0x1400  }
0xac: {  	[sflag:s21] =	ssyncset.done $0x0  }
0xad: {  	[sflag:s21] =	ssyncadd.s32 $0xFFFFEC00  }
0xae: {  	_ =	swait.ge [sflag:s21], $0x1400  }
0xaf: {  	[sflag:s21] =	ssyncset.done $0x0  }
0xb0: {  	[sflag:s21] =	ssyncadd.s32 $0xFFFFEC00  }
0xb1: {  	_ =	swait.ge [sflag:s21], $0x1400  }
0xb2: {  	[sflag:s21] =	ssyncset.done $0x0  }
0xb3: {  	[sflag:s21] =	ssyncadd.s32 $0xFFFFEC00  }
0xb4: {  	_ =	swait.ge [sflag:s21], $0x1400  }
0xb5: {  	[sflag:s21] =	ssyncset.done $0x0  }
0xb6: {  	[sflag:s21] =	ssyncadd.s32 $0xFFFFEC00  }
0xb7: {  	_ =	swait.ge [sflag:s21], $0x1400  }
0xb8: {  	[sflag:s21] =	ssyncset.done $0x0  }
0xb9: {  	s10 =	simm.s32 $0x0;
	s26 =	rddreg [dreg:$0x5];
	[sflag:s21] =	ssyncadd.s32 $0xFFFFEC00  }
0xba: {  	[tilespmem:s28], [sflag:$0xB] =	stream.linear.gather [hbm4b:s26+s10], $0x28, $0x38;
	[tilespmem:$0x1CE00] =	vst v63  }
0xbb: {  	_ = 	snop  }
0xbc: {  	[tilespmem:s24], [sflag:$0x1] =	stream.indirect.gather [hbm4b:s4+s12], $0x80, s15, s12, $0xb8;
	[tilespmem:$0x1CE00] =	vst v63  }
0xbd: {  	[bflag:$0x0] =	sbarrier.arrive $0xFFFF  }
0xbe: {  	s5 =	rddreg [dreg:$0x17]  }
0xbf: {  	s11 =	rddreg [dreg:$0x16]  }
0xc0: {  	s14 =	rddreg [dreg:$0x15]  }
0xc1: {  	s20 =	simm.s32 $0x1A600;
	s22 =	simm.s32 $0x16900;
	s15 =	rddreg [dreg:$0x14]  }
0xc2: {  	s23 =	simm.s32 $0x16980;
	s26 =	simm.s32 $0x1BA00;
	s16 =	rddreg [dreg:$0x13]  }
.LBB2_4:
0xc3: {  	s25 =	simm.s32 $0xB  }
0xc4: {  	_ =	swait.ge [sflag:s25], $0x28  }
0xc5: {  	[sflag:s25] =	ssyncset.done $0x0  }
0xc6: {  	[sflag:s25] =	ssyncadd.s32 $0xFFFFFFD8;
	s25 =	simm.s32 $0x1  }
0xc7: {  	_ =	swait.ge [sflag:s25], $0x1400  }
0xc8: {  	[sflag:s25] =	ssyncset.done $0x0  }
0xc9: {  	[sflag:s25] =	ssyncadd.s32 $0xFFFFEC00;
	s25 =	simm.s32 $0xC  }
0xca: {  	[spmem:s2] =	stream.indirect.scatter.add.f32 [tilespmem:s24], [sflag:$0x6], $0x80, s28, s12, $0xb8;
	[tilespmem:$0x1CE00] =	vst v63  }
0xcb: {  	_ =	swait.ge [sflag:s25], $0x28  }
0xcc: {  	[sflag:s25] =	ssyncset.done $0x0  }
0xcd: {  	[sflag:s25] =	ssyncadd.s32 $0xFFFFFFD8;
	s25 =	simm.s32 $0x2  }
0xce: {  	_ =	swait.ge [sflag:s25], $0x1400  }
0xcf: {  	[sflag:s25] =	ssyncset.done $0x0  }
0xd0: {  	[sflag:s25] =	ssyncadd.s32 $0xFFFFEC00;
	s25 =	simm.s32 $0xD  }
0xd1: {  	[spmem:s2] =	stream.indirect.scatter.add.f32 [tilespmem:s19], [sflag:$0x7], $0x80, s17, s12, $0xb8;
	[tilespmem:$0x1CE00] =	vst v63  }
0xd2: {  	_ =	swait.ge [sflag:s25], $0x28  }
0xd3: {  	[sflag:s25] =	ssyncset.done $0x0  }
0xd4: {  	[sflag:s25] =	ssyncadd.s32 $0xFFFFFFD8  }
0xd5: {  	_ =	swait.ge [sflag:s29], $0x1400  }
0xd6: {  	[sflag:s29] =	ssyncset.done $0x0  }
0xd7: {  	[sflag:s29] =	ssyncadd.s32 $0xFFFFEC00  }
0xd8: {  	[spmem:s2] =	stream.indirect.scatter.add.f32 [tilespmem:s7], [sflag:$0x8], $0x80, s18, s12, $0xb8;
	[tilespmem:$0x1CE00] =	vst v63  }
0xd9: {  	_ =	swait.ge [sflag:s30], $0x28  }
0xda: {  	[sflag:s30] =	ssyncset.done $0x0  }
0xdb: {  	[sflag:s30] =	ssyncadd.s32 $0xFFFFFFD8  }
0xdc: {  	_ =	swait.ge [sflag:s31], $0x1400  }
0xdd: {  	[sflag:s31] =	ssyncset.done $0x0  }
0xde: {  	[sflag:s31] =	ssyncadd.s32 $0xFFFFEC00  }
0xdf: {  	[spmem:s2] =	stream.indirect.scatter.add.f32 [tilespmem:s20], [sflag:$0x9], $0x80, s22, s12, $0xb8;
	[tilespmem:$0x1CE00] =	vst v63  }
0xe0: {  	_ =	swait.ge [sflag:s1], $0x28  }
0xe1: {  	[sflag:s1] =	ssyncset.done $0x0  }
0xe2: {  	[sflag:s1] =	ssyncadd.s32 $0xFFFFFFD8  }
0xe3: {  	_ =	swait.ge [sflag:s0], $0x1400  }
0xe4: {  	p0 =	seq.s32 s10, $0x9920;
	[sflag:s0] =	ssyncset.done $0x0  }
.Ltmp3:
0xe5: {  	[sflag:s0] =	ssyncadd.s32 $0xFFFFEC00;
	(pc) =	sbr.rel @p0 .LBB2_6-.Ltmp3, $4  }
0xe6: {  	[spmem:s2] =	stream.indirect.scatter.add.f32 [tilespmem:s26], [sflag:$0xA], $0x80, s23, s12, $0xb8;
	[tilespmem:$0x1CE00] =	vst v63  }
0xe7: {  	_ =	swait.ge [sflag:s21], $0x1400  }
0xe8: {  	[sflag:s21] =	ssyncset.done $0x0  }
0xe9: {  	[sflag:s21] =	ssyncadd.s32 $0xFFFFEC00  }
0xea: {  	s17 =	sshrl.u32 s5, $0x3;
	s18 =	rddreg [dreg:$0x3]  }
0xeb: {  	s17 =	sadd.s32 s18, s17  }
0xec: {  	[tilespmem:s28], [sflag:$0xB] =	stream.linear.gather [hbm4b:s17+s3], $0x28, $0x38;
	[tilespmem:$0x1CE00] =	vst v63  }
0xed: {  	s17 =	sshra.s32 s10, $0x2  }
0xee: {  	s25 =	sadd.s32 $0x140C8, s17  }
0xef: {  	[tilespmem:s24], [sflag:$0x1] =	stream.indirect.gather [hbm4b:s4+s12], $0x80, s25, s12, $0xb8;
	[tilespmem:$0x1CE00] =	vst v63  }
0xf0: {  	_ =	swait.ge [sflag:s9], $0x1400  }
0xf1: {  	[sflag:s9] =	ssyncset.done $0x0  }
0xf2: {  	s19 =	simm.s32 $0x16800;
	[sflag:s9] =	ssyncadd.s32 $0xFFFFEC00  }
0xf3: {  	[tilespmem:s19], [sflag:$0xC] =	stream.linear.gather [hbm4b:s11+s3], $0x28, $0x38;
	[tilespmem:$0x1CE00] =	vst v63  }
0xf4: {  	s25 =	sadd.s32 $0x140F0, s17;
	s19 =	simm.s32 $0x17E00  }
0xf5: {  	[tilespmem:s19], [sflag:$0x2] =	stream.indirect.gather [hbm4b:s4+s12], $0x80, s25, s12, $0xb8;
	[tilespmem:$0x1CE00] =	vst v63  }
0xf6: {  	_ =	swait.ge [sflag:s6], $0x1400  }
0xf7: {  	[sflag:s6] =	ssyncset.done $0x0  }
0xf8: {  	s7 =	simm.s32 $0x16880;
	[sflag:s6] =	ssyncadd.s32 $0xFFFFEC00  }
0xf9: {  	[tilespmem:s7], [sflag:$0xD] =	stream.linear.gather [hbm4b:s15+s3], $0x28, $0x38;
	[tilespmem:$0x1CE00] =	vst v63  }
0xfa: {  	s25 =	sadd.s32 $0x14118, s17;
	s7 =	simm.s32 $0x19200  }
0xfb: {  	[tilespmem:s7], [sflag:$0x3] =	stream.indirect.gather [hbm4b:s4+s12], $0x80, s25, s12, $0xb8;
	[tilespmem:$0x1CE00] =	vst v63  }
0xfc: {  	_ =	swait.ge [sflag:s8], $0x1400  }
0xfd: {  	[sflag:s8] =	ssyncset.done $0x0  }
0xfe: {  	[sflag:s8] =	ssyncadd.s32 $0xFFFFEC00  }
0xff: {  	[tilespmem:s22], [sflag:$0xE] =	stream.linear.gather [hbm4b:s14+s3], $0x28, $0x38;
	[tilespmem:$0x1CE00] =	vst v63  }
0x100: {  	s25 =	sadd.s32 $0x14140, s17  }
0x101: {  	[tilespmem:s20], [sflag:$0x4] =	stream.indirect.gather [hbm4b:s4+s12], $0x80, s25, s12, $0xb8;
	[tilespmem:$0x1CE00] =	vst v63  }
0x102: {  	_ =	swait.ge [sflag:s13], $0x1400  }
0x103: {  	s5 =	sadd.s32 $0xC8, s5;
	s18 =	simm.s32 $0x16880;
	[sflag:s13] =	ssyncset.done $0x0  }
.Ltmp4:
0x104: {  	s10 =	sadd.s32 $0x320, s10;
	[sflag:s13] =	ssyncadd.s32 $0xFFFFEC00;
	(pc) =	sbr.rel .LBB2_4-.Ltmp4, $4  }
0x105: {  	[tilespmem:s23], [sflag:$0xF] =	stream.linear.gather [hbm4b:s16+s3], $0x28, $0x38;
	[tilespmem:$0x1CE00] =	vst v63  }
0x106: {  	s11 =	sadd.s32 $0x19, s11;
	s15 =	sadd.s32 $0x19, s15;
	s17 =	sadd.s32 $0x14168, s17  }
0x107: {  	[tilespmem:s26], [sflag:$0x5] =	stream.indirect.gather [hbm4b:s4+s12], $0x80, s17, s12, $0xb8;
	[tilespmem:$0x1CE00] =	vst v63  }
0x108: {  	s14 =	sadd.s32 $0x19, s14;
	s16 =	sadd.s32 $0x19, s16;
	s17 =	simm.s32 $0x16800  }
.LBB2_7:
0x109: {  	_ =	sfence.sel $0x180000  }
0x10a: {  	[bflag:$0x0] =	sbarrier.arrive $0xFFFF  }
0x10b: {  	_ =	strace $0x9000004A  }
0x10c: {  	s0 =	stileid.u32;
	[bflag:$0x2] =	sbarrier.arrive $0xFFFF  }
0x10d: {  	p0 =	sne.s32 s0, $0x0;
	s0 =	rddreg [dreg:$0x2]  }
0x10e: {  	s0 =	sadd.s32 @!p0 $0x100000, s0  }
0x10f: {  	[sflag:s0] =	ssyncadd.tile.s32 @!p0 $0x1;
	_ =	shalt  }
.Lfunc_end2:
_tile_overlayer_lowered:
.L_overlay_start_2:
0x110: {  	(tag) =	ssettag $0x2  }
0x111: {  	s0 =	rddreg [dreg:$0x0];
	s2 =	stileid.u32  }
0x112: {  	s1 =	rddreg [dreg:$0x1];
	p0 =	sne.s32 s2, $0x0  }
0x113: {  	s3 =	rddreg [dreg:$0x2];
	[bflag:$0x3] =	sbarrier.arrive $0xFFFF;
	s2 =	simm.s32 @!p0 $0x1C10  }
0x114: {  	[timem:s3], [sflag:s2] =	dma.local @!p0 [hbm:s0], s1  }
0x115: {  	s0 =	simm.s32 @!p0 $0x10  }
0x116: {  	_ =	swait.ge @!p0 [sflag:s0], s1  }
0x117: {  	s1 =	ssub.s32 @!p0 $0x0, s1;
	[sflag:s0] =	ssyncset.done @!p0 $0x0  }
0x118: {  	[sflag:s0] =	ssyncadd.s32 @!p0 s1  }
0x119: {  	[bflag:$0x3] =	sbarrier.arrive $0xFFFF  }
0x11a: {  	_ =	shalt  }

// kernel: kernel.14.cloned.1.call-start
scs
__scs_entry_jumppad:
0x0: {  	(pc) =	sbr.rel $0x88, $3  }
0x1: {  	(tag) =	ssettag $0x0;
	lr =	simm.s32 $0x1  }
0x2: {  	[smem:$0x3F8E] =	sst lr;
	_ =	strace $0xD0000000  }
0x3: {  	_ = 	snop  }
0x4: {  	_ = 	snop  }
0x5: {  	_ = 	snop  }
0x6: {  	_ = 	snop  }
0x7: {  	_ = 	snop  }
__scs_overlays_trampoline_lowered:
0x8: {  	[smem:$0x3F9D] =	sst s0  }
0x9: {  	[smem:$0x3F9E] =	sst s1  }
0xa: {  	[smem:$0x3F9F] =	sst s2  }
0xb: {  	[smem:$0x3FA0] =	sst s3  }
0xc: {  	[smem:$0x3FA1] =	sst s4  }
0xd: {  	[smem:$0x3FA2] =	sst s5  }
0xe: {  	[smem:$0x3FA3] =	sst s6  }
0xf: {  	[smem:$0x3FA4] =	sst s7  }
0x10: {  	[smem:$0x3FA5] =	sst s8  }
0x11: {  	[smem:$0x3FA6] =	sst s9;
	s0 =	simm.s32 @!p0 $0x0  }
0x12: {  	s1 =	sld [smem:$0x3F8C];
	s0 =	simm.s32 @p0 $0x1  }
0x13: {  	[smem:$0x3FA7] =	sst s0;
	s0 =	simm.s32 @!p1 $0x0  }
0x14: {  	s2 =	sld [smem:$0x3F8B];
	s0 =	simm.s32 @p1 $0x1  }
0x15: {  	[smem:$0x3FA8] =	sst s0;
	s0 =	simm.s32 @!p2 $0x0  }
0x16: {  	s3 =	sld [smem:$0x3FDB];
	s0 =	simm.s32 @p2 $0x1  }
0x17: {  	s4 =	simm.s32 $0x1BF5;
	[smem:$0x3FAA] =	sst s0  }
0x18: {  	s0 =	sld [smem:$0x3F8D];
	_ =	swait.ge [sflag:s4], $0x0  }
0x19: {  	s7 =	sld [smem:$0x3F8E]  }
0x1a: {  	s8 =	sadd.s32 $0xFFFFE003, lr  }
0x1b: {  	s9 =	sadd.s32 $0xFFFFFEF7, lr;
	s5 =	simm.s32 $0xFFFFFFFF;
	p2 =	slt.u32 s8, $0xFFFFF086  }
0x1c: {  	p1 =	slt.u32 s9, $0xF7A;
	s5 =	simm.s32 @!p2 $0x0  }
0x1d: {  	s5 =	simm.s32 @p1 $0x1;
	p0 =	seq.s32 s7, s2  }
0x1e: {  	s7 =	smul.u32 @!p0 $0xF7A, s2;
	p2 =	seq.s32 @!p0 s5, $0x0  }
0x1f: {  	s9 =	smul.u32 $0xF7A, s1;
	s8 =	simm.s32 @!p0 $0x1BF5;
	p2 =	por !p2, p0  }
0x20: {  	[sflag:s8] =	ssyncset.s32 @!p0 $0xFFFFF086;
	s6 =	sadd.s32 @!p0 s3, s7;
	s7 =	simm.s32 @!p0 $0x108  }
0x21: {  	s3 =	sadd.s32 s3, s9;
	s6 =	sadd.s32 @!p0 $0x88, s6;
	s7 =	simm.s32 @p2 $0x1082  }
0x22: {  	[simem:s7], [sflag:s8] =	dma.local @!p0 [hbm:s6], $0xF7A  }
0x23: {  	s9 =	sor.u32 $0xD0000000, s2;
	s6 =	simm.s32 $0x108;
	_ =	swait.ge @!p0 [sflag:s8], $0x0  }
0x24: {  	s3 =	sadd.s32 $0x88, s3;
	s6 =	simm.s32 @!p1 $0x1082;
	[sflag:s4] =	ssyncset.s32 $0xFFFFF086  }
0x25: {  	[simem:s6], [sflag:s4] =	dma.local [hbm:s3], $0xF7A  }
0x26: {  	[smem:$0x3F8E] =	sst s1;
	(tag) =	ssettag s2;
	_ =	strace s9  }
0x27: {  	s1 =	sld [smem:$0x3F9E]  }
0x28: {  	s2 =	sld [smem:$0x3F9F]  }
0x29: {  	s4 =	sld [smem:$0x3FA1]  }
0x2a: {  	p0 =	seq.s32 s5, $0x0;
	s5 =	sld [smem:$0x3FA2]  }
0x2b: {  	s6 =	sld [smem:$0x3FA3]  }
0x2c: {  	s7 =	sld [smem:$0x3FA4]  }
0x2d: {  	s3 =	simm.s32 $0x108;
	s8 =	sld [smem:$0x3FA5]  }
0x2e: {  	s3 =	simm.s32 @!p0 $0x1082;
	s9 =	sld [smem:$0x3FA6]  }
0x2f: {  	lr =	sadd.s32 s0, s3;
	s0 =	sld [smem:$0x3F9D]  }
0x30: {  	s3 =	sld [smem:$0x3FA0]  }
0x31: {  	[smem:$0x3FA9] =	sst s10  }
0x32: {  	s10 =	sld [smem:$0x3FA7];
	_ =	sdelay $0x3  }
0x33: {  	p0 =	seq.s32 s10, $0x1;
	s10 =	sld [smem:$0x3FA9];
	_ =	sdelay $0x3  }
0x34: {  	[smem:$0x3FA9] =	sst s10  }
0x35: {  	s10 =	sld [smem:$0x3FA8];
	_ =	sdelay $0x3  }
0x36: {  	p1 =	seq.s32 s10, $0x1;
	s10 =	sld [smem:$0x3FA9];
	_ =	sdelay $0x3  }
0x37: {  	[smem:$0x3FA9] =	sst s10  }
0x38: {  	s10 =	sld [smem:$0x3FAA]  }
0x39: {  	_ = 	snop;
	(pc) =	sbr.ind lr, $3  }
0x3a: {  	_ = 	snop  }
0x3b: {  	_ = 	snop  }
0x3c: {  	p2 =	seq.s32 s10, $0x1;
	s10 =	sld [smem:$0x3FA9]  }
0x3d: {  	_ =	shalt  }
0x3e: {  	_ =	shalt  }
0x3f: {  	_ =	shalt  }
0x40: {  	_ =	shalt  }
0x41: {  	_ =	shalt  }
0x42: {  	_ =	shalt  }
0x43: {  	_ =	shalt  }
0x44: {  	_ =	shalt  }
0x45: {  	_ =	shalt  }
0x46: {  	_ =	shalt  }
0x47: {  	_ =	shalt  }
0x48: {  	_ =	shalt  }
0x49: {  	_ =	shalt  }
0x4a: {  	_ =	shalt  }
0x4b: {  	_ =	shalt  }
0x4c: {  	_ =	shalt  }
0x4d: {  	_ =	shalt  }
0x4e: {  	_ =	shalt  }
0x4f: {  	_ =	shalt  }
0x50: {  	_ =	shalt  }
0x51: {  	_ =	shalt  }
0x52: {  	_ =	shalt  }
0x53: {  	_ =	shalt  }
0x54: {  	_ =	shalt  }
0x55: {  	_ =	shalt  }
0x56: {  	_ =	shalt  }
0x57: {  	_ =	shalt  }
0x58: {  	_ =	shalt  }
0x59: {  	_ =	shalt  }
0x5a: {  	_ =	shalt  }
0x5b: {  	_ =	shalt  }
0x5c: {  	_ =	shalt  }
0x5d: {  	_ =	shalt  }
0x5e: {  	_ =	shalt  }
0x5f: {  	_ =	shalt  }
0x60: {  	_ =	shalt  }
0x61: {  	_ =	shalt  }
0x62: {  	_ =	shalt  }
0x63: {  	_ =	shalt  }
0x64: {  	_ =	shalt  }
0x65: {  	_ =	shalt  }
0x66: {  	_ =	shalt  }
0x67: {  	_ =	shalt  }
0x68: {  	_ =	shalt  }
0x69: {  	_ =	shalt  }
0x6a: {  	_ =	shalt  }
0x6b: {  	_ =	shalt  }
0x6c: {  	_ =	shalt  }
0x6d: {  	_ =	shalt  }
0x6e: {  	_ =	shalt  }
0x6f: {  	_ =	shalt  }
0x70: {  	_ =	shalt  }
0x71: {  	_ =	shalt  }
0x72: {  	_ =	shalt  }
0x73: {  	_ =	shalt  }
0x74: {  	_ =	shalt  }
0x75: {  	_ =	shalt  }
0x76: {  	_ =	shalt  }
0x77: {  	_ =	shalt  }
0x78: {  	_ =	shalt  }
0x79: {  	_ =	shalt  }
0x7a: {  	_ =	shalt  }
0x7b: {  	_ =	shalt  }
0x7c: {  	_ =	shalt  }
0x7d: {  	_ =	shalt  }
0x7e: {  	_ =	shalt  }
0x7f: {  	_ =	shalt  }
0x80: {  	_ =	shalt  }
0x81: {  	_ =	shalt  }
0x82: {  	_ =	shalt  }
0x83: {  	_ =	shalt  }
0x84: {  	_ =	shalt  }
0x85: {  	_ =	shalt  }
0x86: {  	_ =	shalt  }
0x87: {  	_ =	shalt  }
.Lfunc_end0:
.L_simem_size_0:
called_computation.2_lowered:
.L_overlay_start_0:
0x88: {  	s2 =	sld [smem:$0x3FD9]  }
0x89: {  	s3 =	sld [smem:$0x3FFE];
	_ =	sdelay $0x1  }
0x8a: {  	s1 =	srdreg.scid  }
0x8b: {  	s0 =	sand.u32 $0x1, s1  }
0x8c: {  	s16 =	sshll.u32 s0, $0xA;
	s2 =	sadd.s32 s3, s2  }
0x8d: {  	s2 =	sadd.s32 s2, s16  }
0x8e: {  	[smem:$0x3FB5] =	sst s2  }
0x8f: {  	_ = 	snop  }
0x90: {  	(tm) =	ssettm $0x1  }
0x91: {  	s17 =	sld [smem:$0x3FFB];
	_ =	sdelay $0x3  }
0x92: {  	_ =	strace s17  }
0x93: {  	s2 =	sld [smem:$0x3FFC];
	_ =	sdelay $0x3  }
0x94: {  	_ =	strace s2  }
0x95: {  	s2 =	sld [smem:$0x3FFD];
	_ =	sdelay $0x3  }
0x96: {  	_ =	strace s2  }
0x97: {  	_ =	strace $0x8FFFFFFF  }
0x98: {  	s18 =	sld [smem:$0x3FDB];
	_ =	sdelay $0x1  }
0x99: {  	s19 =	simm.s32 $_scs_section_size  }
0x9a: {  	s4 =	simm.s32 $_size__tile_overlayer_lowered;
	s5 =	simm.s32 $_tile_overlayer_lowered  }
0x9b: {  	s22 =	simm.s32 $0x1BFF;
	s21 =	sshll.u32 s5, $0x1;
	s2 =	sadd.s32 s19, s18  }
0x9c: {  	s6 =	simm.s32 $0x0;
	s20 =	sshll.u32 s4, $0x1;
	s4 =	sadd.s32 s21, s2  }
0x9d: {  	[timem:s6], [sflag:s22] =	dma.local [hbm:s4], s20  }
0x9e: {  	_ =	swait.ge [sflag:s22], s20  }
0x9f: {  	s3 =	ssub.s32 $0x0, s20;
	[sflag:s22] =	ssyncset.done $0x0  }
0xa0: {  	[sflag:s22] =	ssyncadd.s32 s3;
	_ =	sdelay $0x1  }
0xa1: {  	s23 =	simm.s32 $0x1B8B  }
0xa2: {  	_ =	swait.ge [sflag:s23], $0x1  }
0xa3: {  	[sflag:s23] =	ssyncset.done $0x0  }
0xa4: {  	s25 =	simm.s32 $0x1B8E;
	s24 =	sld [smem:$0x3FFE];
	[sflag:s23] =	ssyncadd.s32 $0xFFFFFFFF  }
0xa5: {  	s26 =	simm.s32 $execute0_lowered;
	[smem:$0x3FD2] =	sst s25  }
0xa6: {  	s4 =	sshll.u32 s26, $0x1;
	_ =	strace $0x8000004C;
	[dreg:$0x1] =	wrdreg $0xFFFFFFFF  }
0xa7: {  	s28 =	simm.s32 $_size_execute0_lowered;
	s2 =	sadd.s32 s2, s4;
	[dreg:$0x0] =	wrdreg $0x0  }
0xa8: {  	s4 =	sshll.u32 s28, $0x1;
	[dreg:$0x2] =	wrdreg s2  }
0xa9: {  	[dreg:$0x3] =	wrdreg s4  }
0xaa: {  	[dreg:$0x4] =	wrdreg $0xC0  }
0xab: {  	_ =	task [dreg:s6], $0x5FFFF  }
0xac: {  	[dreg:$0x1] =	wrdreg $0xFFFFFFFF  }
0xad: {  	[dreg:$0x0] =	wrdreg $0x60  }
0xae: {  	[dreg:$0x2] =	wrdreg s24  }
0xaf: {  	[dreg:$0x3] =	wrdreg $0x0  }
0xb0: {  	[dreg:$0x4] =	wrdreg $0x9  }
0xb1: {  	_ =	task.clear_ibuf [dreg:s6], $0x5FFFF;
	_ =	strace $0x9000004C  }
0xb2: {  	s29 =	simm.s32 $0x9;
	_ =	strace $0x8000004E  }
0xb3: {  	_ =	swait.ge [sflag:s29], $0x1  }
0xb4: {  	[sflag:s29] =	ssyncadd.s32 $0xFFFFFFFF  }
0xb5: {  	_ =	strace $0x9000004E  }
0xb6: {  	_ =	sfence  }
0xb7: {  	s30 =	sld [smem:$0x0];
	_ =	sdelay $0x2  }
0xb8: {  	s31 =	sshll.u32 s1, $0xD;
	s1 =	sshrl.u32 s1, $0x2  }
0xb9: {  	s3 =	sand.u32 $0x4000, s31;
	s1 =	sadd.s32 s1, s30  }
0xba: {  	s0 =	sor.u32 s3, s0;
	s1 =	sshll.u32 s1, $0x11  }
0xbb: {  	s0 =	sor.u32 s1, s0  }
0xbc: {  	s0 =	sadd.s32 $0x8F2B, s0  }
0xbd: {  	[sflag:s0] =	ssyncadd.remote.s32 $0x1  }
0xbe: {  	_ =	sfence.sel $0xFFFF  }
0xbf: {  	[dreg:$0x0] =	wrdreg $0xFFFFFFFF;
	(pc) =	sbr.abs _section_cstart, $3  }
0xc0: {  	[dreg:$0x1] =	wrdreg $0xFFFFFFFF  }
0xc1: {  	_ =	task.clear_ibuf [dreg:s6], $0x2FFFF;
	_ =	strace $0x9FFFFFFF  }
0xc2: {  	(tm) =	ssettm $0x7FFFFFFF  }
0xc3: {  	_ =	shalt  }
tec
execute0_lowered:
.L_overlay_start_1:
0x0: {  	(tag) =	ssettag $0x1  }
0x1: {  	s0 =	srdreg.scid  }
0x2: {  	s10 =	stileid.u32;
	s5 =	rddreg [dreg:$0x0]  }
0x3: {  	s2 =	rddreg [dreg:$0x1];
	s3 =	simm.s32 $0x0;
	s29 =	simm.s32 $0x3  }
0x4: {  	s30 =	simm.s32 $0xE;
	s31 =	simm.s32 $0x4;
	s7 =	smul.u32 $0x14000, s10  }
0x5: {  	s28 =	simm.s32 $0x16780;
	s0 =	sand.u32 $0x1, s0;
	s9 =	smul.u32 $0x2710, s10  }
0x6: {  	s4 =	sshll.u32 s10, $0x7;
	[smem:$0x7FF] =	sst s3;
	s21 =	smul.u32 $0x50000, s10  }
0x7: {  	s11 =	sadd.s32 $0x4A00, s5;
	s1 =	sshll.u32 s0, $0x4;
	s6 =	smul.u32 $0x140000, s0  }
0x8: {  	s4 =	sand.u32 $0x380, s4;
	_ =	strace $0x8000004D;
	s8 =	smul.u32 $0x27100, s0  }
0x9: {  	s0 =	ssub.s32 $0x2, s0;
	[dreg:$0x3] =	wrdreg s11;
	s1 =	sor.u32 s10, s1  }
0xa: {  	s15 =	sshrl.u32 s0, $0x1;
	s25 =	sshrl.u32 s21, $0x2;
	s1 =	sshrl.u32 s1, $0x3  }
0xb: {  	s6 =	sadd.s32 s7, s6;
	s8 =	sadd.s32 s9, s8;
	s0 =	ssub.s32 s0, s15  }
0xc: {  	s14 =	sadd.s32 s25, s2;
	s1 =	smul.u32 $0x13C00, s1;
	s6 =	sshrl.u32 s6, $0x3  }
0xd: {  	s16 =	sadd.s32 $0x28, s8;
	s18 =	sshrl.u32 s8, $0x3;
	s20 =	sadd.s32 $0x78, s8  }
0xe: {  	s0 =	smax.u32 s0, $0x1;
	s26 =	sadd.s32 $0x1400, s14;
	[dreg:$0xb] =	wrdreg s14  }
0xf: {  	s7 =	sadd.s32 $0x6400, s14;
	s9 =	sadd.s32 $0x7800, s14;
	[dreg:$0xc] =	wrdreg s0  }
0x10: {  	s10 =	sadd.s32 $0x118, s8;
	s12 =	sadd.s32 $0x140, s8;
	[dreg:$0xd] =	wrdreg s26  }
0x11: {  	s13 =	sadd.s32 $0xF0, s8;
	s21 =	sadd.s32 $0xC800, s14;
	[dreg:$0x11] =	wrdreg s7  }
0x12: {  	s25 =	sadd.s32 $0x11800, s14;
	s17 =	sshrl.u32 s16, $0x3;
	[dreg:$0x12] =	wrdreg s9  }
0x13: {  	s19 =	sadd.s32 s11, s18;
	s23 =	sshrl.u32 s20, $0x3;
	[dreg:$0x1b] =	wrdreg s21  }
0x14: {  	s18 =	sadd.s32 $0x8C00, s14;
	s20 =	sadd.s32 $0xB400, s14;
	[dreg:$0x1f] =	wrdreg s25  }
0x15: {  	s26 =	sadd.s32 $0x12C00, s14;
	s7 =	simm.s32 $0x19200;
	[dreg:$0x5] =	wrdreg s19  }
0x16: {  	s21 =	simm.s32 $0x6;
	s9 =	simm.s32 $0x7;
	[dreg:$0x18] =	wrdreg s18  }
0x17: {  	s1 =	sor.u32 s4, s1;
	s4 =	sadd.s32 $0x18600, s5;
	[dreg:$0x1a] =	wrdreg s20  }
0x18: {  	s22 =	sadd.s32 $0xA, s19;
	s24 =	sadd.s32 $0x14, s19;
	[smem:$0x7FD] =	sst s26  }
0x19: {  	s19 =	sadd.s32 $0xA000, s14;
	s18 =	simm.s32 $0x16880;
	[dreg:$0x7] =	wrdreg s22  }
0x1a: {  	s20 =	simm.s32 $0x1A600;
	s26 =	simm.s32 $0x1BA00;
	[dreg:$0x9] =	wrdreg s24  }
0x1b: {  	s1 =	sshrl.u32 s1, $0x3;
	[dreg:$0x19] =	wrdreg s19;
	s22 =	sadd.s32 $0xDC00, s14  }
0x1c: {  	s24 =	sadd.s32 $0x10400, s14;
	s19 =	simm.s32 $0x17E00;
	s1 =	sadd.s32 s1, s5  }
0x1d: {  	s5 =	sadd.s32 s6, s5;
	s6 =	sadd.s32 $0x5000, s14;
	[dreg:$0x1c] =	wrdreg s22  }
0x1e: {  	[dreg:$0x1e] =	wrdreg s24;
	s22 =	simm.s32 $0x16900;
	s24 =	simm.s32 $0x16A00  }
0x1f: {  	s1 =	sadd.s32 $0xE800, s1;
	s5 =	sadd.s32 $0x40600, s5;
	[dreg:$0x10] =	wrdreg s6  }
0x20: {  	s6 =	simm.s32 $0x8;
	[dreg:$0x4] =	wrdreg s1;
	s1 =	sadd.s32 s11, s17  }
0x21: {  	[dreg:$0xa] =	wrdreg s5;
	s5 =	sadd.s32 $0x168, s8;
	s17 =	sadd.s32 $0xC8, s8  }
0x22: {  	s8 =	simm.s32 $0x9;
	[dreg:$0x6] =	wrdreg s1;
	s1 =	sadd.s32 s11, s23  }
0x23: {  	s0 =	sshrl.u32 s5, $0x3;
	s5 =	sshrl.u32 s13, $0x3;
	[dreg:$0x17] =	wrdreg s17  }
0x24: {  	s23 =	sadd.s32 $0xF000, s14;
	s17 =	simm.s32 $0x16800;
	[dreg:$0x8] =	wrdreg s1  }
0x25: {  	s13 =	simm.s32 $0xA;
	s1 =	sadd.s32 $0x2800, s14;
	[dreg:$0x1d] =	wrdreg s23  }
0x26: {  	s0 =	sadd.s32 s0, s11;
	s16 =	sadd.s32 s5, s11;
	[dreg:$0xe] =	wrdreg s1  }
0x27: {  	s23 =	simm.s32 $0x16980;
	s1 =	sadd.s32 $0x3C00, s14;
	[dreg:$0x13] =	wrdreg s0  }
.Ltmp0:
0x28: {  	s0 =	sshrl.u32 s10, $0x3;
	[dreg:$0x16] =	wrdreg s16;
	(pc) =	sbr.rel .LBB2_1-.Ltmp0, $4  }
0x29: {  	s16 =	simm.s32 $0x10;
	s10 =	simm.s32 $0x0;
	[dreg:$0xf] =	wrdreg s1  }
0x2a: {  	s1 =	sshrl.u32 s12, $0x3;
	s0 =	sadd.s32 s0, s11;
	s12 =	simm.s32 $0x28  }
0x2b: {  	[dreg:$0x14] =	wrdreg s0;
	s15 =	sadd.s32 s1, s11;
	s1 =	simm.s32 $0xF  }
0x2c: {  	v0 =	vimm.f32 $0.0e+00;
	s0 =	simm.s32 $0x5;
	[dreg:$0x15] =	wrdreg s15;
	s15 =	simm.s32 $0x14000  }
.LBB2_6:
0x2d: {  	_ =	swait.ge [sflag:s9], $0x1400  }
0x2e: {  	[sflag:s9] =	ssyncset.done $0x0  }
0x2f: {  	[sflag:s9] =	ssyncadd.s32 $0xFFFFEC00  }
0x30: {  	_ =	swait.ge [sflag:s6], $0x1400  }
0x31: {  	[sflag:s6] =	ssyncset.done $0x0  }
0x32: {  	[sflag:s6] =	ssyncadd.s32 $0xFFFFEC00  }
0x33: {  	_ =	swait.ge [sflag:s8], $0x1400  }
0x34: {  	[sflag:s8] =	ssyncset.done $0x0  }
0x35: {  	[sflag:s8] =	ssyncadd.s32 $0xFFFFEC00  }
0x36: {  	_ =	swait.ge [sflag:s13], $0x1400  }
0x37: {  	[sflag:s13] =	ssyncset.done $0x0  }
0x38: {  	[sflag:s13] =	ssyncadd.s32 $0xFFFFEC00  }
0x39: {  	s5 =	stileid.u32;
	[bflag:$0x0] =	sbarrier.arrive $0xFFFF  }
0x3a: {  	s16 =	simm.s32 $0x10;
	s5 =	sshll.u32 s5, $0x6;
	s14 =	rddreg [dreg:$0xb]  }
0x3b: {  	s5 =	sor.u32 $0x1C10, s5;
	s11 =	rddreg [dreg:$0xa];
	s10 =	sshrl.u32 s14, $0x3  }
0x3c: {  	[hbm:s11], [sflag:s5] =	dma.local [spmem:s10], $0x2800  }
0x3d: {  	_ =	swait.ge [sflag:s16], $0x2800  }
0x3e: {  	s15 =	sld [smem:$0x7FC];
	_ =	sdelay $0x2  }
0x3f: {  	s25 =	rddreg [dreg:$0xc];
	s10 =	sadd.s32 $0x1, s15  }
0x40: {  	p0 =	sne.s32 s10, s25  }
.Ltmp1:
0x41: {  	_ = 	snop;
	(pc) =	sbr.rel @!p0 .LBB2_7-.Ltmp1, $4  }
0x42: {  	_ = 	snop  }
0x43: {  	s26 =	simm.s32 $0x1BA00  }
0x44: {  	s23 =	simm.s32 $0x16980;
	s20 =	simm.s32 $0x1A600;
	[sflag:s16] =	ssyncset.done $0x0  }
0x45: {  	s22 =	simm.s32 $0x16900;
	[sflag:s16] =	ssyncadd.s32 $0xFFFFD800;
	s15 =	simm.s32 $0x14000  }
.LBB2_1:
0x46: {  	[smem:$0x7FC] =	sst s10  }
0x47: {  	s5 =	rddreg [dreg:$0x4];
	s25 =	simm.s32 $0x80;
	s11 =	simm.s32 $0x400  }
0x48: {  	[tilespmem:s15], [sflag:$0x10] =	stream.strided.gather [hbm4b:s5+s25], $0x2780, s11, s25, $0x38;
	[tilespmem:$0x1CE00] =	vst v63  }
0x49: {  	_ =	swait.ge [sflag:s16], $0x2780  }
0x4a: {  	[sflag:s16] =	ssyncset.done $0x0  }
0x4b: {  	s11 =	rddreg [dreg:$0x6];
	[sflag:s16] =	ssyncadd.s32 $0xFFFFD880  }
0x4c: {  	[tilespmem:s17], [sflag:$0xC] =	stream.linear.gather [hbm4b:s11+s3], $0x28, $0x38;
	[tilespmem:$0x1CE00] =	vst v63  }
0x4d: {  	s16 =	simm.s32 $0x14028  }
0x4e: {  	[tilespmem:s19], [sflag:$0x2] =	stream.indirect.gather [hbm4b:s4+s12], $0x80, s16, s12, $0xb8;
	[tilespmem:$0x1CE00] =	vst v63  }
0x4f: {  	s25 =	rddreg [dreg:$0x7]  }
0x50: {  	[tilespmem:s18], [sflag:$0xD] =	stream.linear.gather [hbm4b:s25+s3], $0x28, $0x38;
	[tilespmem:$0x1CE00] =	vst v63  }
0x51: {  	s10 =	simm.s32 $0x14050  }
0x52: {  	[tilespmem:s7], [sflag:$0x3] =	stream.indirect.gather [hbm4b:s4+s12], $0x80, s10, s12, $0xb8;
	[tilespmem:$0x1CE00] =	vst v63  }
0x53: {  	s11 =	rddreg [dreg:$0x8]  }
0x54: {  	[tilespmem:s22], [sflag:$0xE] =	stream.linear.gather [hbm4b:s11+s3], $0x28, $0x38;
	[tilespmem:$0x1CE00] =	vst v63  }
0x55: {  	s16 =	simm.s32 $0x14078  }
0x56: {  	[tilespmem:s20], [sflag:$0x4] =	stream.indirect.gather [hbm4b:s4+s12], $0x80, s16, s12, $0xb8;
	[tilespmem:$0x1CE00] =	vst v63  }
0x57: {  	s22 =	rddreg [dreg:$0x9]  }
0x58: {  	[tilespmem:s23], [sflag:$0xF] =	stream.linear.gather [hbm4b:s22+s3], $0x28, $0x38;
	[tilespmem:$0x1CE00] =	vst v63  }
0x59: {  	s5 =	simm.s32 $0x0;
	s25 =	simm.s32 $0x140A0;
	s10 =	simm.s32 $0x200  }
0x5a: {  	[tilespmem:s26], [sflag:$0x5] =	stream.indirect.gather [hbm4b:s4+s12], $0x80, s25, s12, $0xb8;
	[tilespmem:$0x1CE00] =	vst v63  }
.LBB2_2:
0x5b: {  	p0 =	sne.s32 s10, $0x4E00;
	[tilespmem:s5+$0x16A70] =	vst v0  }
0x5c: {  	[tilespmem:s5+$0x16A00] =	vst v0  }
0x5d: {  	[tilespmem:s5+$0x16A10] =	vst v0  }
.Ltmp2:
0x5e: {  	[tilespmem:s5+$0x16A20] =	vst v0;
	(pc) =	sbr.rel @p0 .LBB2_2-.Ltmp2, $4  }
0x5f: {  	[tilespmem:s5+$0x16A30] =	vst v0  }
0x60: {  	[tilespmem:s5+$0x16A40] =	vst v0  }
0x61: {  	[tilespmem:s5+$0x16A50] =	vst v0  }
0x62: {  	[tilespmem:s5+$0x16A60] =	vst v0;
	s5 =	sshra.s32 s10, $0x2;
	s10 =	sadd.s32 $0x200, s10  }
0x63: {  	[tilespmem:s5+$0x16A70] =	vst v0  }
0x64: {  	[tilespmem:s5+$0x16A00] =	vst v0  }
0x65: {  	[tilespmem:s5+$0x16A10] =	vst v0  }
0x66: {  	[tilespmem:s5+$0x16A20] =	vst v0  }
0x67: {  	[tilespmem:s5+$0x16A30] =	vst v0  }
0x68: {  	[tilespmem:s5+$0x16A40] =	vst v0  }
0x69: {  	[tilespmem:s5+$0x16A50] =	vst v0  }
0x6a: {  	[tilespmem:s5+$0x16A60] =	vst v0;
	s16 =	rddreg [dreg:$0xe]  }
0x6b: {  	[spmem:s14] =	stream.linear.scatter [tilespmem:s24], [sflag:$0x6], $0x1400, $0x38;
	[tilespmem:$0x1CE00] =	vst v63  }
0x6c: {  	s14 =	rddreg [dreg:$0xd]  }
0x6d: {  	[spmem:s14] =	stream.linear.scatter [tilespmem:s24], [sflag:$0x6], $0x1400, $0x38;
	[tilespmem:$0x1CE00] =	vst v63  }
0x6e: {  	s20 =	rddreg [dreg:$0xf]  }
0x6f: {  	[spmem:s16] =	stream.linear.scatter [tilespmem:s24], [sflag:$0x6], $0x1400, $0x38;
	[tilespmem:$0x1CE00] =	vst v63  }
0x70: {  	s22 =	rddreg [dreg:$0x10]  }
0x71: {  	[spmem:s20] =	stream.linear.scatter [tilespmem:s24], [sflag:$0x6], $0x1400, $0x38;
	[tilespmem:$0x1CE00] =	vst v63  }
0x72: {  	s23 =	rddreg [dreg:$0x11]  }
0x73: {  	[spmem:s22] =	stream.linear.scatter [tilespmem:s24], [sflag:$0x6], $0x1400, $0x38;
	[tilespmem:$0x1CE00] =	vst v63  }
0x74: {  	s25 =	rddreg [dreg:$0x12]  }
0x75: {  	[spmem:s23] =	stream.linear.scatter [tilespmem:s24], [sflag:$0x6], $0x1400, $0x38;
	[tilespmem:$0x1CE00] =	vst v63  }
0x76: {  	s26 =	rddreg [dreg:$0x18]  }
0x77: {  	[spmem:s25] =	stream.linear.scatter [tilespmem:s24], [sflag:$0x6], $0x1400, $0x38;
	[tilespmem:$0x1CE00] =	vst v63  }
0x78: {  	s10 =	rddreg [dreg:$0x19]  }
0x79: {  	[spmem:s26] =	stream.linear.scatter [tilespmem:s24], [sflag:$0x6], $0x1400, $0x38;
	[tilespmem:$0x1CE00] =	vst v63  }
0x7a: {  	s11 =	rddreg [dreg:$0x1a]  }
0x7b: {  	[spmem:s10] =	stream.linear.scatter [tilespmem:s24], [sflag:$0x6], $0x1400, $0x38;
	[tilespmem:$0x1CE00] =	vst v63  }
0x7c: {  	s14 =	rddreg [dreg:$0x1b]  }
0x7d: {  	[spmem:s11] =	stream.linear.scatter [tilespmem:s24], [sflag:$0x6], $0x1400, $0x38;
	[tilespmem:$0x1CE00] =	vst v63  }
0x7e: {  	s16 =	rddreg [dreg:$0x1c]  }
0x7f: {  	[spmem:s14] =	stream.linear.scatter [tilespmem:s24], [sflag:$0x6], $0x1400, $0x38;
	[tilespmem:$0x1CE00] =	vst v63  }
0x80: {  	s20 =	rddreg [dreg:$0x1d]  }
0x81: {  	[spmem:s16] =	stream.linear.scatter [tilespmem:s24], [sflag:$0x6], $0x1400, $0x38;
	[tilespmem:$0x1CE00] =	vst v63  }
0x82: {  	s22 =	rddreg [dreg:$0x1e]  }
0x83: {  	[spmem:s20] =	stream.linear.scatter [tilespmem:s24], [sflag:$0x6], $0x1400, $0x38;
	[tilespmem:$0x1CE00] =	vst v63  }
0x84: {  	s23 =	rddreg [dreg:$0x1f]  }
0x85: {  	[spmem:s22] =	stream.linear.scatter [tilespmem:s24], [sflag:$0x6], $0x1400, $0x38;
	[tilespmem:$0x1CE00] =	vst v63  }
0x86: {  	s25 =	sld [smem:$0x7FD]  }
0x87: {  	[spmem:s23] =	stream.linear.scatter [tilespmem:s24], [sflag:$0x6], $0x1400, $0x38;
	[tilespmem:$0x1CE00] =	vst v63  }
0x88: {  	_ = 	snop  }
0x89: {  	[spmem:s25] =	stream.linear.scatter [tilespmem:s24], [sflag:$0x6], $0x1400, $0x38;
	[tilespmem:$0x1CE00] =	vst v63  }
0x8a: {  	_ =	swait.ge [sflag:s21], $0x1400  }
0x8b: {  	[sflag:s21] =	ssyncset.done $0x0  }
0x8c: {  	[sflag:s21] =	ssyncadd.s32 $0xFFFFEC00  }
0x8d: {  	_ =	swait.ge [sflag:s21], $0x1400  }
0x8e: {  	[sflag:s21] =	ssyncset.done $0x0  }
0x8f: {  	[sflag:s21] =	ssyncadd.s32 $0xFFFFEC00  }
0x90: {  	_ =	swait.ge [sflag:s21], $0x1400  }
0x91: {  	[sflag:s21] =	ssyncset.done $0x0  }
0x92: {  	[sflag:s21] =	ssyncadd.s32 $0xFFFFEC00  }
0x93: {  	_ =	swait.ge [sflag:s21], $0x1400  }
0x94: {  	[sflag:s21] =	ssyncset.done $0x0  }
0x95: {  	[sflag:s21] =	ssyncadd.s32 $0xFFFFEC00  }
0x96: {  	_ =	swait.ge [sflag:s21], $0x1400  }
0x97: {  	[sflag:s21] =	ssyncset.done $0x0  }
0x98: {  	[sflag:s21] =	ssyncadd.s32 $0xFFFFEC00  }
0x99: {  	_ =	swait.ge [sflag:s21], $0x1400  }
0x9a: {  	[sflag:s21] =	ssyncset.done $0x0  }
0x9b: {  	[sflag:s21] =	ssyncadd.s32 $0xFFFFEC00  }
0x9c: {  	_ =	swait.ge [sflag:s21], $0x1400  }
0x9d: {  	[sflag:s21] =	ssyncset.done $0x0  }
0x9e: {  	[sflag:s21] =	ssyncadd.s32 $0xFFFFEC00  }
0x9f: {  	_ =	swait.ge [sflag:s21], $0x1400  }
0xa0: {  	[sflag:s21] =	ssyncset.done $0x0  }
0xa1: {  	[sflag:s21] =	ssyncadd.s32 $0xFFFFEC00  }
0xa2: {  	_ =	swait.ge [sflag:s21], $0x1400  }
0xa3: {  	[sflag:s21] =	ssyncset.done $0x0  }
0xa4: {  	[sflag:s21] =	ssyncadd.s32 $0xFFFFEC00  }
0xa5: {  	_ =	swait.ge [sflag:s21], $0x1400  }
0xa6: {  	[sflag:s21] =	ssyncset.done $0x0  }
0xa7: {  	[sflag:s21] =	ssyncadd.s32 $0xFFFFEC00  }
0xa8: {  	_ =	swait.ge [sflag:s21], $0x1400  }
0xa9: {  	[sflag:s21] =	ssyncset.done $0x0  }
0xaa: {  	[sflag:s21] =	ssyncadd.s32 $0xFFFFEC00  }
0xab: {  	_ =	swait.ge [sflag:s21], $0x1400  }
0xac: {  	[sflag:s21] =	ssyncset.done $0x0  }
0xad: {  	[sflag:s21] =	ssyncadd.s32 $0xFFFFEC00  }
0xae: {  	_ =	swait.ge [sflag:s21], $0x1400  }
0xaf: {  	[sflag:s21] =	ssyncset.done $0x0  }
0xb0: {  	[sflag:s21] =	ssyncadd.s32 $0xFFFFEC00  }
0xb1: {  	_ =	swait.ge [sflag:s21], $0x1400  }
0xb2: {  	[sflag:s21] =	ssyncset.done $0x0  }
0xb3: {  	[sflag:s21] =	ssyncadd.s32 $0xFFFFEC00  }
0xb4: {  	_ =	swait.ge [sflag:s21], $0x1400  }
0xb5: {  	[sflag:s21] =	ssyncset.done $0x0  }
0xb6: {  	[sflag:s21] =	ssyncadd.s32 $0xFFFFEC00  }
0xb7: {  	_ =	swait.ge [sflag:s21], $0x1400  }
0xb8: {  	[sflag:s21] =	ssyncset.done $0x0  }
0xb9: {  	s10 =	simm.s32 $0x0;
	s26 =	rddreg [dreg:$0x5];
	[sflag:s21] =	ssyncadd.s32 $0xFFFFEC00  }
0xba: {  	[tilespmem:s28], [sflag:$0xB] =	stream.linear.gather [hbm4b:s26+s10], $0x28, $0x38;
	[tilespmem:$0x1CE00] =	vst v63  }
0xbb: {  	_ = 	snop  }
0xbc: {  	[tilespmem:s24], [sflag:$0x1] =	stream.indirect.gather [hbm4b:s4+s12], $0x80, s15, s12, $0xb8;
	[tilespmem:$0x1CE00] =	vst v63  }
0xbd: {  	[bflag:$0x0] =	sbarrier.arrive $0xFFFF  }
0xbe: {  	s5 =	rddreg [dreg:$0x17]  }
0xbf: {  	s11 =	rddreg [dreg:$0x16]  }
0xc0: {  	s14 =	rddreg [dreg:$0x15]  }
0xc1: {  	s20 =	simm.s32 $0x1A600;
	s22 =	simm.s32 $0x16900;
	s15 =	rddreg [dreg:$0x14]  }
0xc2: {  	s23 =	simm.s32 $0x16980;
	s26 =	simm.s32 $0x1BA00;
	s16 =	rddreg [dreg:$0x13]  }
.LBB2_4:
0xc3: {  	s25 =	simm.s32 $0xB  }
0xc4: {  	_ =	swait.ge [sflag:s25], $0x28  }
0xc5: {  	[sflag:s25] =	ssyncset.done $0x0  }
0xc6: {  	[sflag:s25] =	ssyncadd.s32 $0xFFFFFFD8;
	s25 =	simm.s32 $0x1  }
0xc7: {  	_ =	swait.ge [sflag:s25], $0x1400  }
0xc8: {  	[sflag:s25] =	ssyncset.done $0x0  }
0xc9: {  	[sflag:s25] =	ssyncadd.s32 $0xFFFFEC00;
	s25 =	simm.s32 $0xC  }
0xca: {  	[spmem:s2] =	stream.indirect.scatter.add.f32 [tilespmem:s24], [sflag:$0x6], $0x80, s28, s12, $0xb8;
	[tilespmem:$0x1CE00] =	vst v63  }
0xcb: {  	_ =	swait.ge [sflag:s25], $0x28  }
0xcc: {  	[sflag:s25] =	ssyncset.done $0x0  }
0xcd: {  	[sflag:s25] =	ssyncadd.s32 $0xFFFFFFD8;
	s25 =	simm.s32 $0x2  }
0xce: {  	_ =	swait.ge [sflag:s25], $0x1400  }
0xcf: {  	[sflag:s25] =	ssyncset.done $0x0  }
0xd0: {  	[sflag:s25] =	ssyncadd.s32 $0xFFFFEC00;
	s25 =	simm.s32 $0xD  }
0xd1: {  	[spmem:s2] =	stream.indirect.scatter.add.f32 [tilespmem:s19], [sflag:$0x7], $0x80, s17, s12, $0xb8;
	[tilespmem:$0x1CE00] =	vst v63  }
0xd2: {  	_ =	swait.ge [sflag:s25], $0x28  }
0xd3: {  	[sflag:s25] =	ssyncset.done $0x0  }
0xd4: {  	[sflag:s25] =	ssyncadd.s32 $0xFFFFFFD8  }
0xd5: {  	_ =	swait.ge [sflag:s29], $0x1400  }
0xd6: {  	[sflag:s29] =	ssyncset.done $0x0  }
0xd7: {  	[sflag:s29] =	ssyncadd.s32 $0xFFFFEC00  }
0xd8: {  	[spmem:s2] =	stream.indirect.scatter.add.f32 [tilespmem:s7], [sflag:$0x8], $0x80, s18, s12, $0xb8;
	[tilespmem:$0x1CE00] =	vst v63  }
0xd9: {  	_ =	swait.ge [sflag:s30], $0x28  }
0xda: {  	[sflag:s30] =	ssyncset.done $0x0  }
0xdb: {  	[sflag:s30] =	ssyncadd.s32 $0xFFFFFFD8  }
0xdc: {  	_ =	swait.ge [sflag:s31], $0x1400  }
0xdd: {  	[sflag:s31] =	ssyncset.done $0x0  }
0xde: {  	[sflag:s31] =	ssyncadd.s32 $0xFFFFEC00  }
0xdf: {  	[spmem:s2] =	stream.indirect.scatter.add.f32 [tilespmem:s20], [sflag:$0x9], $0x80, s22, s12, $0xb8;
	[tilespmem:$0x1CE00] =	vst v63  }
0xe0: {  	_ =	swait.ge [sflag:s1], $0x28  }
0xe1: {  	[sflag:s1] =	ssyncset.done $0x0  }
0xe2: {  	[sflag:s1] =	ssyncadd.s32 $0xFFFFFFD8  }
0xe3: {  	_ =	swait.ge [sflag:s0], $0x1400  }
0xe4: {  	p0 =	seq.s32 s10, $0x9920;
	[sflag:s0] =	ssyncset.done $0x0  }
.Ltmp3:
0xe5: {  	[sflag:s0] =	ssyncadd.s32 $0xFFFFEC00;
	(pc) =	sbr.rel @p0 .LBB2_6-.Ltmp3, $4  }
0xe6: {  	[spmem:s2] =	stream.indirect.scatter.add.f32 [tilespmem:s26], [sflag:$0xA], $0x80, s23, s12, $0xb8;
	[tilespmem:$0x1CE00] =	vst v63  }
0xe7: {  	_ =	swait.ge [sflag:s21], $0x1400  }
0xe8: {  	[sflag:s21] =	ssyncset.done $0x0  }
0xe9: {  	[sflag:s21] =	ssyncadd.s32 $0xFFFFEC00  }
0xea: {  	s17 =	sshrl.u32 s5, $0x3;
	s18 =	rddreg [dreg:$0x3]  }
0xeb: {  	s17 =	sadd.s32 s18, s17  }
0xec: {  	[tilespmem:s28], [sflag:$0xB] =	stream.linear.gather [hbm4b:s17+s3], $0x28, $0x38;
	[tilespmem:$0x1CE00] =	vst v63  }
0xed: {  	s17 =	sshra.s32 s10, $0x2  }
0xee: {  	s25 =	sadd.s32 $0x140C8, s17  }
0xef: {  	[tilespmem:s24], [sflag:$0x1] =	stream.indirect.gather [hbm4b:s4+s12], $0x80, s25, s12, $0xb8;
	[tilespmem:$0x1CE00] =	vst v63  }
0xf0: {  	_ =	swait.ge [sflag:s9], $0x1400  }
0xf1: {  	[sflag:s9] =	ssyncset.done $0x0  }
0xf2: {  	s19 =	simm.s32 $0x16800;
	[sflag:s9] =	ssyncadd.s32 $0xFFFFEC00  }
0xf3: {  	[tilespmem:s19], [sflag:$0xC] =	stream.linear.gather [hbm4b:s11+s3], $0x28, $0x38;
	[tilespmem:$0x1CE00] =	vst v63  }
0xf4: {  	s25 =	sadd.s32 $0x140F0, s17;
	s19 =	simm.s32 $0x17E00  }
0xf5: {  	[tilespmem:s19], [sflag:$0x2] =	stream.indirect.gather [hbm4b:s4+s12], $0x80, s25, s12, $0xb8;
	[tilespmem:$0x1CE00] =	vst v63  }
0xf6: {  	_ =	swait.ge [sflag:s6], $0x1400  }
0xf7: {  	[sflag:s6] =	ssyncset.done $0x0  }
0xf8: {  	s7 =	simm.s32 $0x16880;
	[sflag:s6] =	ssyncadd.s32 $0xFFFFEC00  }
0xf9: {  	[tilespmem:s7], [sflag:$0xD] =	stream.linear.gather [hbm4b:s15+s3], $0x28, $0x38;
	[tilespmem:$0x1CE00] =	vst v63  }
0xfa: {  	s25 =	sadd.s32 $0x14118, s17;
	s7 =	simm.s32 $0x19200  }
0xfb: {  	[tilespmem:s7], [sflag:$0x3] =	stream.indirect.gather [hbm4b:s4+s12], $0x80, s25, s12, $0xb8;
	[tilespmem:$0x1CE00] =	vst v63  }
0xfc: {  	_ =	swait.ge [sflag:s8], $0x1400  }
0xfd: {  	[sflag:s8] =	ssyncset.done $0x0  }
0xfe: {  	[sflag:s8] =	ssyncadd.s32 $0xFFFFEC00  }
0xff: {  	[tilespmem:s22], [sflag:$0xE] =	stream.linear.gather [hbm4b:s14+s3], $0x28, $0x38;
	[tilespmem:$0x1CE00] =	vst v63  }
0x100: {  	s25 =	sadd.s32 $0x14140, s17  }
0x101: {  	[tilespmem:s20], [sflag:$0x4] =	stream.indirect.gather [hbm4b:s4+s12], $0x80, s25, s12, $0xb8;
	[tilespmem:$0x1CE00] =	vst v63  }
0x102: {  	_ =	swait.ge [sflag:s13], $0x1400  }
0x103: {  	s5 =	sadd.s32 $0xC8, s5;
	s18 =	simm.s32 $0x16880;
	[sflag:s13] =	ssyncset.done $0x0  }
.Ltmp4:
0x104: {  	s10 =	sadd.s32 $0x320, s10;
	[sflag:s13] =	ssyncadd.s32 $0xFFFFEC00;
	(pc) =	sbr.rel .LBB2_4-.Ltmp4, $4  }
0x105: {  	[tilespmem:s23], [sflag:$0xF] =	stream.linear.gather [hbm4b:s16+s3], $0x28, $0x38;
	[tilespmem:$0x1CE00] =	vst v63  }
0x106: {  	s11 =	sadd.s32 $0x19, s11;
	s15 =	sadd.s32 $0x19, s15;
	s17 =	sadd.s32 $0x14168, s17  }
0x107: {  	[tilespmem:s26], [sflag:$0x5] =	stream.indirect.gather [hbm4b:s4+s12], $0x80, s17, s12, $0xb8;
	[tilespmem:$0x1CE00] =	vst v63  }
0x108: {  	s14 =	sadd.s32 $0x19, s14;
	s16 =	sadd.s32 $0x19, s16;
	s17 =	simm.s32 $0x16800  }
.LBB2_7:
0x109: {  	_ =	sfence.sel $0x180000  }
0x10a: {  	[bflag:$0x0] =	sbarrier.arrive $0xFFFF  }
0x10b: {  	_ =	strace $0x9000004D  }
0x10c: {  	s0 =	stileid.u32;
	[bflag:$0x2] =	sbarrier.arrive $0xFFFF  }
0x10d: {  	p0 =	sne.s32 s0, $0x0;
	s0 =	rddreg [dreg:$0x2]  }
0x10e: {  	s0 =	sadd.s32 @!p0 $0x100000, s0  }
0x10f: {  	[sflag:s0] =	ssyncadd.tile.s32 @!p0 $0x1;
	_ =	shalt  }
.Lfunc_end2:
_tile_overlayer_lowered:
.L_overlay_start_2:
0x110: {  	(tag) =	ssettag $0x2  }
0x111: {  	s0 =	rddreg [dreg:$0x0];
	s2 =	stileid.u32  }
0x112: {  	s1 =	rddreg [dreg:$0x1];
	p0 =	sne.s32 s2, $0x0  }
0x113: {  	s3 =	rddreg [dreg:$0x2];
	[bflag:$0x3] =	sbarrier.arrive $0xFFFF;
	s2 =	simm.s32 @!p0 $0x1C10  }
0x114: {  	[timem:s3], [sflag:s2] =	dma.local @!p0 [hbm:s0], s1  }
0x115: {  	s0 =	simm.s32 @!p0 $0x10  }
0x116: {  	_ =	swait.ge @!p0 [sflag:s0], s1  }
0x117: {  	s1 =	ssub.s32 @!p0 $0x0, s1;
	[sflag:s0] =	ssyncset.done @!p0 $0x0  }
0x118: {  	[sflag:s0] =	ssyncadd.s32 @!p0 s1  }
0x119: {  	[bflag:$0x3] =	sbarrier.arrive $0xFFFF  }
0x11a: {  	_ =	shalt  }

// kernel: kernel.8.cloned.1.call-start
scs
__scs_entry_jumppad:
0x0: {  	(pc) =	sbr.rel $0x88, $3  }
0x1: {  	(tag) =	ssettag $0x0;
	lr =	simm.s32 $0x1  }
0x2: {  	[smem:$0x3F8E] =	sst lr;
	_ =	strace $0xD0000000  }
0x3: {  	_ = 	snop  }
0x4: {  	_ = 	snop  }
0x5: {  	_ = 	snop  }
0x6: {  	_ = 	snop  }
0x7: {  	_ = 	snop  }
__scs_overlays_trampoline_lowered:
0x8: {  	[smem:$0x3F9D] =	sst s0  }
0x9: {  	[smem:$0x3F9E] =	sst s1  }
0xa: {  	[smem:$0x3F9F] =	sst s2  }
0xb: {  	[smem:$0x3FA0] =	sst s3  }
0xc: {  	[smem:$0x3FA1] =	sst s4  }
0xd: {  	[smem:$0x3FA2] =	sst s5  }
0xe: {  	[smem:$0x3FA3] =	sst s6  }
0xf: {  	[smem:$0x3FA4] =	sst s7  }
0x10: {  	[smem:$0x3FA5] =	sst s8  }
0x11: {  	[smem:$0x3FA6] =	sst s9;
	s0 =	simm.s32 @!p0 $0x0  }
0x12: {  	s1 =	sld [smem:$0x3F8C];
	s0 =	simm.s32 @p0 $0x1  }
0x13: {  	[smem:$0x3FA7] =	sst s0;
	s0 =	simm.s32 @!p1 $0x0  }
0x14: {  	s2 =	sld [smem:$0x3F8B];
	s0 =	simm.s32 @p1 $0x1  }
0x15: {  	[smem:$0x3FA8] =	sst s0;
	s0 =	simm.s32 @!p2 $0x0  }
0x16: {  	s3 =	sld [smem:$0x3FDB];
	s0 =	simm.s32 @p2 $0x1  }
0x17: {  	s4 =	simm.s32 $0x1BF5;
	[smem:$0x3FAA] =	sst s0  }
0x18: {  	s0 =	sld [smem:$0x3F8D];
	_ =	swait.ge [sflag:s4], $0x0  }
0x19: {  	s7 =	sld [smem:$0x3F8E]  }
0x1a: {  	s8 =	sadd.s32 $0xFFFFE003, lr  }
0x1b: {  	s9 =	sadd.s32 $0xFFFFFEF7, lr;
	s5 =	simm.s32 $0xFFFFFFFF;
	p2 =	slt.u32 s8, $0xFFFFF086  }
0x1c: {  	p1 =	slt.u32 s9, $0xF7A;
	s5 =	simm.s32 @!p2 $0x0  }
0x1d: {  	s5 =	simm.s32 @p1 $0x1;
	p0 =	seq.s32 s7, s2  }
0x1e: {  	s7 =	smul.u32 @!p0 $0xF7A, s2;
	p2 =	seq.s32 @!p0 s5, $0x0  }
0x1f: {  	s9 =	smul.u32 $0xF7A, s1;
	s8 =	simm.s32 @!p0 $0x1BF5;
	p2 =	por !p2, p0  }
0x20: {  	[sflag:s8] =	ssyncset.s32 @!p0 $0xFFFFF086;
	s6 =	sadd.s32 @!p0 s3, s7;
	s7 =	simm.s32 @!p0 $0x108  }
0x21: {  	s3 =	sadd.s32 s3, s9;
	s6 =	sadd.s32 @!p0 $0x88, s6;
	s7 =	simm.s32 @p2 $0x1082  }
0x22: {  	[simem:s7], [sflag:s8] =	dma.local @!p0 [hbm:s6], $0xF7A  }
0x23: {  	s9 =	sor.u32 $0xD0000000, s2;
	s6 =	simm.s32 $0x108;
	_ =	swait.ge @!p0 [sflag:s8], $0x0  }
0x24: {  	s3 =	sadd.s32 $0x88, s3;
	s6 =	simm.s32 @!p1 $0x1082;
	[sflag:s4] =	ssyncset.s32 $0xFFFFF086  }
0x25: {  	[simem:s6], [sflag:s4] =	dma.local [hbm:s3], $0xF7A  }
0x26: {  	[smem:$0x3F8E] =	sst s1;
	(tag) =	ssettag s2;
	_ =	strace s9  }
0x27: {  	s1 =	sld [smem:$0x3F9E]  }
0x28: {  	s2 =	sld [smem:$0x3F9F]  }
0x29: {  	s4 =	sld [smem:$0x3FA1]  }
0x2a: {  	p0 =	seq.s32 s5, $0x0;
	s5 =	sld [smem:$0x3FA2]  }
0x2b: {  	s6 =	sld [smem:$0x3FA3]  }
0x2c: {  	s7 =	sld [smem:$0x3FA4]  }
0x2d: {  	s3 =	simm.s32 $0x108;
	s8 =	sld [smem:$0x3FA5]  }
0x2e: {  	s3 =	simm.s32 @!p0 $0x1082;
	s9 =	sld [smem:$0x3FA6]  }
0x2f: {  	lr =	sadd.s32 s0, s3;
	s0 =	sld [smem:$0x3F9D]  }
0x30: {  	s3 =	sld [smem:$0x3FA0]  }
0x31: {  	[smem:$0x3FA9] =	sst s10  }
0x32: {  	s10 =	sld [smem:$0x3FA7];
	_ =	sdelay $0x3  }
0x33: {  	p0 =	seq.s32 s10, $0x1;
	s10 =	sld [smem:$0x3FA9];
	_ =	sdelay $0x3  }
0x34: {  	[smem:$0x3FA9] =	sst s10  }
0x35: {  	s10 =	sld [smem:$0x3FA8];
	_ =	sdelay $0x3  }
0x36: {  	p1 =	seq.s32 s10, $0x1;
	s10 =	sld [smem:$0x3FA9];
	_ =	sdelay $0x3  }
0x37: {  	[smem:$0x3FA9] =	sst s10  }
0x38: {  	s10 =	sld [smem:$0x3FAA]  }
0x39: {  	_ = 	snop;
	(pc) =	sbr.ind lr, $3  }
0x3a: {  	_ = 	snop  }
0x3b: {  	_ = 	snop  }
0x3c: {  	p2 =	seq.s32 s10, $0x1;
	s10 =	sld [smem:$0x3FA9]  }
0x3d: {  	_ =	shalt  }
0x3e: {  	_ =	shalt  }
0x3f: {  	_ =	shalt  }
0x40: {  	_ =	shalt  }
0x41: {  	_ =	shalt  }
0x42: {  	_ =	shalt  }
0x43: {  	_ =	shalt  }
0x44: {  	_ =	shalt  }
0x45: {  	_ =	shalt  }
0x46: {  	_ =	shalt  }
0x47: {  	_ =	shalt  }
0x48: {  	_ =	shalt  }
0x49: {  	_ =	shalt  }
0x4a: {  	_ =	shalt  }
0x4b: {  	_ =	shalt  }
0x4c: {  	_ =	shalt  }
0x4d: {  	_ =	shalt  }
0x4e: {  	_ =	shalt  }
0x4f: {  	_ =	shalt  }
0x50: {  	_ =	shalt  }
0x51: {  	_ =	shalt  }
0x52: {  	_ =	shalt  }
0x53: {  	_ =	shalt  }
0x54: {  	_ =	shalt  }
0x55: {  	_ =	shalt  }
0x56: {  	_ =	shalt  }
0x57: {  	_ =	shalt  }
0x58: {  	_ =	shalt  }
0x59: {  	_ =	shalt  }
0x5a: {  	_ =	shalt  }
0x5b: {  	_ =	shalt  }
0x5c: {  	_ =	shalt  }
0x5d: {  	_ =	shalt  }
0x5e: {  	_ =	shalt  }
0x5f: {  	_ =	shalt  }
0x60: {  	_ =	shalt  }
0x61: {  	_ =	shalt  }
0x62: {  	_ =	shalt  }
0x63: {  	_ =	shalt  }
0x64: {  	_ =	shalt  }
0x65: {  	_ =	shalt  }
0x66: {  	_ =	shalt  }
0x67: {  	_ =	shalt  }
0x68: {  	_ =	shalt  }
0x69: {  	_ =	shalt  }
0x6a: {  	_ =	shalt  }
0x6b: {  	_ =	shalt  }
0x6c: {  	_ =	shalt  }
0x6d: {  	_ =	shalt  }
0x6e: {  	_ =	shalt  }
0x6f: {  	_ =	shalt  }
0x70: {  	_ =	shalt  }
0x71: {  	_ =	shalt  }
0x72: {  	_ =	shalt  }
0x73: {  	_ =	shalt  }
0x74: {  	_ =	shalt  }
0x75: {  	_ =	shalt  }
0x76: {  	_ =	shalt  }
0x77: {  	_ =	shalt  }
0x78: {  	_ =	shalt  }
0x79: {  	_ =	shalt  }
0x7a: {  	_ =	shalt  }
0x7b: {  	_ =	shalt  }
0x7c: {  	_ =	shalt  }
0x7d: {  	_ =	shalt  }
0x7e: {  	_ =	shalt  }
0x7f: {  	_ =	shalt  }
0x80: {  	_ =	shalt  }
0x81: {  	_ =	shalt  }
0x82: {  	_ =	shalt  }
0x83: {  	_ =	shalt  }
0x84: {  	_ =	shalt  }
0x85: {  	_ =	shalt  }
0x86: {  	_ =	shalt  }
0x87: {  	_ =	shalt  }
.Lfunc_end0:
.L_simem_size_0:
called_computation_lowered:
.L_overlay_start_0:
0x88: {  	s2 =	sld [smem:$0x3FD9]  }
0x89: {  	s3 =	sld [smem:$0x3FFE];
	_ =	sdelay $0x1  }
0x8a: {  	s1 =	srdreg.scid  }
0x8b: {  	s0 =	sand.u32 $0x1, s1  }
0x8c: {  	s16 =	sshll.u32 s0, $0xA;
	s2 =	sadd.s32 s3, s2  }
0x8d: {  	s2 =	sadd.s32 s2, s16  }
0x8e: {  	[smem:$0x3FB5] =	sst s2  }
0x8f: {  	_ = 	snop  }
0x90: {  	(tm) =	ssettm $0x1  }
0x91: {  	s17 =	sld [smem:$0x3FFB];
	_ =	sdelay $0x3  }
0x92: {  	_ =	strace s17  }
0x93: {  	s2 =	sld [smem:$0x3FFC];
	_ =	sdelay $0x3  }
0x94: {  	_ =	strace s2  }
0x95: {  	s2 =	sld [smem:$0x3FFD];
	_ =	sdelay $0x3  }
0x96: {  	_ =	strace s2  }
0x97: {  	_ =	strace $0x8FFFFFFF  }
0x98: {  	s18 =	sld [smem:$0x3FDB];
	_ =	sdelay $0x1  }
0x99: {  	s19 =	simm.s32 $_scs_section_size  }
0x9a: {  	s4 =	simm.s32 $_size__tile_overlayer_lowered;
	s5 =	simm.s32 $_tile_overlayer_lowered  }
0x9b: {  	s22 =	simm.s32 $0x1BFF;
	s21 =	sshll.u32 s5, $0x1;
	s2 =	sadd.s32 s19, s18  }
0x9c: {  	s6 =	simm.s32 $0x0;
	s20 =	sshll.u32 s4, $0x1;
	s4 =	sadd.s32 s21, s2  }
0x9d: {  	[timem:s6], [sflag:s22] =	dma.local [hbm:s4], s20  }
0x9e: {  	_ =	swait.ge [sflag:s22], s20  }
0x9f: {  	s3 =	ssub.s32 $0x0, s20;
	[sflag:s22] =	ssyncset.done $0x0  }
0xa0: {  	[sflag:s22] =	ssyncadd.s32 s3;
	_ =	sdelay $0x1  }
0xa1: {  	s23 =	simm.s32 $0x1B8B  }
0xa2: {  	_ =	swait.ge [sflag:s23], $0x1  }
0xa3: {  	[sflag:s23] =	ssyncset.done $0x0  }
0xa4: {  	s25 =	simm.s32 $0x1B8E;
	s24 =	sld [smem:$0x3FFE];
	[sflag:s23] =	ssyncadd.s32 $0xFFFFFFFF  }
0xa5: {  	s26 =	simm.s32 $execute0_lowered;
	[smem:$0x3FD2] =	sst s25  }
0xa6: {  	s4 =	sshll.u32 s26, $0x1;
	_ =	strace $0x80000046;
	[dreg:$0x1] =	wrdreg $0xFFFFFFFF  }
0xa7: {  	s28 =	simm.s32 $_size_execute0_lowered;
	s2 =	sadd.s32 s2, s4;
	[dreg:$0x0] =	wrdreg $0x0  }
0xa8: {  	s4 =	sshll.u32 s28, $0x1;
	[dreg:$0x2] =	wrdreg s2  }
0xa9: {  	[dreg:$0x3] =	wrdreg s4  }
0xaa: {  	[dreg:$0x4] =	wrdreg $0xC0  }
0xab: {  	_ =	task [dreg:s6], $0x5FFFF  }
0xac: {  	[dreg:$0x1] =	wrdreg $0xFFFFFFFF  }
0xad: {  	[dreg:$0x0] =	wrdreg $0x60  }
0xae: {  	[dreg:$0x2] =	wrdreg s24  }
0xaf: {  	[dreg:$0x3] =	wrdreg $0x0  }
0xb0: {  	[dreg:$0x4] =	wrdreg $0x9  }
0xb1: {  	_ =	task.clear_ibuf [dreg:s6], $0x5FFFF;
	_ =	strace $0x90000046  }
0xb2: {  	s29 =	simm.s32 $0x9;
	_ =	strace $0x80000048  }
0xb3: {  	_ =	swait.ge [sflag:s29], $0x1  }
0xb4: {  	[sflag:s29] =	ssyncadd.s32 $0xFFFFFFFF  }
0xb5: {  	_ =	strace $0x90000048  }
0xb6: {  	_ =	sfence  }
0xb7: {  	s30 =	sld [smem:$0x0];
	_ =	sdelay $0x2  }
0xb8: {  	s31 =	sshll.u32 s1, $0xD;
	s1 =	sshrl.u32 s1, $0x2  }
0xb9: {  	s3 =	sand.u32 $0x4000, s31;
	s1 =	sadd.s32 s1, s30  }
0xba: {  	s0 =	sor.u32 s3, s0;
	s1 =	sshll.u32 s1, $0x11  }
0xbb: {  	s0 =	sor.u32 s1, s0  }
0xbc: {  	s0 =	sadd.s32 $0x8F2B, s0  }
0xbd: {  	[sflag:s0] =	ssyncadd.remote.s32 $0x1  }
0xbe: {  	_ =	sfence.sel $0xFFFF  }
0xbf: {  	[dreg:$0x0] =	wrdreg $0xFFFFFFFF;
	(pc) =	sbr.abs _section_cstart, $3  }
0xc0: {  	[dreg:$0x1] =	wrdreg $0xFFFFFFFF  }
0xc1: {  	_ =	task.clear_ibuf [dreg:s6], $0x2FFFF;
	_ =	strace $0x9FFFFFFF  }
0xc2: {  	(tm) =	ssettm $0x7FFFFFFF  }
0xc3: {  	_ =	shalt  }
tec
execute0_lowered:
.L_overlay_start_1:
0x0: {  	(tag) =	ssettag $0x1  }
0x1: {  	s0 =	srdreg.scid  }
0x2: {  	s10 =	stileid.u32;
	s5 =	rddreg [dreg:$0x0]  }
0x3: {  	s2 =	rddreg [dreg:$0x1];
	s3 =	simm.s32 $0x0;
	s29 =	simm.s32 $0x3  }
0x4: {  	s30 =	simm.s32 $0xE;
	s31 =	simm.s32 $0x4;
	s7 =	smul.u32 $0x14000, s10  }
0x5: {  	s28 =	simm.s32 $0x16780;
	s0 =	sand.u32 $0x1, s0;
	s9 =	smul.u32 $0x2710, s10  }
0x6: {  	s4 =	sshll.u32 s10, $0x7;
	[smem:$0x7FF] =	sst s3;
	s21 =	smul.u32 $0x50000, s10  }
0x7: {  	s11 =	sadd.s32 $0x4A00, s5;
	s1 =	sshll.u32 s0, $0x4;
	s6 =	smul.u32 $0x140000, s0  }
0x8: {  	s4 =	sand.u32 $0x380, s4;
	_ =	strace $0x80000047;
	s8 =	smul.u32 $0x27100, s0  }
0x9: {  	s0 =	ssub.s32 $0x2, s0;
	[dreg:$0x3] =	wrdreg s11;
	s1 =	sor.u32 s10, s1  }
0xa: {  	s15 =	sshrl.u32 s0, $0x1;
	s25 =	sshrl.u32 s21, $0x2;
	s1 =	sshrl.u32 s1, $0x3  }
0xb: {  	s6 =	sadd.s32 s7, s6;
	s8 =	sadd.s32 s9, s8;
	s0 =	ssub.s32 s0, s15  }
0xc: {  	s14 =	sadd.s32 s25, s2;
	s1 =	smul.u32 $0x13C00, s1;
	s6 =	sshrl.u32 s6, $0x3  }
0xd: {  	s16 =	sadd.s32 $0x28, s8;
	s18 =	sshrl.u32 s8, $0x3;
	s20 =	sadd.s32 $0x78, s8  }
0xe: {  	s0 =	smax.u32 s0, $0x1;
	s26 =	sadd.s32 $0x1400, s14;
	[dreg:$0xb] =	wrdreg s14  }
0xf: {  	s7 =	sadd.s32 $0x6400, s14;
	s9 =	sadd.s32 $0x7800, s14;
	[dreg:$0xc] =	wrdreg s0  }
0x10: {  	s10 =	sadd.s32 $0x118, s8;
	s12 =	sadd.s32 $0x140, s8;
	[dreg:$0xd] =	wrdreg s26  }
0x11: {  	s13 =	sadd.s32 $0xF0, s8;
	s21 =	sadd.s32 $0xC800, s14;
	[dreg:$0x11] =	wrdreg s7  }
0x12: {  	s25 =	sadd.s32 $0x11800, s14;
	s17 =	sshrl.u32 s16, $0x3;
	[dreg:$0x12] =	wrdreg s9  }
0x13: {  	s19 =	sadd.s32 s11, s18;
	s23 =	sshrl.u32 s20, $0x3;
	[dreg:$0x1b] =	wrdreg s21  }
0x14: {  	s18 =	sadd.s32 $0x8C00, s14;
	s20 =	sadd.s32 $0xB400, s14;
	[dreg:$0x1f] =	wrdreg s25  }
0x15: {  	s26 =	sadd.s32 $0x12C00, s14;
	s7 =	simm.s32 $0x19200;
	[dreg:$0x5] =	wrdreg s19  }
0x16: {  	s21 =	simm.s32 $0x6;
	s9 =	simm.s32 $0x7;
	[dreg:$0x18] =	wrdreg s18  }
0x17: {  	s1 =	sor.u32 s4, s1;
	s4 =	sadd.s32 $0x18600, s5;
	[dreg:$0x1a] =	wrdreg s20  }
0x18: {  	s22 =	sadd.s32 $0xA, s19;
	s24 =	sadd.s32 $0x14, s19;
	[smem:$0x7FD] =	sst s26  }
0x19: {  	s19 =	sadd.s32 $0xA000, s14;
	s18 =	simm.s32 $0x16880;
	[dreg:$0x7] =	wrdreg s22  }
0x1a: {  	s20 =	simm.s32 $0x1A600;
	s26 =	simm.s32 $0x1BA00;
	[dreg:$0x9] =	wrdreg s24  }
0x1b: {  	s1 =	sshrl.u32 s1, $0x3;
	[dreg:$0x19] =	wrdreg s19;
	s22 =	sadd.s32 $0xDC00, s14  }
0x1c: {  	s24 =	sadd.s32 $0x10400, s14;
	s19 =	simm.s32 $0x17E00;
	s1 =	sadd.s32 s1, s5  }
0x1d: {  	s5 =	sadd.s32 s6, s5;
	s6 =	sadd.s32 $0x5000, s14;
	[dreg:$0x1c] =	wrdreg s22  }
0x1e: {  	[dreg:$0x1e] =	wrdreg s24;
	s22 =	simm.s32 $0x16900;
	s24 =	simm.s32 $0x16A00  }
0x1f: {  	s1 =	sadd.s32 $0xE800, s1;
	s5 =	sadd.s32 $0x40600, s5;
	[dreg:$0x10] =	wrdreg s6  }
0x20: {  	s6 =	simm.s32 $0x8;
	[dreg:$0x4] =	wrdreg s1;
	s1 =	sadd.s32 s11, s17  }
0x21: {  	[dreg:$0xa] =	wrdreg s5;
	s5 =	sadd.s32 $0x168, s8;
	s17 =	sadd.s32 $0xC8, s8  }
0x22: {  	s8 =	simm.s32 $0x9;
	[dreg:$0x6] =	wrdreg s1;
	s1 =	sadd.s32 s11, s23  }
0x23: {  	s0 =	sshrl.u32 s5, $0x3;
	s5 =	sshrl.u32 s13, $0x3;
	[dreg:$0x17] =	wrdreg s17  }
0x24: {  	s23 =	sadd.s32 $0xF000, s14;
	s17 =	simm.s32 $0x16800;
	[dreg:$0x8] =	wrdreg s1  }
0x25: {  	s13 =	simm.s32 $0xA;
	s1 =	sadd.s32 $0x2800, s14;
	[dreg:$0x1d] =	wrdreg s23  }
0x26: {  	s0 =	sadd.s32 s0, s11;
	s16 =	sadd.s32 s5, s11;
	[dreg:$0xe] =	wrdreg s1  }
0x27: {  	s23 =	simm.s32 $0x16980;
	s1 =	sadd.s32 $0x3C00, s14;
	[dreg:$0x13] =	wrdreg s0  }
.Ltmp0:
0x28: {  	s0 =	sshrl.u32 s10, $0x3;
	[dreg:$0x16] =	wrdreg s16;
	(pc) =	sbr.rel .LBB2_1-.Ltmp0, $4  }
0x29: {  	s16 =	simm.s32 $0x10;
	s10 =	simm.s32 $0x0;
	[dreg:$0xf] =	wrdreg s1  }
0x2a: {  	s1 =	sshrl.u32 s12, $0x3;
	s0 =	sadd.s32 s0, s11;
	s12 =	simm.s32 $0x28  }
0x2b: {  	[dreg:$0x14] =	wrdreg s0;
	s15 =	sadd.s32 s1, s11;
	s1 =	simm.s32 $0xF  }
0x2c: {  	v0 =	vimm.f32 $0.0e+00;
	s0 =	simm.s32 $0x5;
	[dreg:$0x15] =	wrdreg s15;
	s15 =	simm.s32 $0x14000  }
.LBB2_6:
0x2d: {  	_ =	swait.ge [sflag:s9], $0x1400  }
0x2e: {  	[sflag:s9] =	ssyncset.done $0x0  }
0x2f: {  	[sflag:s9] =	ssyncadd.s32 $0xFFFFEC00  }
0x30: {  	_ =	swait.ge [sflag:s6], $0x1400  }
0x31: {  	[sflag:s6] =	ssyncset.done $0x0  }
0x32: {  	[sflag:s6] =	ssyncadd.s32 $0xFFFFEC00  }
0x33: {  	_ =	swait.ge [sflag:s8], $0x1400  }
0x34: {  	[sflag:s8] =	ssyncset.done $0x0  }
0x35: {  	[sflag:s8] =	ssyncadd.s32 $0xFFFFEC00  }
0x36: {  	_ =	swait.ge [sflag:s13], $0x1400  }
0x37: {  	[sflag:s13] =	ssyncset.done $0x0  }
0x38: {  	[sflag:s13] =	ssyncadd.s32 $0xFFFFEC00  }
0x39: {  	s5 =	stileid.u32;
	[bflag:$0x0] =	sbarrier.arrive $0xFFFF  }
0x3a: {  	s16 =	simm.s32 $0x10;
	s5 =	sshll.u32 s5, $0x6;
	s14 =	rddreg [dreg:$0xb]  }
0x3b: {  	s5 =	sor.u32 $0x1C10, s5;
	s11 =	rddreg [dreg:$0xa];
	s10 =	sshrl.u32 s14, $0x3  }
0x3c: {  	[hbm:s11], [sflag:s5] =	dma.local [spmem:s10], $0x2800  }
0x3d: {  	_ =	swait.ge [sflag:s16], $0x2800  }
0x3e: {  	s15 =	sld [smem:$0x7FC];
	_ =	sdelay $0x2  }
0x3f: {  	s25 =	rddreg [dreg:$0xc];
	s10 =	sadd.s32 $0x1, s15  }
0x40: {  	p0 =	sne.s32 s10, s25  }
.Ltmp1:
0x41: {  	_ = 	snop;
	(pc) =	sbr.rel @!p0 .LBB2_7-.Ltmp1, $4  }
0x42: {  	_ = 	snop  }
0x43: {  	s26 =	simm.s32 $0x1BA00  }
0x44: {  	s23 =	simm.s32 $0x16980;
	s20 =	simm.s32 $0x1A600;
	[sflag:s16] =	ssyncset.done $0x0  }
0x45: {  	s22 =	simm.s32 $0x16900;
	[sflag:s16] =	ssyncadd.s32 $0xFFFFD800;
	s15 =	simm.s32 $0x14000  }
.LBB2_1:
0x46: {  	[smem:$0x7FC] =	sst s10  }
0x47: {  	s5 =	rddreg [dreg:$0x4];
	s25 =	simm.s32 $0x80;
	s11 =	simm.s32 $0x400  }
0x48: {  	[tilespmem:s15], [sflag:$0x10] =	stream.strided.gather [hbm4b:s5+s25], $0x2780, s11, s25, $0x38;
	[tilespmem:$0x1CE00] =	vst v63  }
0x49: {  	_ =	swait.ge [sflag:s16], $0x2780  }
0x4a: {  	[sflag:s16] =	ssyncset.done $0x0  }
0x4b: {  	s11 =	rddreg [dreg:$0x6];
	[sflag:s16] =	ssyncadd.s32 $0xFFFFD880  }
0x4c: {  	[tilespmem:s17], [sflag:$0xC] =	stream.linear.gather [hbm4b:s11+s3], $0x28, $0x38;
	[tilespmem:$0x1CE00] =	vst v63  }
0x4d: {  	s16 =	simm.s32 $0x14028  }
0x4e: {  	[tilespmem:s19], [sflag:$0x2] =	stream.indirect.gather [hbm4b:s4+s12], $0x80, s16, s12, $0xb8;
	[tilespmem:$0x1CE00] =	vst v63  }
0x4f: {  	s25 =	rddreg [dreg:$0x7]  }
0x50: {  	[tilespmem:s18], [sflag:$0xD] =	stream.linear.gather [hbm4b:s25+s3], $0x28, $0x38;
	[tilespmem:$0x1CE00] =	vst v63  }
0x51: {  	s10 =	simm.s32 $0x14050  }
0x52: {  	[tilespmem:s7], [sflag:$0x3] =	stream.indirect.gather [hbm4b:s4+s12], $0x80, s10, s12, $0xb8;
	[tilespmem:$0x1CE00] =	vst v63  }
0x53: {  	s11 =	rddreg [dreg:$0x8]  }
0x54: {  	[tilespmem:s22], [sflag:$0xE] =	stream.linear.gather [hbm4b:s11+s3], $0x28, $0x38;
	[tilespmem:$0x1CE00] =	vst v63  }
0x55: {  	s16 =	simm.s32 $0x14078  }
0x56: {  	[tilespmem:s20], [sflag:$0x4] =	stream.indirect.gather [hbm4b:s4+s12], $0x80, s16, s12, $0xb8;
	[tilespmem:$0x1CE00] =	vst v63  }
0x57: {  	s22 =	rddreg [dreg:$0x9]  }
0x58: {  	[tilespmem:s23], [sflag:$0xF] =	stream.linear.gather [hbm4b:s22+s3], $0x28, $0x38;
	[tilespmem:$0x1CE00] =	vst v63  }
0x59: {  	s5 =	simm.s32 $0x0;
	s25 =	simm.s32 $0x140A0;
	s10 =	simm.s32 $0x200  }
0x5a: {  	[tilespmem:s26], [sflag:$0x5] =	stream.indirect.gather [hbm4b:s4+s12], $0x80, s25, s12, $0xb8;
	[tilespmem:$0x1CE00] =	vst v63  }
.LBB2_2:
0x5b: {  	p0 =	sne.s32 s10, $0x4E00;
	[tilespmem:s5+$0x16A70] =	vst v0  }
0x5c: {  	[tilespmem:s5+$0x16A00] =	vst v0  }
0x5d: {  	[tilespmem:s5+$0x16A10] =	vst v0  }
.Ltmp2:
0x5e: {  	[tilespmem:s5+$0x16A20] =	vst v0;
	(pc) =	sbr.rel @p0 .LBB2_2-.Ltmp2, $4  }
0x5f: {  	[tilespmem:s5+$0x16A30] =	vst v0  }
0x60: {  	[tilespmem:s5+$0x16A40] =	vst v0  }
0x61: {  	[tilespmem:s5+$0x16A50] =	vst v0  }
0x62: {  	[tilespmem:s5+$0x16A60] =	vst v0;
	s5 =	sshra.s32 s10, $0x2;
	s10 =	sadd.s32 $0x200, s10  }
0x63: {  	[tilespmem:s5+$0x16A70] =	vst v0  }
0x64: {  	[tilespmem:s5+$0x16A00] =	vst v0  }
0x65: {  	[tilespmem:s5+$0x16A10] =	vst v0  }
0x66: {  	[tilespmem:s5+$0x16A20] =	vst v0  }
0x67: {  	[tilespmem:s5+$0x16A30] =	vst v0  }
0x68: {  	[tilespmem:s5+$0x16A40] =	vst v0  }
0x69: {  	[tilespmem:s5+$0x16A50] =	vst v0  }
0x6a: {  	[tilespmem:s5+$0x16A60] =	vst v0;
	s16 =	rddreg [dreg:$0xe]  }
0x6b: {  	[spmem:s14] =	stream.linear.scatter [tilespmem:s24], [sflag:$0x6], $0x1400, $0x38;
	[tilespmem:$0x1CE00] =	vst v63  }
0x6c: {  	s14 =	rddreg [dreg:$0xd]  }
0x6d: {  	[spmem:s14] =	stream.linear.scatter [tilespmem:s24], [sflag:$0x6], $0x1400, $0x38;
	[tilespmem:$0x1CE00] =	vst v63  }
0x6e: {  	s20 =	rddreg [dreg:$0xf]  }
0x6f: {  	[spmem:s16] =	stream.linear.scatter [tilespmem:s24], [sflag:$0x6], $0x1400, $0x38;
	[tilespmem:$0x1CE00] =	vst v63  }
0x70: {  	s22 =	rddreg [dreg:$0x10]  }
0x71: {  	[spmem:s20] =	stream.linear.scatter [tilespmem:s24], [sflag:$0x6], $0x1400, $0x38;
	[tilespmem:$0x1CE00] =	vst v63  }
0x72: {  	s23 =	rddreg [dreg:$0x11]  }
0x73: {  	[spmem:s22] =	stream.linear.scatter [tilespmem:s24], [sflag:$0x6], $0x1400, $0x38;
	[tilespmem:$0x1CE00] =	vst v63  }
0x74: {  	s25 =	rddreg [dreg:$0x12]  }
0x75: {  	[spmem:s23] =	stream.linear.scatter [tilespmem:s24], [sflag:$0x6], $0x1400, $0x38;
	[tilespmem:$0x1CE00] =	vst v63  }
0x76: {  	s26 =	rddreg [dreg:$0x18]  }
0x77: {  	[spmem:s25] =	stream.linear.scatter [tilespmem:s24], [sflag:$0x6], $0x1400, $0x38;
	[tilespmem:$0x1CE00] =	vst v63  }
0x78: {  	s10 =	rddreg [dreg:$0x19]  }
0x79: {  	[spmem:s26] =	stream.linear.scatter [tilespmem:s24], [sflag:$0x6], $0x1400, $0x38;
	[tilespmem:$0x1CE00] =	vst v63  }
0x7a: {  	s11 =	rddreg [dreg:$0x1a]  }
0x7b: {  	[spmem:s10] =	stream.linear.scatter [tilespmem:s24], [sflag:$0x6], $0x1400, $0x38;
	[tilespmem:$0x1CE00] =	vst v63  }
0x7c: {  	s14 =	rddreg [dreg:$0x1b]  }
0x7d: {  	[spmem:s11] =	stream.linear.scatter [tilespmem:s24], [sflag:$0x6], $0x1400, $0x38;
	[tilespmem:$0x1CE00] =	vst v63  }
0x7e: {  	s16 =	rddreg [dreg:$0x1c]  }
0x7f: {  	[spmem:s14] =	stream.linear.scatter [tilespmem:s24], [sflag:$0x6], $0x1400, $0x38;
	[tilespmem:$0x1CE00] =	vst v63  }
0x80: {  	s20 =	rddreg [dreg:$0x1d]  }
0x81: {  	[spmem:s16] =	stream.linear.scatter [tilespmem:s24], [sflag:$0x6], $0x1400, $0x38;
	[tilespmem:$0x1CE00] =	vst v63  }
0x82: {  	s22 =	rddreg [dreg:$0x1e]  }
0x83: {  	[spmem:s20] =	stream.linear.scatter [tilespmem:s24], [sflag:$0x6], $0x1400, $0x38;
	[tilespmem:$0x1CE00] =	vst v63  }
0x84: {  	s23 =	rddreg [dreg:$0x1f]  }
0x85: {  	[spmem:s22] =	stream.linear.scatter [tilespmem:s24], [sflag:$0x6], $0x1400, $0x38;
	[tilespmem:$0x1CE00] =	vst v63  }
0x86: {  	s25 =	sld [smem:$0x7FD]  }
0x87: {  	[spmem:s23] =	stream.linear.scatter [tilespmem:s24], [sflag:$0x6], $0x1400, $0x38;
	[tilespmem:$0x1CE00] =	vst v63  }
0x88: {  	_ = 	snop  }
0x89: {  	[spmem:s25] =	stream.linear.scatter [tilespmem:s24], [sflag:$0x6], $0x1400, $0x38;
	[tilespmem:$0x1CE00] =	vst v63  }
0x8a: {  	_ =	swait.ge [sflag:s21], $0x1400  }
0x8b: {  	[sflag:s21] =	ssyncset.done $0x0  }
0x8c: {  	[sflag:s21] =	ssyncadd.s32 $0xFFFFEC00  }
0x8d: {  	_ =	swait.ge [sflag:s21], $0x1400  }
0x8e: {  	[sflag:s21] =	ssyncset.done $0x0  }
0x8f: {  	[sflag:s21] =	ssyncadd.s32 $0xFFFFEC00  }
0x90: {  	_ =	swait.ge [sflag:s21], $0x1400  }
0x91: {  	[sflag:s21] =	ssyncset.done $0x0  }
0x92: {  	[sflag:s21] =	ssyncadd.s32 $0xFFFFEC00  }
0x93: {  	_ =	swait.ge [sflag:s21], $0x1400  }
0x94: {  	[sflag:s21] =	ssyncset.done $0x0  }
0x95: {  	[sflag:s21] =	ssyncadd.s32 $0xFFFFEC00  }
0x96: {  	_ =	swait.ge [sflag:s21], $0x1400  }
0x97: {  	[sflag:s21] =	ssyncset.done $0x0  }
0x98: {  	[sflag:s21] =	ssyncadd.s32 $0xFFFFEC00  }
0x99: {  	_ =	swait.ge [sflag:s21], $0x1400  }
0x9a: {  	[sflag:s21] =	ssyncset.done $0x0  }
0x9b: {  	[sflag:s21] =	ssyncadd.s32 $0xFFFFEC00  }
0x9c: {  	_ =	swait.ge [sflag:s21], $0x1400  }
0x9d: {  	[sflag:s21] =	ssyncset.done $0x0  }
0x9e: {  	[sflag:s21] =	ssyncadd.s32 $0xFFFFEC00  }
0x9f: {  	_ =	swait.ge [sflag:s21], $0x1400  }
0xa0: {  	[sflag:s21] =	ssyncset.done $0x0  }
0xa1: {  	[sflag:s21] =	ssyncadd.s32 $0xFFFFEC00  }
0xa2: {  	_ =	swait.ge [sflag:s21], $0x1400  }
0xa3: {  	[sflag:s21] =	ssyncset.done $0x0  }
0xa4: {  	[sflag:s21] =	ssyncadd.s32 $0xFFFFEC00  }
0xa5: {  	_ =	swait.ge [sflag:s21], $0x1400  }
0xa6: {  	[sflag:s21] =	ssyncset.done $0x0  }
0xa7: {  	[sflag:s21] =	ssyncadd.s32 $0xFFFFEC00  }
0xa8: {  	_ =	swait.ge [sflag:s21], $0x1400  }
0xa9: {  	[sflag:s21] =	ssyncset.done $0x0  }
0xaa: {  	[sflag:s21] =	ssyncadd.s32 $0xFFFFEC00  }
0xab: {  	_ =	swait.ge [sflag:s21], $0x1400  }
0xac: {  	[sflag:s21] =	ssyncset.done $0x0  }
0xad: {  	[sflag:s21] =	ssyncadd.s32 $0xFFFFEC00  }
0xae: {  	_ =	swait.ge [sflag:s21], $0x1400  }
0xaf: {  	[sflag:s21] =	ssyncset.done $0x0  }
0xb0: {  	[sflag:s21] =	ssyncadd.s32 $0xFFFFEC00  }
0xb1: {  	_ =	swait.ge [sflag:s21], $0x1400  }
0xb2: {  	[sflag:s21] =	ssyncset.done $0x0  }
0xb3: {  	[sflag:s21] =	ssyncadd.s32 $0xFFFFEC00  }
0xb4: {  	_ =	swait.ge [sflag:s21], $0x1400  }
0xb5: {  	[sflag:s21] =	ssyncset.done $0x0  }
0xb6: {  	[sflag:s21] =	ssyncadd.s32 $0xFFFFEC00  }
0xb7: {  	_ =	swait.ge [sflag:s21], $0x1400  }
0xb8: {  	[sflag:s21] =	ssyncset.done $0x0  }
0xb9: {  	s10 =	simm.s32 $0x0;
	s26 =	rddreg [dreg:$0x5];
	[sflag:s21] =	ssyncadd.s32 $0xFFFFEC00  }
0xba: {  	[tilespmem:s28], [sflag:$0xB] =	stream.linear.gather [hbm4b:s26+s10], $0x28, $0x38;
	[tilespmem:$0x1CE00] =	vst v63  }
0xbb: {  	_ = 	snop  }
0xbc: {  	[tilespmem:s24], [sflag:$0x1] =	stream.indirect.gather [hbm4b:s4+s12], $0x80, s15, s12, $0xb8;
	[tilespmem:$0x1CE00] =	vst v63  }
0xbd: {  	[bflag:$0x0] =	sbarrier.arrive $0xFFFF  }
0xbe: {  	s5 =	rddreg [dreg:$0x17]  }
0xbf: {  	s11 =	rddreg [dreg:$0x16]  }
0xc0: {  	s14 =	rddreg [dreg:$0x15]  }
0xc1: {  	s20 =	simm.s32 $0x1A600;
	s22 =	simm.s32 $0x16900;
	s15 =	rddreg [dreg:$0x14]  }
0xc2: {  	s23 =	simm.s32 $0x16980;
	s26 =	simm.s32 $0x1BA00;
	s16 =	rddreg [dreg:$0x13]  }
.LBB2_4:
0xc3: {  	s25 =	simm.s32 $0xB  }
0xc4: {  	_ =	swait.ge [sflag:s25], $0x28  }
0xc5: {  	[sflag:s25] =	ssyncset.done $0x0  }
0xc6: {  	[sflag:s25] =	ssyncadd.s32 $0xFFFFFFD8;
	s25 =	simm.s32 $0x1  }
0xc7: {  	_ =	swait.ge [sflag:s25], $0x1400  }
0xc8: {  	[sflag:s25] =	ssyncset.done $0x0  }
0xc9: {  	[sflag:s25] =	ssyncadd.s32 $0xFFFFEC00;
	s25 =	simm.s32 $0xC  }
0xca: {  	[spmem:s2] =	stream.indirect.scatter.add.f32 [tilespmem:s24], [sflag:$0x6], $0x80, s28, s12, $0xb8;
	[tilespmem:$0x1CE00] =	vst v63  }
0xcb: {  	_ =	swait.ge [sflag:s25], $0x28  }
0xcc: {  	[sflag:s25] =	ssyncset.done $0x0  }
0xcd: {  	[sflag:s25] =	ssyncadd.s32 $0xFFFFFFD8;
	s25 =	simm.s32 $0x2  }
0xce: {  	_ =	swait.ge [sflag:s25], $0x1400  }
0xcf: {  	[sflag:s25] =	ssyncset.done $0x0  }
0xd0: {  	[sflag:s25] =	ssyncadd.s32 $0xFFFFEC00;
	s25 =	simm.s32 $0xD  }
0xd1: {  	[spmem:s2] =	stream.indirect.scatter.add.f32 [tilespmem:s19], [sflag:$0x7], $0x80, s17, s12, $0xb8;
	[tilespmem:$0x1CE00] =	vst v63  }
0xd2: {  	_ =	swait.ge [sflag:s25], $0x28  }
0xd3: {  	[sflag:s25] =	ssyncset.done $0x0  }
0xd4: {  	[sflag:s25] =	ssyncadd.s32 $0xFFFFFFD8  }
0xd5: {  	_ =	swait.ge [sflag:s29], $0x1400  }
0xd6: {  	[sflag:s29] =	ssyncset.done $0x0  }
0xd7: {  	[sflag:s29] =	ssyncadd.s32 $0xFFFFEC00  }
0xd8: {  	[spmem:s2] =	stream.indirect.scatter.add.f32 [tilespmem:s7], [sflag:$0x8], $0x80, s18, s12, $0xb8;
	[tilespmem:$0x1CE00] =	vst v63  }
0xd9: {  	_ =	swait.ge [sflag:s30], $0x28  }
0xda: {  	[sflag:s30] =	ssyncset.done $0x0  }
0xdb: {  	[sflag:s30] =	ssyncadd.s32 $0xFFFFFFD8  }
0xdc: {  	_ =	swait.ge [sflag:s31], $0x1400  }
0xdd: {  	[sflag:s31] =	ssyncset.done $0x0  }
0xde: {  	[sflag:s31] =	ssyncadd.s32 $0xFFFFEC00  }
0xdf: {  	[spmem:s2] =	stream.indirect.scatter.add.f32 [tilespmem:s20], [sflag:$0x9], $0x80, s22, s12, $0xb8;
	[tilespmem:$0x1CE00] =	vst v63  }
0xe0: {  	_ =	swait.ge [sflag:s1], $0x28  }
0xe1: {  	[sflag:s1] =	ssyncset.done $0x0  }
0xe2: {  	[sflag:s1] =	ssyncadd.s32 $0xFFFFFFD8  }
0xe3: {  	_ =	swait.ge [sflag:s0], $0x1400  }
0xe4: {  	p0 =	seq.s32 s10, $0x9920;
	[sflag:s0] =	ssyncset.done $0x0  }
.Ltmp3:
0xe5: {  	[sflag:s0] =	ssyncadd.s32 $0xFFFFEC00;
	(pc) =	sbr.rel @p0 .LBB2_6-.Ltmp3, $4  }
0xe6: {  	[spmem:s2] =	stream.indirect.scatter.add.f32 [tilespmem:s26], [sflag:$0xA], $0x80, s23, s12, $0xb8;
	[tilespmem:$0x1CE00] =	vst v63  }
0xe7: {  	_ =	swait.ge [sflag:s21], $0x1400  }
0xe8: {  	[sflag:s21] =	ssyncset.done $0x0  }
0xe9: {  	[sflag:s21] =	ssyncadd.s32 $0xFFFFEC00  }
0xea: {  	s17 =	sshrl.u32 s5, $0x3;
	s18 =	rddreg [dreg:$0x3]  }
0xeb: {  	s17 =	sadd.s32 s18, s17  }
0xec: {  	[tilespmem:s28], [sflag:$0xB] =	stream.linear.gather [hbm4b:s17+s3], $0x28, $0x38;
	[tilespmem:$0x1CE00] =	vst v63  }
0xed: {  	s17 =	sshra.s32 s10, $0x2  }
0xee: {  	s25 =	sadd.s32 $0x140C8, s17  }
0xef: {  	[tilespmem:s24], [sflag:$0x1] =	stream.indirect.gather [hbm4b:s4+s12], $0x80, s25, s12, $0xb8;
	[tilespmem:$0x1CE00] =	vst v63  }
0xf0: {  	_ =	swait.ge [sflag:s9], $0x1400  }
0xf1: {  	[sflag:s9] =	ssyncset.done $0x0  }
0xf2: {  	s19 =	simm.s32 $0x16800;
	[sflag:s9] =	ssyncadd.s32 $0xFFFFEC00  }
0xf3: {  	[tilespmem:s19], [sflag:$0xC] =	stream.linear.gather [hbm4b:s11+s3], $0x28, $0x38;
	[tilespmem:$0x1CE00] =	vst v63  }
0xf4: {  	s25 =	sadd.s32 $0x140F0, s17;
	s19 =	simm.s32 $0x17E00  }
0xf5: {  	[tilespmem:s19], [sflag:$0x2] =	stream.indirect.gather [hbm4b:s4+s12], $0x80, s25, s12, $0xb8;
	[tilespmem:$0x1CE00] =	vst v63  }
0xf6: {  	_ =	swait.ge [sflag:s6], $0x1400  }
0xf7: {  	[sflag:s6] =	ssyncset.done $0x0  }
0xf8: {  	s7 =	simm.s32 $0x16880;
	[sflag:s6] =	ssyncadd.s32 $0xFFFFEC00  }
0xf9: {  	[tilespmem:s7], [sflag:$0xD] =	stream.linear.gather [hbm4b:s15+s3], $0x28, $0x38;
	[tilespmem:$0x1CE00] =	vst v63  }
0xfa: {  	s25 =	sadd.s32 $0x14118, s17;
	s7 =	simm.s32 $0x19200  }
0xfb: {  	[tilespmem:s7], [sflag:$0x3] =	stream.indirect.gather [hbm4b:s4+s12], $0x80, s25, s12, $0xb8;
	[tilespmem:$0x1CE00] =	vst v63  }
0xfc: {  	_ =	swait.ge [sflag:s8], $0x1400  }
0xfd: {  	[sflag:s8] =	ssyncset.done $0x0  }
0xfe: {  	[sflag:s8] =	ssyncadd.s32 $0xFFFFEC00  }
0xff: {  	[tilespmem:s22], [sflag:$0xE] =	stream.linear.gather [hbm4b:s14+s3], $0x28, $0x38;
	[tilespmem:$0x1CE00] =	vst v63  }
0x100: {  	s25 =	sadd.s32 $0x14140, s17  }
0x101: {  	[tilespmem:s20], [sflag:$0x4] =	stream.indirect.gather [hbm4b:s4+s12], $0x80, s25, s12, $0xb8;
	[tilespmem:$0x1CE00] =	vst v63  }
0x102: {  	_ =	swait.ge [sflag:s13], $0x1400  }
0x103: {  	s5 =	sadd.s32 $0xC8, s5;
	s18 =	simm.s32 $0x16880;
	[sflag:s13] =	ssyncset.done $0x0  }
.Ltmp4:
0x104: {  	s10 =	sadd.s32 $0x320, s10;
	[sflag:s13] =	ssyncadd.s32 $0xFFFFEC00;
	(pc) =	sbr.rel .LBB2_4-.Ltmp4, $4  }
0x105: {  	[tilespmem:s23], [sflag:$0xF] =	stream.linear.gather [hbm4b:s16+s3], $0x28, $0x38;
	[tilespmem:$0x1CE00] =	vst v63  }
0x106: {  	s11 =	sadd.s32 $0x19, s11;
	s15 =	sadd.s32 $0x19, s15;
	s17 =	sadd.s32 $0x14168, s17  }
0x107: {  	[tilespmem:s26], [sflag:$0x5] =	stream.indirect.gather [hbm4b:s4+s12], $0x80, s17, s12, $0xb8;
	[tilespmem:$0x1CE00] =	vst v63  }
0x108: {  	s14 =	sadd.s32 $0x19, s14;
	s16 =	sadd.s32 $0x19, s16;
	s17 =	simm.s32 $0x16800  }
.LBB2_7:
0x109: {  	_ =	sfence.sel $0x180000  }
0x10a: {  	[bflag:$0x0] =	sbarrier.arrive $0xFFFF  }
0x10b: {  	_ =	strace $0x90000047  }
0x10c: {  	s0 =	stileid.u32;
	[bflag:$0x2] =	sbarrier.arrive $0xFFFF  }
0x10d: {  	p0 =	sne.s32 s0, $0x0;
	s0 =	rddreg [dreg:$0x2]  }
0x10e: {  	s0 =	sadd.s32 @!p0 $0x100000, s0  }
0x10f: {  	[sflag:s0] =	ssyncadd.tile.s32 @!p0 $0x1;
	_ =	shalt  }
.Lfunc_end2:
_tile_overlayer_lowered:
.L_overlay_start_2:
0x110: {  	(tag) =	ssettag $0x2  }
0x111: {  	s0 =	rddreg [dreg:$0x0];
	s2 =	stileid.u32  }
0x112: {  	s1 =	rddreg [dreg:$0x1];
	p0 =	sne.s32 s2, $0x0  }
0x113: {  	s3 =	rddreg [dreg:$0x2];
	[bflag:$0x3] =	sbarrier.arrive $0xFFFF;
	s2 =	simm.s32 @!p0 $0x1C10  }
0x114: {  	[timem:s3], [sflag:s2] =	dma.local @!p0 [hbm:s0], s1  }
0x115: {  	s0 =	simm.s32 @!p0 $0x10  }
0x116: {  	_ =	swait.ge @!p0 [sflag:s0], s1  }
0x117: {  	s1 =	ssub.s32 @!p0 $0x0, s1;
	[sflag:s0] =	ssyncset.done @!p0 $0x0  }
0x118: {  	[sflag:s0] =	ssyncadd.s32 @!p0 s1  }
0x119: {  	[bflag:$0x3] =	sbarrier.arrive $0xFFFF  }
0x11a: {  	_ =	shalt  }

</sc_bundles>
